<compile_context>
chip_gen: v7x
topology: tpu7x:2x2x1
jax: 0.10.2.dev20260603
libtpu: 0.0.44.dev20260713+nightly
codegen_flags: <defaults>
</compile_context>

<pallas_src>
import functools
import jax
import jax.numpy as jnp
from jax import lax
from jax.experimental import pallas as pl
from jax.experimental.pallas import tpu as pltpu, tpu_sc as plsc

N_NODES = 10000
N_EDGES = 320000
D = 128

NC = 2
NS = 16
NW = NC * NS

NP = 10240
EP = NW * NP
DCH = 128
DCHUNKS = EP // NW // DCH
CHUNK = 64
CHUNKS_PER_TILE = EP // NW // CHUNK
ROWS_PER_TILE = NP // NS

_mesh = plsc.VectorSubcoreMesh(core_axis_name="c", subcore_axis_name="s")



def _deg_body(src_hbm, zeros_hbm, cnt_hbm, idx_all, ones_v, acc_sh, sem):
    cid = lax.axis_index("c")
    sid = lax.axis_index("s")
    wid = cid * NS + sid
    pltpu.sync_copy(zeros_hbm, acc_sh.at[pl.ds(sid * ROWS_PER_TILE, ROWS_PER_TILE)])
    for i in range(DCH // 16):
        ones_v[pl.ds(i * 16, 16)] = jnp.full((16,), 1.0, jnp.float32)
    pltpu.sync_copy(src_hbm.at[wid], idx_all)
    plsc.subcore_barrier()

    def step(c, carry):
        pltpu.sync_copy(ones_v, acc_sh.at[idx_all.at[c]], add=True)
        return carry

    lax.fori_loop(0, DCHUNKS, step, 0)
    plsc.subcore_barrier()
    pltpu.sync_copy(acc_sh.at[pl.ds(sid * ROWS_PER_TILE, ROWS_PER_TILE)],
                    cnt_hbm.at[cid, pl.ds(sid * ROWS_PER_TILE, ROWS_PER_TILE)])


_deg_kernel = functools.partial(
    pl.kernel,
    out_type=jax.ShapeDtypeStruct((NC, NP), jnp.float32),
    mesh=_mesh,
    scratch_types=[
        pltpu.VMEM((DCHUNKS, DCH), jnp.int32),
        pltpu.VMEM((DCH,), jnp.float32),
        pltpu.VMEM_SHARED((NP,), jnp.float32),
        pltpu.SemaphoreType.DMA,
    ],
)(_deg_body)



NBUF = 4
NIB = 8


def _edge_body(src_hbm, tar_hbm, featg_hbm, zeros_hbm, part_hbm,
               idx_s, idx_t, rows_v, acc_sh, issems, itsems, gsems, ssems):
    cid = lax.axis_index("c")
    sid = lax.axis_index("s")
    wid = cid * NS + sid
    pltpu.sync_copy(zeros_hbm, acc_sh.at[pl.ds(sid * ROWS_PER_TILE, ROWS_PER_TILE)])
    plsc.subcore_barrier()

    sb = src_hbm.at[wid]
    tb = tar_hbm.at[wid]
    for k in range(NIB):
        pltpu.async_copy(sb.at[k], idx_s.at[k], issems[k])
        pltpu.async_copy(tb.at[k], idx_t.at[k], itsems[k])
    for k in range(NBUF):
        pltpu.make_async_copy(tb.at[k], idx_t.at[k], itsems[k]).wait()
        pltpu.async_copy(featg_hbm.at[idx_t.at[k]], rows_v.at[k], gsems[k])

    def round_step(r, carry):
        for k in range(NIB):
            c = r * NIB + k
            b = k % NBUF
            s4 = (k + NBUF) % NIB
            pltpu.make_async_copy(featg_hbm.at[idx_t.at[k]], rows_v.at[b],
                                  gsems[b]).wait()
            pltpu.make_async_copy(sb.at[k], idx_s.at[k], issems[k]).wait()
            pltpu.async_copy(rows_v.at[b], acc_sh.at[idx_s.at[k]],
                             ssems[b], add=True)
            pltpu.make_async_copy(rows_v.at[b], acc_sh.at[idx_s.at[k]],
                                  ssems[b]).wait()
            @pl.when(c + NBUF < CHUNKS_PER_TILE)
            def _():
                pltpu.make_async_copy(tb.at[s4], idx_t.at[s4],
                                      itsems[s4]).wait()
                pltpu.async_copy(featg_hbm.at[idx_t.at[s4]], rows_v.at[b],
                                 gsems[b])
            @pl.when(c + NIB < CHUNKS_PER_TILE)
            def _():
                pltpu.async_copy(sb.at[c + NIB], idx_s.at[k], issems[k])
                pltpu.async_copy(tb.at[c + NIB], idx_t.at[k], itsems[k])
        return carry

    lax.fori_loop(0, CHUNKS_PER_TILE // NIB, round_step, 0)
    plsc.subcore_barrier()
    pltpu.sync_copy(acc_sh.at[pl.ds(sid * ROWS_PER_TILE, ROWS_PER_TILE)],
                    part_hbm.at[cid, pl.ds(sid * ROWS_PER_TILE, ROWS_PER_TILE)])


_edge_kernel = functools.partial(
    pl.kernel,
    out_type=jax.ShapeDtypeStruct((NC, NP, D), jnp.float32),
    mesh=_mesh,
    scratch_types=[
        pltpu.VMEM((NIB, CHUNK), jnp.int32),
        pltpu.VMEM((NIB, CHUNK), jnp.int32),
        pltpu.VMEM((NBUF, CHUNK, D), jnp.float32),
        pltpu.VMEM_SHARED((NP, D), jnp.float32),
        [pltpu.SemaphoreType.DMA] * NIB,
        [pltpu.SemaphoreType.DMA] * NIB,
        [pltpu.SemaphoreType.DMA] * NBUF,
        [pltpu.SemaphoreType.DMA] * NBUF,
    ],
)(_edge_body)



ROW_BLK = 2048


def _matmul_body(x_ref, wt_ref, b_ref, feat_ref):
    feat_ref[...] = jnp.dot(x_ref[...], wt_ref[...],
                            preferred_element_type=jnp.float32) + b_ref[...]


def _matmul_call(xp, wt, b2):
    grid = NP // ROW_BLK
    return pl.pallas_call(
        _matmul_body,
        grid=(grid,),
        in_specs=[
            pl.BlockSpec((ROW_BLK, D), lambda i: (i, 0)),
            pl.BlockSpec((D, D), lambda i: (0, 0)),
            pl.BlockSpec((1, D), lambda i: (0, 0)),
        ],
        out_specs=pl.BlockSpec((ROW_BLK, D), lambda i: (i, 0)),
        out_shape=jax.ShapeDtypeStruct((NP, D), jnp.float32),
    )(xp, wt, b2)


def _scale_body(feat_ref, c0_ref, c1_ref, featg_ref, selfterm_ref, g_ref):
    feat = feat_ref[...]
    deg = c0_ref[...] + c1_ref[...] + 1.0
    g = lax.rsqrt(deg)
    featg_ref[...] = feat * g
    selfterm_ref[...] = feat / deg
    g_ref[...] = g


def _scale_call(feat, c0, c1):
    grid = NP // ROW_BLK
    return pl.pallas_call(
        _scale_body,
        grid=(grid,),
        in_specs=[
            pl.BlockSpec((ROW_BLK, D), lambda i: (i, 0)),
            pl.BlockSpec((ROW_BLK, 1), lambda i: (i, 0)),
            pl.BlockSpec((ROW_BLK, 1), lambda i: (i, 0)),
        ],
        out_specs=[
            pl.BlockSpec((ROW_BLK, D), lambda i: (i, 0)),
            pl.BlockSpec((ROW_BLK, D), lambda i: (i, 0)),
            pl.BlockSpec((ROW_BLK, 1), lambda i: (i, 0)),
        ],
        out_shape=[
            jax.ShapeDtypeStruct((NP, D), jnp.float32),
            jax.ShapeDtypeStruct((NP, D), jnp.float32),
            jax.ShapeDtypeStruct((NP, 1), jnp.float32),
        ],
    )(feat, c0, c1)



def _combine_body(p0_ref, p1_ref, g_ref, selfterm_ref, out_ref):
    out_ref[...] = (g_ref[...] * (p0_ref[...] + p1_ref[...])
                    + selfterm_ref[...])


def _combine_call(p0, p1, g, selfterm):
    grid = NP // ROW_BLK
    return pl.pallas_call(
        _combine_body,
        grid=(grid,),
        in_specs=[
            pl.BlockSpec((ROW_BLK, D), lambda i: (i, 0)),
            pl.BlockSpec((ROW_BLK, D), lambda i: (i, 0)),
            pl.BlockSpec((ROW_BLK, 1), lambda i: (i, 0)),
            pl.BlockSpec((ROW_BLK, D), lambda i: (i, 0)),
        ],
        out_specs=pl.BlockSpec((ROW_BLK, D), lambda i: (i, 0)),
        out_shape=jax.ShapeDtypeStruct((NP, D), jnp.float32),
    )(p0, p1, g, selfterm)



def kernel(x, edge_index, W, b):
    src = edge_index[0]
    tar = edge_index[1]
    pad_e = EP - N_EDGES
    srcp = jnp.concatenate([src, jnp.full((pad_e,), NP - 1, jnp.int32)])
    tarp = jnp.concatenate([tar, jnp.zeros((pad_e,), jnp.int32)])

    zeros1 = jnp.zeros((ROWS_PER_TILE,), jnp.float32)
    counts = _deg_kernel(srcp.reshape(NW, DCHUNKS, DCH), zeros1)

    xp = jnp.pad(x, ((0, NP - N_NODES), (0, 0)))
    feat = _matmul_call(xp, W.T, b.reshape(1, D))
    c0 = counts[0].reshape(NP, 1)
    c1 = counts[1].reshape(NP, 1)
    featg, selfterm, g = _scale_call(feat, c0, c1)

    zeros2 = jnp.zeros((ROWS_PER_TILE, D), jnp.float32)
    parts = _edge_kernel(srcp.reshape(NW, CHUNKS_PER_TILE, CHUNK),
                         tarp.reshape(NW, CHUNKS_PER_TILE, CHUNK),
                         featg, zeros2)

    out = _combine_call(parts[0], parts[1], g, selfterm)
    return out[:N_NODES]

# --- scband reference (transcript-rebuilt; emitter-appended) ---
"""Pipeline reference for scband-naive-gcnconv-3307124818739 (READ-ONLY COPY).

The authoritative reference and input builder live on the scoring server;
editing this copy changes nothing except your own understanding.
"""

import jax, jax.numpy as jnp
import numpy as np

N_NODES = 10000
N_EDGES = 320000
D_IN = 128
D_OUT = 128

def setup_inputs(seed: int = 0) -> dict:
    key = jax.random.key(seed)
    k1, k2, k3, k4 = jax.random.split(key, 4)
    x = jax.random.normal(k1, (N_NODES, D_IN), dtype=jnp.float32)
    edge_index = jax.random.randint(k2, (2, N_EDGES), 0, N_NODES, dtype=jnp.int32)
    # Linear layer params (torch.nn.Linear: out = x @ W.T + b)
    W = jax.random.normal(k3, (D_OUT, D_IN), dtype=jnp.float32) * (1.0 / np.sqrt(D_IN))
    b = jax.random.normal(k4, (D_OUT,), dtype=jnp.float32) * 0.01
    return {"x": x, "edge_index": edge_index, "W": W, "b": b}

def reference(x, edge_index, W, b):
    src_index = edge_index[0]
    tar_index = edge_index[1]
    num_nodes = x.shape[0]
    # dense layer
    feat = x @ W.T + b
    # processing_edge: degree and normalized edge weights
    edge_weight = jnp.ones((src_index.shape[0],), dtype=jnp.float32)
    deg = jax.ops.segment_sum(edge_weight, src_index, num_segments=num_nodes) + 1.0
    deg_inv_sqrt = deg ** -0.5
    deg_inv_sqrt = jnp.where(jnp.isinf(deg_inv_sqrt), 0.0, deg_inv_sqrt)
    edge_weight = deg_inv_sqrt[src_index] * edge_weight * deg_inv_sqrt[tar_index]
    # propagate: sparse adj (rows=edge_index[0], cols=edge_index[1]) @ feat
    messages = edge_weight[:, None] * feat[tar_index]
    out = jax.ops.segment_sum(messages, src_index, num_segments=num_nodes)
    out = out + feat * (deg ** -1.0)[:, None]
    return out

if __name__ == "__main__":
    import jax
    _d = setup_inputs()
    print(jax.jit(kernel)(*tuple(_d.values())))

</pallas_src>

<mosaic_0001>
#map = affine_map<(d0, d1) -> (0, 0, 0)>
#map1 = affine_map<(d0, d1) -> (0)>
#map2 = affine_map<(d0, d1) -> (0, 0)>
module attributes {stable_mosaic.version = 14 : i64} {
  func.func @_deg_body(%arg0: i32, %arg1: i32, %arg2: memref<32x80x128xi32, #tpu.memory_space<hbm>>, %arg3: memref<640xf32, #tpu.memory_space<hbm>>, %arg4: memref<2x10240xf32, #tpu.memory_space<hbm>>, %arg5: memref<80x128xi32, #tpu.memory_space<vmem>>, %arg6: memref<128xf32, #tpu.memory_space<vmem>>, %arg7: memref<10240xf32, #tpu.memory_space<vmem_shared>>, %arg8: memref<!tpu.dma_semaphore, #tpu.memory_space<semaphore_mem>>) attributes {dimension_semantics = [#tpu.dimension_semantics<core_parallel>, #tpu.dimension_semantics<subcore_parallel>], iteration_bounds = array<i64: 2, 16>, scalar_prefetch = 0 : i64, scratch_operands = 4 : i64, tpu.core_type = #tpu.core_type<sc_vector_subcore>, window_params = [{transform_indices = #map}, {transform_indices = #map1}, {transform_indices = #map2}]} {
    %mul3A = arith.constant 16 : i32
    %mul3A_0 = arith.muli %arg0, %mul3A : i32
    %add3A = arith.addi %mul3A_0, %arg1 : i32
    %mul3A_1 = arith.constant 640 : i32
    %mul3A_2 = arith.muli %arg1, %mul3A_1 : i32
    "tpu.region"() ({
      %run_scoped3A = tpu.sem_alloc : memref<!tpu.dma_semaphore, #tpu.memory_space<semaphore_mem>>
      %dma_start3A = tpu.memref_slice %arg7[%mul3A_2] : memref<10240xf32, #tpu.memory_space<vmem_shared>> -> memref<640xf32, #tpu.memory_space<vmem_shared>>
      tpu.enqueue_dma source(%arg3 : memref<640xf32, #tpu.memory_space<hbm>>) target(%dma_start3A : memref<640xf32, #tpu.memory_space<vmem_shared>>) target_semaphore(%run_scoped3A : memref<!tpu.dma_semaphore, #tpu.memory_space<semaphore_mem>>)
      %dma_wait3A = tpu.memref_slice %arg7[%mul3A_2] : memref<10240xf32, #tpu.memory_space<vmem_shared>> -> memref<640xf32, #tpu.memory_space<vmem_shared>>
      tpu.wait_dma2 semaphore(%run_scoped3A : memref<!tpu.dma_semaphore, #tpu.memory_space<semaphore_mem>>) src(%arg3 : memref<640xf32, #tpu.memory_space<hbm>>) dst(%dma_wait3A : memref<640xf32, #tpu.memory_space<vmem_shared>>)
      tpu.yield
    }) : () -> ()
    %broadcast_in_dim3A = arith.constant 1.000000e+00 : f32
    %broadcast_in_dim3A_3 = vector.broadcast %broadcast_in_dim3A : f32 to vector<16xf32>
    %swap3A = arith.constant 0 : index
    %swap3A_4 = tpu.vector_load %arg6[%swap3A] {strides = array<i32>} : memref<128xf32, #tpu.memory_space<vmem>>, vector<16xf32>,
    %swap3A_5 = vector.shape_cast %swap3A_4 : vector<16xf32> to vector<16xf32>
    %swap3A_6 = vector.shape_cast %broadcast_in_dim3A_3 : vector<16xf32> to vector<16xf32>
    tpu.vector_store %arg6[%swap3A], %swap3A_6 {strides = array<i32>} : memref<128xf32, #tpu.memory_space<vmem>>, vector<16xf32>,
    %broadcast_in_dim3A_7 = arith.constant 1.000000e+00 : f32
    %broadcast_in_dim3A_8 = vector.broadcast %broadcast_in_dim3A_7 : f32 to vector<16xf32>
    %swap3A_9 = arith.constant 16 : index
    %swap3A_10 = tpu.vector_load %arg6[%swap3A_9] {strides = array<i32>} : memref<128xf32, #tpu.memory_space<vmem>>, vector<16xf32>,
    %swap3A_11 = vector.shape_cast %swap3A_10 : vector<16xf32> to vector<16xf32>
    %swap3A_12 = vector.shape_cast %broadcast_in_dim3A_8 : vector<16xf32> to vector<16xf32>
    tpu.vector_store %arg6[%swap3A_9], %swap3A_12 {strides = array<i32>} : memref<128xf32, #tpu.memory_space<vmem>>, vector<16xf32>,
    %broadcast_in_dim3A_13 = arith.constant 1.000000e+00 : f32
    %broadcast_in_dim3A_14 = vector.broadcast %broadcast_in_dim3A_13 : f32 to vector<16xf32>
    %swap3A_15 = arith.constant 32 : index
    %swap3A_16 = tpu.vector_load %arg6[%swap3A_15] {strides = array<i32>} : memref<128xf32, #tpu.memory_space<vmem>>, vector<16xf32>,
    %swap3A_17 = vector.shape_cast %swap3A_16 : vector<16xf32> to vector<16xf32>
    %swap3A_18 = vector.shape_cast %broadcast_in_dim3A_14 : vector<16xf32> to vector<16xf32>
    tpu.vector_store %arg6[%swap3A_15], %swap3A_18 {strides = array<i32>} : memref<128xf32, #tpu.memory_space<vmem>>, vector<16xf32>,
    %broadcast_in_dim3A_19 = arith.constant 1.000000e+00 : f32
    %broadcast_in_dim3A_20 = vector.broadcast %broadcast_in_dim3A_19 : f32 to vector<16xf32>
    %swap3A_21 = arith.constant 48 : index
    %swap3A_22 = tpu.vector_load %arg6[%swap3A_21] {strides = array<i32>} : memref<128xf32, #tpu.memory_space<vmem>>, vector<16xf32>,
    %swap3A_23 = vector.shape_cast %swap3A_22 : vector<16xf32> to vector<16xf32>
    %swap3A_24 = vector.shape_cast %broadcast_in_dim3A_20 : vector<16xf32> to vector<16xf32>
    tpu.vector_store %arg6[%swap3A_21], %swap3A_24 {strides = array<i32>} : memref<128xf32, #tpu.memory_space<vmem>>, vector<16xf32>,
    %broadcast_in_dim3A_25 = arith.constant 1.000000e+00 : f32
    %broadcast_in_dim3A_26 = vector.broadcast %broadcast_in_dim3A_25 : f32 to vector<16xf32>
    %swap3A_27 = arith.constant 64 : index
    %swap3A_28 = tpu.vector_load %arg6[%swap3A_27] {strides = array<i32>} : memref<128xf32, #tpu.memory_space<vmem>>, vector<16xf32>,
    %swap3A_29 = vector.shape_cast %swap3A_28 : vector<16xf32> to vector<16xf32>
    %swap3A_30 = vector.shape_cast %broadcast_in_dim3A_26 : vector<16xf32> to vector<16xf32>
    tpu.vector_store %arg6[%swap3A_27], %swap3A_30 {strides = array<i32>} : memref<128xf32, #tpu.memory_space<vmem>>, vector<16xf32>,
    %broadcast_in_dim3A_31 = arith.constant 1.000000e+00 : f32
    %broadcast_in_dim3A_32 = vector.broadcast %broadcast_in_dim3A_31 : f32 to vector<16xf32>
    %swap3A_33 = arith.constant 80 : index
    %swap3A_34 = tpu.vector_load %arg6[%swap3A_33] {strides = array<i32>} : memref<128xf32, #tpu.memory_space<vmem>>, vector<16xf32>,
    %swap3A_35 = vector.shape_cast %swap3A_34 : vector<16xf32> to vector<16xf32>
    %swap3A_36 = vector.shape_cast %broadcast_in_dim3A_32 : vector<16xf32> to vector<16xf32>
    tpu.vector_store %arg6[%swap3A_33], %swap3A_36 {strides = array<i32>} : memref<128xf32, #tpu.memory_space<vmem>>, vector<16xf32>,
    %broadcast_in_dim3A_37 = arith.constant 1.000000e+00 : f32
    %broadcast_in_dim3A_38 = vector.broadcast %broadcast_in_dim3A_37 : f32 to vector<16xf32>
    %swap3A_39 = arith.constant 96 : index
    %swap3A_40 = tpu.vector_load %arg6[%swap3A_39] {strides = array<i32>} : memref<128xf32, #tpu.memory_space<vmem>>, vector<16xf32>,
    %swap3A_41 = vector.shape_cast %swap3A_40 : vector<16xf32> to vector<16xf32>
    %swap3A_42 = vector.shape_cast %broadcast_in_dim3A_38 : vector<16xf32> to vector<16xf32>
    tpu.vector_store %arg6[%swap3A_39], %swap3A_42 {strides = array<i32>} : memref<128xf32, #tpu.memory_space<vmem>>, vector<16xf32>,
    %broadcast_in_dim3A_43 = arith.constant 1.000000e+00 : f32
    %broadcast_in_dim3A_44 = vector.broadcast %broadcast_in_dim3A_43 : f32 to vector<16xf32>
    %swap3A_45 = arith.constant 112 : index
    %swap3A_46 = tpu.vector_load %arg6[%swap3A_45] {strides = array<i32>} : memref<128xf32, #tpu.memory_space<vmem>>, vector<16xf32>,
    %swap3A_47 = vector.shape_cast %swap3A_46 : vector<16xf32> to vector<16xf32>
    %swap3A_48 = vector.shape_cast %broadcast_in_dim3A_44 : vector<16xf32> to vector<16xf32>
    tpu.vector_store %arg6[%swap3A_45], %swap3A_48 {strides = array<i32>} : memref<128xf32, #tpu.memory_space<vmem>>, vector<16xf32>,
    "tpu.region"() ({
      %run_scoped3A = tpu.sem_alloc : memref<!tpu.dma_semaphore, #tpu.memory_space<semaphore_mem>>
      %dma_start3A = arith.constant 0 : i32
      %dma_start3A_59 = arith.constant 0 : i32
      %dma_start3A_60 = tpu.memref_slice %arg2[%add3A, %dma_start3A, %dma_start3A_59] : memref<32x80x128xi32, #tpu.memory_space<hbm>> -> memref<1x80x128xi32, #tpu.memory_space<hbm>>
      %dma_start3A_61 = tpu.memref_squeeze %dma_start3A_60 : memref<1x80x128xi32, #tpu.memory_space<hbm>> -> memref<80x128xi32, #tpu.memory_space<hbm>>
      %dma_start3A_62 = arith.constant 0 : i32
      %dma_start3A_63 = arith.constant 0 : i32
      %dma_start3A_64 = tpu.memref_slice %arg2[%add3A, %dma_start3A_62, %dma_start3A_63] : memref<32x80x128xi32, #tpu.memory_space<hbm>> -> memref<1x80x128xi32, #tpu.memory_space<hbm>>
      %dma_start3A_65 = tpu.memref_squeeze %dma_start3A_64 : memref<1x80x128xi32, #tpu.memory_space<hbm>> -> memref<80x128xi32, #tpu.memory_space<hbm>>
      tpu.enqueue_dma source(%dma_start3A_65 : memref<80x128xi32, #tpu.memory_space<hbm>>) target(%arg5 : memref<80x128xi32, #tpu.memory_space<vmem>>) target_semaphore(%run_scoped3A : memref<!tpu.dma_semaphore, #tpu.memory_space<semaphore_mem>>)
      %dma_wait3A = arith.constant 0 : i32
      %dma_wait3A_66 = arith.constant 0 : i32
      %dma_wait3A_67 = tpu.memref_slice %arg2[%add3A, %dma_wait3A, %dma_wait3A_66] : memref<32x80x128xi32, #tpu.memory_space<hbm>> -> memref<1x80x128xi32, #tpu.memory_space<hbm>>
      %dma_wait3A_68 = tpu.memref_squeeze %dma_wait3A_67 : memref<1x80x128xi32, #tpu.memory_space<hbm>> -> memref<80x128xi32, #tpu.memory_space<hbm>>
      %dma_wait3A_69 = arith.constant 0 : i32
      %dma_wait3A_70 = arith.constant 0 : i32
      %dma_wait3A_71 = tpu.memref_slice %arg2[%add3A, %dma_wait3A_69, %dma_wait3A_70] : memref<32x80x128xi32, #tpu.memory_space<hbm>> -> memref<1x80x128xi32, #tpu.memory_space<hbm>>
      %dma_wait3A_72 = tpu.memref_squeeze %dma_wait3A_71 : memref<1x80x128xi32, #tpu.memory_space<hbm>> -> memref<80x128xi32, #tpu.memory_space<hbm>>
      tpu.wait_dma2 semaphore(%run_scoped3A : memref<!tpu.dma_semaphore, #tpu.memory_space<semaphore_mem>>) src(%dma_wait3A_72 : memref<80x128xi32, #tpu.memory_space<hbm>>) dst(%arg5 : memref<80x128xi32, #tpu.memory_space<vmem>>)
      tpu.yield
    }) : () -> ()
    %barrier3A = arith.constant 0 : index
    tpu.barrier barrier_id(%barrier3A)
    %scan3A = arith.constant 0 : i32
    %scan3A_49 = arith.constant 0 : i32
    %scan3A_50 = arith.constant 80 : i32
    %scan3A_51 = arith.addi %scan3A_49, %scan3A_50 : i32
    %scan3A_52 = arith.constant 1 : i32
    scf.for %scan3A_59 = %scan3A_49 to %scan3A_51 step %scan3A_52  : i32 {
      "tpu.region"() ({
        %run_scoped3A = tpu.sem_alloc : memref<!tpu.dma_semaphore, #tpu.memory_space<semaphore_mem>>
        %dma_start3A = arith.constant 0 : i32
        %dma_start3A_60 = tpu.memref_slice %arg5[%scan3A_59, %dma_start3A] : memref<80x128xi32, #tpu.memory_space<vmem>> -> memref<1x128xi32, #tpu.memory_space<vmem>>
        %dma_start3A_61 = tpu.memref_squeeze %dma_start3A_60 : memref<1x128xi32, #tpu.memory_space<vmem>> -> memref<128xi32, #tpu.memory_space<vmem>>
        %dma_start3A_62 = arith.constant 0 : i32
        %dma_start3A_63 = tpu.memref_slice %arg7[%dma_start3A_62] : memref<10240xf32, #tpu.memory_space<vmem_shared>> -> memref<10240xf32, #tpu.memory_space<vmem_shared>>
        tpu.enqueue_indirect_dma source(%arg6 : memref<128xf32, #tpu.memory_space<vmem>>) target(%dma_start3A_63 : memref<10240xf32, #tpu.memory_space<vmem_shared>>) offsets(%dma_start3A_61 : memref<128xi32, #tpu.memory_space<vmem>>) semaphore(%run_scoped3A : memref<!tpu.dma_semaphore, #tpu.memory_space<semaphore_mem>>) {add = true}
        %dma_wait3A = arith.constant 0 : i32
        %dma_wait3A_64 = tpu.memref_slice %arg5[%scan3A_59, %dma_wait3A] : memref<80x128xi32, #tpu.memory_space<vmem>> -> memref<1x128xi32, #tpu.memory_space<vmem>>
        %dma_wait3A_65 = tpu.memref_squeeze %dma_wait3A_64 : memref<1x128xi32, #tpu.memory_space<vmem>> -> memref<128xi32, #tpu.memory_space<vmem>>
        %dma_wait3A_66 = arith.constant 0 : i32
        %dma_wait3A_67 = tpu.memref_slice %arg7[%dma_wait3A_66] : memref<10240xf32, #tpu.memory_space<vmem_shared>> -> memref<10240xf32, #tpu.memory_space<vmem_shared>>
        tpu.wait_indirect_dma semaphore(%run_scoped3A : memref<!tpu.dma_semaphore, #tpu.memory_space<semaphore_mem>>) src(%arg6 : memref<128xf32, #tpu.memory_space<vmem>>) dst(%dma_wait3A_67 : memref<10240xf32, #tpu.memory_space<vmem_shared>>)
        tpu.yield
      }) : () -> ()
    }
    %scan3A_53 = arith.constant 80 : i32
    %barrier3A_54 = arith.constant 0 : index
    tpu.barrier barrier_id(%barrier3A_54)
    %mul3A_55 = arith.constant 640 : i32
    %mul3A_56 = arith.muli %arg1, %mul3A_55 : i32
    %mul3A_57 = arith.constant 640 : i32
    %mul3A_58 = arith.muli %arg1, %mul3A_57 : i32
    "tpu.region"() ({
      %run_scoped3A = tpu.sem_alloc : memref<!tpu.dma_semaphore, #tpu.memory_space<semaphore_mem>>
      %dma_start3A = tpu.memref_slice %arg4[%arg0, %mul3A_58] : memref<2x10240xf32, #tpu.memory_space<hbm>> -> memref<1x640xf32, #tpu.memory_space<hbm>>
      %dma_start3A_59 = tpu.memref_squeeze %dma_start3A : memref<1x640xf32, #tpu.memory_space<hbm>> -> memref<640xf32, #tpu.memory_space<hbm>>
      %dma_start3A_60 = tpu.memref_slice %arg7[%mul3A_56] : memref<10240xf32, #tpu.memory_space<vmem_shared>> -> memref<640xf32, #tpu.memory_space<vmem_shared>>
      tpu.enqueue_dma source(%dma_start3A_60 : memref<640xf32, #tpu.memory_space<vmem_shared>>) target(%dma_start3A_59 : memref<640xf32, #tpu.memory_space<hbm>>) target_semaphore(%run_scoped3A : memref<!tpu.dma_semaphore, #tpu.memory_space<semaphore_mem>>)
      %dma_wait3A = tpu.memref_slice %arg4[%arg0, %mul3A_58] : memref<2x10240xf32, #tpu.memory_space<hbm>> -> memref<1x640xf32, #tpu.memory_space<hbm>>
      %dma_wait3A_61 = tpu.memref_squeeze %dma_wait3A : memref<1x640xf32, #tpu.memory_space<hbm>> -> memref<640xf32, #tpu.memory_space<hbm>>
      %dma_wait3A_62 = tpu.memref_slice %arg7[%mul3A_56] : memref<10240xf32, #tpu.memory_space<vmem_shared>> -> memref<640xf32, #tpu.memory_space<vmem_shared>>
      tpu.wait_dma2 semaphore(%run_scoped3A : memref<!tpu.dma_semaphore, #tpu.memory_space<semaphore_mem>>) src(%dma_wait3A_62 : memref<640xf32, #tpu.memory_space<vmem_shared>>) dst(%dma_wait3A_61 : memref<640xf32, #tpu.memory_space<hbm>>)
      tpu.yield
    }) : () -> ()
    return
  }
}

#map = affine_map<(d0, d1) -> (0, 0, 0)>
#map1 = affine_map<(d0, d1) -> (0, 0)>
module attributes {stable_mosaic.version = 14 : i64} {
  func.func @_edge_body(%arg0: i32, %arg1: i32, %arg2: memref<32x160x64xi32, #tpu.memory_space<hbm>>, %arg3: memref<32x160x64xi32, #tpu.memory_space<hbm>>, %arg4: memref<10240x128xf32, #tpu.memory_space<hbm>>, %arg5: memref<640x128xf32, #tpu.memory_space<hbm>>, %arg6: memref<2x10240x128xf32, #tpu.memory_space<hbm>>, %arg7: memref<8x64xi32, #tpu.memory_space<vmem>>, %arg8: memref<8x64xi32, #tpu.memory_space<vmem>>, %arg9: memref<4x64x128xf32, #tpu.memory_space<vmem>>, %arg10: memref<10240x128xf32, #tpu.memory_space<vmem_shared>>, %arg11: memref<!tpu.dma_semaphore, #tpu.memory_space<semaphore_mem>>, %arg12: memref<!tpu.dma_semaphore, #tpu.memory_space<semaphore_mem>>, %arg13: memref<!tpu.dma_semaphore, #tpu.memory_space<semaphore_mem>>, %arg14: memref<!tpu.dma_semaphore, #tpu.memory_space<semaphore_mem>>, %arg15: memref<!tpu.dma_semaphore, #tpu.memory_space<semaphore_mem>>, %arg16: memref<!tpu.dma_semaphore, #tpu.memory_space<semaphore_mem>>, %arg17: memref<!tpu.dma_semaphore, #tpu.memory_space<semaphore_mem>>, %arg18: memref<!tpu.dma_semaphore, #tpu.memory_space<semaphore_mem>>, %arg19: memref<!tpu.dma_semaphore, #tpu.memory_space<semaphore_mem>>, %arg20: memref<!tpu.dma_semaphore, #tpu.memory_space<semaphore_mem>>, %arg21: memref<!tpu.dma_semaphore, #tpu.memory_space<semaphore_mem>>, %arg22: memref<!tpu.dma_semaphore, #tpu.memory_space<semaphore_mem>>, %arg23: memref<!tpu.dma_semaphore, #tpu.memory_space<semaphore_mem>>, %arg24: memref<!tpu.dma_semaphore, #tpu.memory_space<semaphore_mem>>, %arg25: memref<!tpu.dma_semaphore, #tpu.memory_space<semaphore_mem>>, %arg26: memref<!tpu.dma_semaphore, #tpu.memory_space<semaphore_mem>>, %arg27: memref<!tpu.dma_semaphore, #tpu.memory_space<semaphore_mem>>, %arg28: memref<!tpu.dma_semaphore, #tpu.memory_space<semaphore_mem>>, %arg29: memref<!tpu.dma_semaphore, #tpu.memory_space<semaphore_mem>>, %arg30: memref<!tpu.dma_semaphore, #tpu.memory_space<semaphore_mem>>, %arg31: memref<!tpu.dma_semaphore, #tpu.memory_space<semaphore_mem>>, %arg32: memref<!tpu.dma_semaphore, #tpu.memory_space<semaphore_mem>>, %arg33: memref<!tpu.dma_semaphore, #tpu.memory_space<semaphore_mem>>, %arg34: memref<!tpu.dma_semaphore, #tpu.memory_space<semaphore_mem>>) attributes {dimension_semantics = [#tpu.dimension_semantics<core_parallel>, #tpu.dimension_semantics<subcore_parallel>], iteration_bounds = array<i64: 2, 16>, scalar_prefetch = 0 : i64, scratch_operands = 28 : i64, tpu.core_type = #tpu.core_type<sc_vector_subcore>, window_params = [{transform_indices = #map}, {transform_indices = #map}, {transform_indices = #map1}, {transform_indices = #map1}, {transform_indices = #map}]} {
    %mul3A = arith.constant 16 : i32
    %mul3A_0 = arith.muli %arg0, %mul3A : i32
    %add3A = arith.addi %mul3A_0, %arg1 : i32
    %mul3A_1 = arith.constant 640 : i32
    %mul3A_2 = arith.muli %arg1, %mul3A_1 : i32
    "tpu.region"() ({
      %run_scoped3A = tpu.sem_alloc : memref<!tpu.dma_semaphore, #tpu.memory_space<semaphore_mem>>
      %dma_start3A_499 = arith.constant 0 : i32
      %dma_start3A_500 = tpu.memref_slice %arg10[%mul3A_2, %dma_start3A_499] : memref<10240x128xf32, #tpu.memory_space<vmem_shared>> -> memref<640x128xf32, #tpu.memory_space<vmem_shared>>
      tpu.enqueue_dma source(%arg5 : memref<640x128xf32, #tpu.memory_space<hbm>>) target(%dma_start3A_500 : memref<640x128xf32, #tpu.memory_space<vmem_shared>>) target_semaphore(%run_scoped3A : memref<!tpu.dma_semaphore, #tpu.memory_space<semaphore_mem>>)
      %dma_wait3A_501 = arith.constant 0 : i32
      %dma_wait3A_502 = tpu.memref_slice %arg10[%mul3A_2, %dma_wait3A_501] : memref<10240x128xf32, #tpu.memory_space<vmem_shared>> -> memref<640x128xf32, #tpu.memory_space<vmem_shared>>
      tpu.wait_dma2 semaphore(%run_scoped3A : memref<!tpu.dma_semaphore, #tpu.memory_space<semaphore_mem>>) src(%arg5 : memref<640x128xf32, #tpu.memory_space<hbm>>) dst(%dma_wait3A_502 : memref<640x128xf32, #tpu.memory_space<vmem_shared>>)
      tpu.yield
    }) : () -> ()
    %barrier3A = arith.constant 0 : index
    tpu.barrier barrier_id(%barrier3A)
    %dma_start3A = arith.constant 0 : i32
    %dma_start3A_3 = arith.constant 0 : i32
    %dma_start3A_4 = arith.constant 0 : i32
    %dma_start3A_5 = tpu.memref_slice %arg7[%dma_start3A_3, %dma_start3A_4] : memref<8x64xi32, #tpu.memory_space<vmem>> -> memref<1x64xi32, #tpu.memory_space<vmem>>
    %dma_start3A_6 = tpu.memref_squeeze %dma_start3A_5 : memref<1x64xi32, #tpu.memory_space<vmem>> -> memref<64xi32, #tpu.memory_space<vmem>>
    %dma_start3A_7 = arith.constant 0 : i32
    %dma_start3A_8 = arith.constant 0 : i32
    %dma_start3A_9 = tpu.memref_slice %arg2[%add3A, %dma_start3A_7, %dma_start3A_8] : memref<32x160x64xi32, #tpu.memory_space<hbm>> -> memref<1x160x64xi32, #tpu.memory_space<hbm>>
    %dma_start3A_10 = tpu.memref_squeeze %dma_start3A_9 : memref<1x160x64xi32, #tpu.memory_space<hbm>> -> memref<160x64xi32, #tpu.memory_space<hbm>>
    %dma_start3A_11 = arith.constant 0 : i32
    %dma_start3A_12 = tpu.memref_slice %dma_start3A_10[%dma_start3A, %dma_start3A_11] : memref<160x64xi32, #tpu.memory_space<hbm>> -> memref<1x64xi32, #tpu.memory_space<hbm>>
    %dma_start3A_13 = tpu.memref_squeeze %dma_start3A_12 : memref<1x64xi32, #tpu.memory_space<hbm>> -> memref<64xi32, #tpu.memory_space<hbm>>
    %dma_start3A_14 = arith.constant 0 : i32
    %dma_start3A_15 = tpu.memref_slice %arg7[%dma_start3A_3, %dma_start3A_14] : memref<8x64xi32, #tpu.memory_space<vmem>> -> memref<1x64xi32, #tpu.memory_space<vmem>>
    %dma_start3A_16 = tpu.memref_squeeze %dma_start3A_15 : memref<1x64xi32, #tpu.memory_space<vmem>> -> memref<64xi32, #tpu.memory_space<vmem>>
    %dma_start3A_17 = arith.constant 0 : i32
    %dma_start3A_18 = arith.constant 0 : i32
    %dma_start3A_19 = tpu.memref_slice %arg2[%add3A, %dma_start3A_17, %dma_start3A_18] : memref<32x160x64xi32, #tpu.memory_space<hbm>> -> memref<1x160x64xi32, #tpu.memory_space<hbm>>
    %dma_start3A_20 = tpu.memref_squeeze %dma_start3A_19 : memref<1x160x64xi32, #tpu.memory_space<hbm>> -> memref<160x64xi32, #tpu.memory_space<hbm>>
    %dma_start3A_21 = arith.constant 0 : i32
    %dma_start3A_22 = tpu.memref_slice %dma_start3A_20[%dma_start3A, %dma_start3A_21] : memref<160x64xi32, #tpu.memory_space<hbm>> -> memref<1x64xi32, #tpu.memory_space<hbm>>
    %dma_start3A_23 = tpu.memref_squeeze %dma_start3A_22 : memref<1x64xi32, #tpu.memory_space<hbm>> -> memref<64xi32, #tpu.memory_space<hbm>>
    tpu.enqueue_dma source(%dma_start3A_23 : memref<64xi32, #tpu.memory_space<hbm>>) target(%dma_start3A_16 : memref<64xi32, #tpu.memory_space<vmem>>) target_semaphore(%arg11 : memref<!tpu.dma_semaphore, #tpu.memory_space<semaphore_mem>>)
    %dma_start3A_24 = arith.constant 0 : i32
    %dma_start3A_25 = arith.constant 0 : i32
    %dma_start3A_26 = arith.constant 0 : i32
    %dma_start3A_27 = tpu.memref_slice %arg8[%dma_start3A_25, %dma_start3A_26] : memref<8x64xi32, #tpu.memory_space<vmem>> -> memref<1x64xi32, #tpu.memory_space<vmem>>
    %dma_start3A_28 = tpu.memref_squeeze %dma_start3A_27 : memref<1x64xi32, #tpu.memory_space<vmem>> -> memref<64xi32, #tpu.memory_space<vmem>>
    %dma_start3A_29 = arith.constant 0 : i32
    %dma_start3A_30 = arith.constant 0 : i32
    %dma_start3A_31 = tpu.memref_slice %arg3[%add3A, %dma_start3A_29, %dma_start3A_30] : memref<32x160x64xi32, #tpu.memory_space<hbm>> -> memref<1x160x64xi32, #tpu.memory_space<hbm>>
    %dma_start3A_32 = tpu.memref_squeeze %dma_start3A_31 : memref<1x160x64xi32, #tpu.memory_space<hbm>> -> memref<160x64xi32, #tpu.memory_space<hbm>>
    %dma_start3A_33 = arith.constant 0 : i32
    %dma_start3A_34 = tpu.memref_slice %dma_start3A_32[%dma_start3A_24, %dma_start3A_33] : memref<160x64xi32, #tpu.memory_space<hbm>> -> memref<1x64xi32, #tpu.memory_space<hbm>>
    %dma_start3A_35 = tpu.memref_squeeze %dma_start3A_34 : memref<1x64xi32, #tpu.memory_space<hbm>> -> memref<64xi32, #tpu.memory_space<hbm>>
    %dma_start3A_36 = arith.constant 0 : i32
    %dma_start3A_37 = tpu.memref_slice %arg8[%dma_start3A_25, %dma_start3A_36] : memref<8x64xi32, #tpu.memory_space<vmem>> -> memref<1x64xi32, #tpu.memory_space<vmem>>
    %dma_start3A_38 = tpu.memref_squeeze %dma_start3A_37 : memref<1x64xi32, #tpu.memory_space<vmem>> -> memref<64xi32, #tpu.memory_space<vmem>>
    %dma_start3A_39 = arith.constant 0 : i32
    %dma_start3A_40 = arith.constant 0 : i32
    %dma_start3A_41 = tpu.memref_slice %arg3[%add3A, %dma_start3A_39, %dma_start3A_40] : memref<32x160x64xi32, #tpu.memory_space<hbm>> -> memref<1x160x64xi32, #tpu.memory_space<hbm>>
    %dma_start3A_42 = tpu.memref_squeeze %dma_start3A_41 : memref<1x160x64xi32, #tpu.memory_space<hbm>> -> memref<160x64xi32, #tpu.memory_space<hbm>>
    %dma_start3A_43 = arith.constant 0 : i32
    %dma_start3A_44 = tpu.memref_slice %dma_start3A_42[%dma_start3A_24, %dma_start3A_43] : memref<160x64xi32, #tpu.memory_space<hbm>> -> memref<1x64xi32, #tpu.memory_space<hbm>>
    %dma_start3A_45 = tpu.memref_squeeze %dma_start3A_44 : memref<1x64xi32, #tpu.memory_space<hbm>> -> memref<64xi32, #tpu.memory_space<hbm>>
    tpu.enqueue_dma source(%dma_start3A_45 : memref<64xi32, #tpu.memory_space<hbm>>) target(%dma_start3A_38 : memref<64xi32, #tpu.memory_space<vmem>>) target_semaphore(%arg19 : memref<!tpu.dma_semaphore, #tpu.memory_space<semaphore_mem>>)
    %dma_start3A_46 = arith.constant 1 : i32
    %dma_start3A_47 = arith.constant 1 : i32
    %dma_start3A_48 = arith.constant 0 : i32
    %dma_start3A_49 = tpu.memref_slice %arg7[%dma_start3A_47, %dma_start3A_48] : memref<8x64xi32, #tpu.memory_space<vmem>> -> memref<1x64xi32, #tpu.memory_space<vmem>>
    %dma_start3A_50 = tpu.memref_squeeze %dma_start3A_49 : memref<1x64xi32, #tpu.memory_space<vmem>> -> memref<64xi32, #tpu.memory_space<vmem>>
    %dma_start3A_51 = arith.constant 0 : i32
    %dma_start3A_52 = arith.constant 0 : i32
    %dma_start3A_53 = tpu.memref_slice %arg2[%add3A, %dma_start3A_51, %dma_start3A_52] : memref<32x160x64xi32, #tpu.memory_space<hbm>> -> memref<1x160x64xi32, #tpu.memory_space<hbm>>
    %dma_start3A_54 = tpu.memref_squeeze %dma_start3A_53 : memref<1x160x64xi32, #tpu.memory_space<hbm>> -> memref<160x64xi32, #tpu.memory_space<hbm>>
    %dma_start3A_55 = arith.constant 0 : i32
    %dma_start3A_56 = tpu.memref_slice %dma_start3A_54[%dma_start3A_46, %dma_start3A_55] : memref<160x64xi32, #tpu.memory_space<hbm>> -> memref<1x64xi32, #tpu.memory_space<hbm>>
    %dma_start3A_57 = tpu.memref_squeeze %dma_start3A_56 : memref<1x64xi32, #tpu.memory_space<hbm>> -> memref<64xi32, #tpu.memory_space<hbm>>
    %dma_start3A_58 = arith.constant 0 : i32
    %dma_start3A_59 = tpu.memref_slice %arg7[%dma_start3A_47, %dma_start3A_58] : memref<8x64xi32, #tpu.memory_space<vmem>> -> memref<1x64xi32, #tpu.memory_space<vmem>>
    %dma_start3A_60 = tpu.memref_squeeze %dma_start3A_59 : memref<1x64xi32, #tpu.memory_space<vmem>> -> memref<64xi32, #tpu.memory_space<vmem>>
    %dma_start3A_61 = arith.constant 0 : i32
    %dma_start3A_62 = arith.constant 0 : i32
    %dma_start3A_63 = tpu.memref_slice %arg2[%add3A, %dma_start3A_61, %dma_start3A_62] : memref<32x160x64xi32, #tpu.memory_space<hbm>> -> memref<1x160x64xi32, #tpu.memory_space<hbm>>
    %dma_start3A_64 = tpu.memref_squeeze %dma_start3A_63 : memref<1x160x64xi32, #tpu.memory_space<hbm>> -> memref<160x64xi32, #tpu.memory_space<hbm>>
    %dma_start3A_65 = arith.constant 0 : i32
    %dma_start3A_66 = tpu.memref_slice %dma_start3A_64[%dma_start3A_46, %dma_start3A_65] : memref<160x64xi32, #tpu.memory_space<hbm>> -> memref<1x64xi32, #tpu.memory_space<hbm>>
    %dma_start3A_67 = tpu.memref_squeeze %dma_start3A_66 : memref<1x64xi32, #tpu.memory_space<hbm>> -> memref<64xi32, #tpu.memory_space<hbm>>
    tpu.enqueue_dma source(%dma_start3A_67 : memref<64xi32, #tpu.memory_space<hbm>>) target(%dma_start3A_60 : memref<64xi32, #tpu.memory_space<vmem>>) target_semaphore(%arg12 : memref<!tpu.dma_semaphore, #tpu.memory_space<semaphore_mem>>)
    %dma_start3A_68 = arith.constant 1 : i32
    %dma_start3A_69 = arith.constant 1 : i32
    %dma_start3A_70 = arith.constant 0 : i32
    %dma_start3A_71 = tpu.memref_slice %arg8[%dma_start3A_69, %dma_start3A_70] : memref<8x64xi32, #tpu.memory_space<vmem>> -> memref<1x64xi32, #tpu.memory_space<vmem>>
    %dma_start3A_72 = tpu.memref_squeeze %dma_start3A_71 : memref<1x64xi32, #tpu.memory_space<vmem>> -> memref<64xi32, #tpu.memory_space<vmem>>
    %dma_start3A_73 = arith.constant 0 : i32
    %dma_start3A_74 = arith.constant 0 : i32
    %dma_start3A_75 = tpu.memref_slice %arg3[%add3A, %dma_start3A_73, %dma_start3A_74] : memref<32x160x64xi32, #tpu.memory_space<hbm>> -> memref<1x160x64xi32, #tpu.memory_space<hbm>>
    %dma_start3A_76 = tpu.memref_squeeze %dma_start3A_75 : memref<1x160x64xi32, #tpu.memory_space<hbm>> -> memref<160x64xi32, #tpu.memory_space<hbm>>
    %dma_start3A_77 = arith.constant 0 : i32
    %dma_start3A_78 = tpu.memref_slice %dma_start3A_76[%dma_start3A_68, %dma_start3A_77] : memref<160x64xi32, #tpu.memory_space<hbm>> -> memref<1x64xi32, #tpu.memory_space<hbm>>
    %dma_start3A_79 = tpu.memref_squeeze %dma_start3A_78 : memref<1x64xi32, #tpu.memory_space<hbm>> -> memref<64xi32, #tpu.memory_space<hbm>>
    %dma_start3A_80 = arith.constant 0 : i32
    %dma_start3A_81 = tpu.memref_slice %arg8[%dma_start3A_69, %dma_start3A_80] : memref<8x64xi32, #tpu.memory_space<vmem>> -> memref<1x64xi32, #tpu.memory_space<vmem>>
    %dma_start3A_82 = tpu.memref_squeeze %dma_start3A_81 : memref<1x64xi32, #tpu.memory_space<vmem>> -> memref<64xi32, #tpu.memory_space<vmem>>
    %dma_start3A_83 = arith.constant 0 : i32
    %dma_start3A_84 = arith.constant 0 : i32
    %dma_start3A_85 = tpu.memref_slice %arg3[%add3A, %dma_start3A_83, %dma_start3A_84] : memref<32x160x64xi32, #tpu.memory_space<hbm>> -> memref<1x160x64xi32, #tpu.memory_space<hbm>>
    %dma_start3A_86 = tpu.memref_squeeze %dma_start3A_85 : memref<1x160x64xi32, #tpu.memory_space<hbm>> -> memref<160x64xi32, #tpu.memory_space<hbm>>
    %dma_start3A_87 = arith.constant 0 : i32
    %dma_start3A_88 = tpu.memref_slice %dma_start3A_86[%dma_start3A_68, %dma_start3A_87] : memref<160x64xi32, #tpu.memory_space<hbm>> -> memref<1x64xi32, #tpu.memory_space<hbm>>
    %dma_start3A_89 = tpu.memref_squeeze %dma_start3A_88 : memref<1x64xi32, #tpu.memory_space<hbm>> -> memref<64xi32, #tpu.memory_space<hbm>>
    tpu.enqueue_dma source(%dma_start3A_89 : memref<64xi32, #tpu.memory_space<hbm>>) target(%dma_start3A_82 : memref<64xi32, #tpu.memory_space<vmem>>) target_semaphore(%arg20 : memref<!tpu.dma_semaphore, #tpu.memory_space<semaphore_mem>>)
    %dma_start3A_90 = arith.constant 2 : i32
    %dma_start3A_91 = arith.constant 2 : i32
    %dma_start3A_92 = arith.constant 0 : i32
    %dma_start3A_93 = tpu.memref_slice %arg7[%dma_start3A_91, %dma_start3A_92] : memref<8x64xi32, #tpu.memory_space<vmem>> -> memref<1x64xi32, #tpu.memory_space<vmem>>
    %dma_start3A_94 = tpu.memref_squeeze %dma_start3A_93 : memref<1x64xi32, #tpu.memory_space<vmem>> -> memref<64xi32, #tpu.memory_space<vmem>>
    %dma_start3A_95 = arith.constant 0 : i32
    %dma_start3A_96 = arith.constant 0 : i32
    %dma_start3A_97 = tpu.memref_slice %arg2[%add3A, %dma_start3A_95, %dma_start3A_96] : memref<32x160x64xi32, #tpu.memory_space<hbm>> -> memref<1x160x64xi32, #tpu.memory_space<hbm>>
    %dma_start3A_98 = tpu.memref_squeeze %dma_start3A_97 : memref<1x160x64xi32, #tpu.memory_space<hbm>> -> memref<160x64xi32, #tpu.memory_space<hbm>>
    %dma_start3A_99 = arith.constant 0 : i32
    %dma_start3A_100 = tpu.memref_slice %dma_start3A_98[%dma_start3A_90, %dma_start3A_99] : memref<160x64xi32, #tpu.memory_space<hbm>> -> memref<1x64xi32, #tpu.memory_space<hbm>>
    %dma_start3A_101 = tpu.memref_squeeze %dma_start3A_100 : memref<1x64xi32, #tpu.memory_space<hbm>> -> memref<64xi32, #tpu.memory_space<hbm>>
    %dma_start3A_102 = arith.constant 0 : i32
    %dma_start3A_103 = tpu.memref_slice %arg7[%dma_start3A_91, %dma_start3A_102] : memref<8x64xi32, #tpu.memory_space<vmem>> -> memref<1x64xi32, #tpu.memory_space<vmem>>
    %dma_start3A_104 = tpu.memref_squeeze %dma_start3A_103 : memref<1x64xi32, #tpu.memory_space<vmem>> -> memref<64xi32, #tpu.memory_space<vmem>>
    %dma_start3A_105 = arith.constant 0 : i32
    %dma_start3A_106 = arith.constant 0 : i32
    %dma_start3A_107 = tpu.memref_slice %arg2[%add3A, %dma_start3A_105, %dma_start3A_106] : memref<32x160x64xi32, #tpu.memory_space<hbm>> -> memref<1x160x64xi32, #tpu.memory_space<hbm>>
    %dma_start3A_108 = tpu.memref_squeeze %dma_start3A_107 : memref<1x160x64xi32, #tpu.memory_space<hbm>> -> memref<160x64xi32, #tpu.memory_space<hbm>>
    %dma_start3A_109 = arith.constant 0 : i32
    %dma_start3A_110 = tpu.memref_slice %dma_start3A_108[%dma_start3A_90, %dma_start3A_109] : memref<160x64xi32, #tpu.memory_space<hbm>> -> memref<1x64xi32, #tpu.memory_space<hbm>>
    %dma_start3A_111 = tpu.memref_squeeze %dma_start3A_110 : memref<1x64xi32, #tpu.memory_space<hbm>> -> memref<64xi32, #tpu.memory_space<hbm>>
    tpu.enqueue_dma source(%dma_start3A_111 : memref<64xi32, #tpu.memory_space<hbm>>) target(%dma_start3A_104 : memref<64xi32, #tpu.memory_space<vmem>>) target_semaphore(%arg13 : memref<!tpu.dma_semaphore, #tpu.memory_space<semaphore_mem>>)
    %dma_start3A_112 = arith.constant 2 : i32
    %dma_start3A_113 = arith.constant 2 : i32
    %dma_start3A_114 = arith.constant 0 : i32
    %dma_start3A_115 = tpu.memref_slice %arg8[%dma_start3A_113, %dma_start3A_114] : memref<8x64xi32, #tpu.memory_space<vmem>> -> memref<1x64xi32, #tpu.memory_space<vmem>>
    %dma_start3A_116 = tpu.memref_squeeze %dma_start3A_115 : memref<1x64xi32, #tpu.memory_space<vmem>> -> memref<64xi32, #tpu.memory_space<vmem>>
    %dma_start3A_117 = arith.constant 0 : i32
    %dma_start3A_118 = arith.constant 0 : i32
    %dma_start3A_119 = tpu.memref_slice %arg3[%add3A, %dma_start3A_117, %dma_start3A_118] : memref<32x160x64xi32, #tpu.memory_space<hbm>> -> memref<1x160x64xi32, #tpu.memory_space<hbm>>
    %dma_start3A_120 = tpu.memref_squeeze %dma_start3A_119 : memref<1x160x64xi32, #tpu.memory_space<hbm>> -> memref<160x64xi32, #tpu.memory_space<hbm>>
    %dma_start3A_121 = arith.constant 0 : i32
    %dma_start3A_122 = tpu.memref_slice %dma_start3A_120[%dma_start3A_112, %dma_start3A_121] : memref<160x64xi32, #tpu.memory_space<hbm>> -> memref<1x64xi32, #tpu.memory_space<hbm>>
    %dma_start3A_123 = tpu.memref_squeeze %dma_start3A_122 : memref<1x64xi32, #tpu.memory_space<hbm>> -> memref<64xi32, #tpu.memory_space<hbm>>
    %dma_start3A_124 = arith.constant 0 : i32
    %dma_start3A_125 = tpu.memref_slice %arg8[%dma_start3A_113, %dma_start3A_124] : memref<8x64xi32, #tpu.memory_space<vmem>> -> memref<1x64xi32, #tpu.memory_space<vmem>>
    %dma_start3A_126 = tpu.memref_squeeze %dma_start3A_125 : memref<1x64xi32, #tpu.memory_space<vmem>> -> memref<64xi32, #tpu.memory_space<vmem>>
    %dma_start3A_127 = arith.constant 0 : i32
    %dma_start3A_128 = arith.constant 0 : i32
    %dma_start3A_129 = tpu.memref_slice %arg3[%add3A, %dma_start3A_127, %dma_start3A_128] : memref<32x160x64xi32, #tpu.memory_space<hbm>> -> memref<1x160x64xi32, #tpu.memory_space<hbm>>
    %dma_start3A_130 = tpu.memref_squeeze %dma_start3A_129 : memref<1x160x64xi32, #tpu.memory_space<hbm>> -> memref<160x64xi32, #tpu.memory_space<hbm>>
    %dma_start3A_131 = arith.constant 0 : i32
    %dma_start3A_132 = tpu.memref_slice %dma_start3A_130[%dma_start3A_112, %dma_start3A_131] : memref<160x64xi32, #tpu.memory_space<hbm>> -> memref<1x64xi32, #tpu.memory_space<hbm>>
    %dma_start3A_133 = tpu.memref_squeeze %dma_start3A_132 : memref<1x64xi32, #tpu.memory_space<hbm>> -> memref<64xi32, #tpu.memory_space<hbm>>
    tpu.enqueue_dma source(%dma_start3A_133 : memref<64xi32, #tpu.memory_space<hbm>>) target(%dma_start3A_126 : memref<64xi32, #tpu.memory_space<vmem>>) target_semaphore(%arg21 : memref<!tpu.dma_semaphore, #tpu.memory_space<semaphore_mem>>)
    %dma_start3A_134 = arith.constant 3 : i32
    %dma_start3A_135 = arith.constant 3 : i32
    %dma_start3A_136 = arith.constant 0 : i32
    %dma_start3A_137 = tpu.memref_slice %arg7[%dma_start3A_135, %dma_start3A_136] : memref<8x64xi32, #tpu.memory_space<vmem>> -> memref<1x64xi32, #tpu.memory_space<vmem>>
    %dma_start3A_138 = tpu.memref_squeeze %dma_start3A_137 : memref<1x64xi32, #tpu.memory_space<vmem>> -> memref<64xi32, #tpu.memory_space<vmem>>
    %dma_start3A_139 = arith.constant 0 : i32
    %dma_start3A_140 = arith.constant 0 : i32
    %dma_start3A_141 = tpu.memref_slice %arg2[%add3A, %dma_start3A_139, %dma_start3A_140] : memref<32x160x64xi32, #tpu.memory_space<hbm>> -> memref<1x160x64xi32, #tpu.memory_space<hbm>>
    %dma_start3A_142 = tpu.memref_squeeze %dma_start3A_141 : memref<1x160x64xi32, #tpu.memory_space<hbm>> -> memref<160x64xi32, #tpu.memory_space<hbm>>
    %dma_start3A_143 = arith.constant 0 : i32
    %dma_start3A_144 = tpu.memref_slice %dma_start3A_142[%dma_start3A_134, %dma_start3A_143] : memref<160x64xi32, #tpu.memory_space<hbm>> -> memref<1x64xi32, #tpu.memory_space<hbm>>
    %dma_start3A_145 = tpu.memref_squeeze %dma_start3A_144 : memref<1x64xi32, #tpu.memory_space<hbm>> -> memref<64xi32, #tpu.memory_space<hbm>>
    %dma_start3A_146 = arith.constant 0 : i32
    %dma_start3A_147 = tpu.memref_slice %arg7[%dma_start3A_135, %dma_start3A_146] : memref<8x64xi32, #tpu.memory_space<vmem>> -> memref<1x64xi32, #tpu.memory_space<vmem>>
    %dma_start3A_148 = tpu.memref_squeeze %dma_start3A_147 : memref<1x64xi32, #tpu.memory_space<vmem>> -> memref<64xi32, #tpu.memory_space<vmem>>
    %dma_start3A_149 = arith.constant 0 : i32
    %dma_start3A_150 = arith.constant 0 : i32
    %dma_start3A_151 = tpu.memref_slice %arg2[%add3A, %dma_start3A_149, %dma_start3A_150] : memref<32x160x64xi32, #tpu.memory_space<hbm>> -> memref<1x160x64xi32, #tpu.memory_space<hbm>>
    %dma_start3A_152 = tpu.memref_squeeze %dma_start3A_151 : memref<1x160x64xi32, #tpu.memory_space<hbm>> -> memref<160x64xi32, #tpu.memory_space<hbm>>
    %dma_start3A_153 = arith.constant 0 : i32
    %dma_start3A_154 = tpu.memref_slice %dma_start3A_152[%dma_start3A_134, %dma_start3A_153] : memref<160x64xi32, #tpu.memory_space<hbm>> -> memref<1x64xi32, #tpu.memory_space<hbm>>
    %dma_start3A_155 = tpu.memref_squeeze %dma_start3A_154 : memref<1x64xi32, #tpu.memory_space<hbm>> -> memref<64xi32, #tpu.memory_space<hbm>>
    tpu.enqueue_dma source(%dma_start3A_155 : memref<64xi32, #tpu.memory_space<hbm>>) target(%dma_start3A_148 : memref<64xi32, #tpu.memory_space<vmem>>) target_semaphore(%arg14 : memref<!tpu.dma_semaphore, #tpu.memory_space<semaphore_mem>>)
    %dma_start3A_156 = arith.constant 3 : i32
    %dma_start3A_157 = arith.constant 3 : i32
    %dma_start3A_158 = arith.constant 0 : i32
    %dma_start3A_159 = tpu.memref_slice %arg8[%dma_start3A_157, %dma_start3A_158] : memref<8x64xi32, #tpu.memory_space<vmem>> -> memref<1x64xi32, #tpu.memory_space<vmem>>
    %dma_start3A_160 = tpu.memref_squeeze %dma_start3A_159 : memref<1x64xi32, #tpu.memory_space<vmem>> -> memref<64xi32, #tpu.memory_space<vmem>>
    %dma_start3A_161 = arith.constant 0 : i32
    %dma_start3A_162 = arith.constant 0 : i32
    %dma_start3A_163 = tpu.memref_slice %arg3[%add3A, %dma_start3A_161, %dma_start3A_162] : memref<32x160x64xi32, #tpu.memory_space<hbm>> -> memref<1x160x64xi32, #tpu.memory_space<hbm>>
    %dma_start3A_164 = tpu.memref_squeeze %dma_start3A_163 : memref<1x160x64xi32, #tpu.memory_space<hbm>> -> memref<160x64xi32, #tpu.memory_space<hbm>>
    %dma_start3A_165 = arith.constant 0 : i32
    %dma_start3A_166 = tpu.memref_slice %dma_start3A_164[%dma_start3A_156, %dma_start3A_165] : memref<160x64xi32, #tpu.memory_space<hbm>> -> memref<1x64xi32, #tpu.memory_space<hbm>>
    %dma_start3A_167 = tpu.memref_squeeze %dma_start3A_166 : memref<1x64xi32, #tpu.memory_space<hbm>> -> memref<64xi32, #tpu.memory_space<hbm>>
    %dma_start3A_168 = arith.constant 0 : i32
    %dma_start3A_169 = tpu.memref_slice %arg8[%dma_start3A_157, %dma_start3A_168] : memref<8x64xi32, #tpu.memory_space<vmem>> -> memref<1x64xi32, #tpu.memory_space<vmem>>
    %dma_start3A_170 = tpu.memref_squeeze %dma_start3A_169 : memref<1x64xi32, #tpu.memory_space<vmem>> -> memref<64xi32, #tpu.memory_space<vmem>>
    %dma_start3A_171 = arith.constant 0 : i32
    %dma_start3A_172 = arith.constant 0 : i32
    %dma_start3A_173 = tpu.memref_slice %arg3[%add3A, %dma_start3A_171, %dma_start3A_172] : memref<32x160x64xi32, #tpu.memory_space<hbm>> -> memref<1x160x64xi32, #tpu.memory_space<hbm>>
    %dma_start3A_174 = tpu.memref_squeeze %dma_start3A_173 : memref<1x160x64xi32, #tpu.memory_space<hbm>> -> memref<160x64xi32, #tpu.memory_space<hbm>>
    %dma_start3A_175 = arith.constant 0 : i32
    %dma_start3A_176 = tpu.memref_slice %dma_start3A_174[%dma_start3A_156, %dma_start3A_175] : memref<160x64xi32, #tpu.memory_space<hbm>> -> memref<1x64xi32, #tpu.memory_space<hbm>>
    %dma_start3A_177 = tpu.memref_squeeze %dma_start3A_176 : memref<1x64xi32, #tpu.memory_space<hbm>> -> memref<64xi32, #tpu.memory_space<hbm>>
    tpu.enqueue_dma source(%dma_start3A_177 : memref<64xi32, #tpu.memory_space<hbm>>) target(%dma_start3A_170 : memref<64xi32, #tpu.memory_space<vmem>>) target_semaphore(%arg22 : memref<!tpu.dma_semaphore, #tpu.memory_space<semaphore_mem>>)
    %dma_start3A_178 = arith.constant 4 : i32
    %dma_start3A_179 = arith.constant 4 : i32
    %dma_start3A_180 = arith.constant 0 : i32
    %dma_start3A_181 = tpu.memref_slice %arg7[%dma_start3A_179, %dma_start3A_180] : memref<8x64xi32, #tpu.memory_space<vmem>> -> memref<1x64xi32, #tpu.memory_space<vmem>>
    %dma_start3A_182 = tpu.memref_squeeze %dma_start3A_181 : memref<1x64xi32, #tpu.memory_space<vmem>> -> memref<64xi32, #tpu.memory_space<vmem>>
    %dma_start3A_183 = arith.constant 0 : i32
    %dma_start3A_184 = arith.constant 0 : i32
    %dma_start3A_185 = tpu.memref_slice %arg2[%add3A, %dma_start3A_183, %dma_start3A_184] : memref<32x160x64xi32, #tpu.memory_space<hbm>> -> memref<1x160x64xi32, #tpu.memory_space<hbm>>
    %dma_start3A_186 = tpu.memref_squeeze %dma_start3A_185 : memref<1x160x64xi32, #tpu.memory_space<hbm>> -> memref<160x64xi32, #tpu.memory_space<hbm>>
    %dma_start3A_187 = arith.constant 0 : i32
    %dma_start3A_188 = tpu.memref_slice %dma_start3A_186[%dma_start3A_178, %dma_start3A_187] : memref<160x64xi32, #tpu.memory_space<hbm>> -> memref<1x64xi32, #tpu.memory_space<hbm>>
    %dma_start3A_189 = tpu.memref_squeeze %dma_start3A_188 : memref<1x64xi32, #tpu.memory_space<hbm>> -> memref<64xi32, #tpu.memory_space<hbm>>
    %dma_start3A_190 = arith.constant 0 : i32
    %dma_start3A_191 = tpu.memref_slice %arg7[%dma_start3A_179, %dma_start3A_190] : memref<8x64xi32, #tpu.memory_space<vmem>> -> memref<1x64xi32, #tpu.memory_space<vmem>>
    %dma_start3A_192 = tpu.memref_squeeze %dma_start3A_191 : memref<1x64xi32, #tpu.memory_space<vmem>> -> memref<64xi32, #tpu.memory_space<vmem>>
    %dma_start3A_193 = arith.constant 0 : i32
    %dma_start3A_194 = arith.constant 0 : i32
    %dma_start3A_195 = tpu.memref_slice %arg2[%add3A, %dma_start3A_193, %dma_start3A_194] : memref<32x160x64xi32, #tpu.memory_space<hbm>> -> memref<1x160x64xi32, #tpu.memory_space<hbm>>
    %dma_start3A_196 = tpu.memref_squeeze %dma_start3A_195 : memref<1x160x64xi32, #tpu.memory_space<hbm>> -> memref<160x64xi32, #tpu.memory_space<hbm>>
    %dma_start3A_197 = arith.constant 0 : i32
    %dma_start3A_198 = tpu.memref_slice %dma_start3A_196[%dma_start3A_178, %dma_start3A_197] : memref<160x64xi32, #tpu.memory_space<hbm>> -> memref<1x64xi32, #tpu.memory_space<hbm>>
    %dma_start3A_199 = tpu.memref_squeeze %dma_start3A_198 : memref<1x64xi32, #tpu.memory_space<hbm>> -> memref<64xi32, #tpu.memory_space<hbm>>
    tpu.enqueue_dma source(%dma_start3A_199 : memref<64xi32, #tpu.memory_space<hbm>>) target(%dma_start3A_192 : memref<64xi32, #tpu.memory_space<vmem>>) target_semaphore(%arg15 : memref<!tpu.dma_semaphore, #tpu.memory_space<semaphore_mem>>)
    %dma_start3A_200 = arith.constant 4 : i32
    %dma_start3A_201 = arith.constant 4 : i32
    %dma_start3A_202 = arith.constant 0 : i32
    %dma_start3A_203 = tpu.memref_slice %arg8[%dma_start3A_201, %dma_start3A_202] : memref<8x64xi32, #tpu.memory_space<vmem>> -> memref<1x64xi32, #tpu.memory_space<vmem>>
    %dma_start3A_204 = tpu.memref_squeeze %dma_start3A_203 : memref<1x64xi32, #tpu.memory_space<vmem>> -> memref<64xi32, #tpu.memory_space<vmem>>
    %dma_start3A_205 = arith.constant 0 : i32
    %dma_start3A_206 = arith.constant 0 : i32
    %dma_start3A_207 = tpu.memref_slice %arg3[%add3A, %dma_start3A_205, %dma_start3A_206] : memref<32x160x64xi32, #tpu.memory_space<hbm>> -> memref<1x160x64xi32, #tpu.memory_space<hbm>>
    %dma_start3A_208 = tpu.memref_squeeze %dma_start3A_207 : memref<1x160x64xi32, #tpu.memory_space<hbm>> -> memref<160x64xi32, #tpu.memory_space<hbm>>
    %dma_start3A_209 = arith.constant 0 : i32
    %dma_start3A_210 = tpu.memref_slice %dma_start3A_208[%dma_start3A_200, %dma_start3A_209] : memref<160x64xi32, #tpu.memory_space<hbm>> -> memref<1x64xi32, #tpu.memory_space<hbm>>
    %dma_start3A_211 = tpu.memref_squeeze %dma_start3A_210 : memref<1x64xi32, #tpu.memory_space<hbm>> -> memref<64xi32, #tpu.memory_space<hbm>>
    %dma_start3A_212 = arith.constant 0 : i32
    %dma_start3A_213 = tpu.memref_slice %arg8[%dma_start3A_201, %dma_start3A_212] : memref<8x64xi32, #tpu.memory_space<vmem>> -> memref<1x64xi32, #tpu.memory_space<vmem>>
    %dma_start3A_214 = tpu.memref_squeeze %dma_start3A_213 : memref<1x64xi32, #tpu.memory_space<vmem>> -> memref<64xi32, #tpu.memory_space<vmem>>
    %dma_start3A_215 = arith.constant 0 : i32
    %dma_start3A_216 = arith.constant 0 : i32
    %dma_start3A_217 = tpu.memref_slice %arg3[%add3A, %dma_start3A_215, %dma_start3A_216] : memref<32x160x64xi32, #tpu.memory_space<hbm>> -> memref<1x160x64xi32, #tpu.memory_space<hbm>>
    %dma_start3A_218 = tpu.memref_squeeze %dma_start3A_217 : memref<1x160x64xi32, #tpu.memory_space<hbm>> -> memref<160x64xi32, #tpu.memory_space<hbm>>
    %dma_start3A_219 = arith.constant 0 : i32
    %dma_start3A_220 = tpu.memref_slice %dma_start3A_218[%dma_start3A_200, %dma_start3A_219] : memref<160x64xi32, #tpu.memory_space<hbm>> -> memref<1x64xi32, #tpu.memory_space<hbm>>
    %dma_start3A_221 = tpu.memref_squeeze %dma_start3A_220 : memref<1x64xi32, #tpu.memory_space<hbm>> -> memref<64xi32, #tpu.memory_space<hbm>>
    tpu.enqueue_dma source(%dma_start3A_221 : memref<64xi32, #tpu.memory_space<hbm>>) target(%dma_start3A_214 : memref<64xi32, #tpu.memory_space<vmem>>) target_semaphore(%arg23 : memref<!tpu.dma_semaphore, #tpu.memory_space<semaphore_mem>>)
    %dma_start3A_222 = arith.constant 5 : i32
    %dma_start3A_223 = arith.constant 5 : i32
    %dma_start3A_224 = arith.constant 0 : i32
    %dma_start3A_225 = tpu.memref_slice %arg7[%dma_start3A_223, %dma_start3A_224] : memref<8x64xi32, #tpu.memory_space<vmem>> -> memref<1x64xi32, #tpu.memory_space<vmem>>
    %dma_start3A_226 = tpu.memref_squeeze %dma_start3A_225 : memref<1x64xi32, #tpu.memory_space<vmem>> -> memref<64xi32, #tpu.memory_space<vmem>>
    %dma_start3A_227 = arith.constant 0 : i32
    %dma_start3A_228 = arith.constant 0 : i32
    %dma_start3A_229 = tpu.memref_slice %arg2[%add3A, %dma_start3A_227, %dma_start3A_228] : memref<32x160x64xi32, #tpu.memory_space<hbm>> -> memref<1x160x64xi32, #tpu.memory_space<hbm>>
    %dma_start3A_230 = tpu.memref_squeeze %dma_start3A_229 : memref<1x160x64xi32, #tpu.memory_space<hbm>> -> memref<160x64xi32, #tpu.memory_space<hbm>>
    %dma_start3A_231 = arith.constant 0 : i32
    %dma_start3A_232 = tpu.memref_slice %dma_start3A_230[%dma_start3A_222, %dma_start3A_231] : memref<160x64xi32, #tpu.memory_space<hbm>> -> memref<1x64xi32, #tpu.memory_space<hbm>>
    %dma_start3A_233 = tpu.memref_squeeze %dma_start3A_232 : memref<1x64xi32, #tpu.memory_space<hbm>> -> memref<64xi32, #tpu.memory_space<hbm>>
    %dma_start3A_234 = arith.constant 0 : i32
    %dma_start3A_235 = tpu.memref_slice %arg7[%dma_start3A_223, %dma_start3A_234] : memref<8x64xi32, #tpu.memory_space<vmem>> -> memref<1x64xi32, #tpu.memory_space<vmem>>
    %dma_start3A_236 = tpu.memref_squeeze %dma_start3A_235 : memref<1x64xi32, #tpu.memory_space<vmem>> -> memref<64xi32, #tpu.memory_space<vmem>>
    %dma_start3A_237 = arith.constant 0 : i32
    %dma_start3A_238 = arith.constant 0 : i32
    %dma_start3A_239 = tpu.memref_slice %arg2[%add3A, %dma_start3A_237, %dma_start3A_238] : memref<32x160x64xi32, #tpu.memory_space<hbm>> -> memref<1x160x64xi32, #tpu.memory_space<hbm>>
    %dma_start3A_240 = tpu.memref_squeeze %dma_start3A_239 : memref<1x160x64xi32, #tpu.memory_space<hbm>> -> memref<160x64xi32, #tpu.memory_space<hbm>>
    %dma_start3A_241 = arith.constant 0 : i32
    %dma_start3A_242 = tpu.memref_slice %dma_start3A_240[%dma_start3A_222, %dma_start3A_241] : memref<160x64xi32, #tpu.memory_space<hbm>> -> memref<1x64xi32, #tpu.memory_space<hbm>>
    %dma_start3A_243 = tpu.memref_squeeze %dma_start3A_242 : memref<1x64xi32, #tpu.memory_space<hbm>> -> memref<64xi32, #tpu.memory_space<hbm>>
    tpu.enqueue_dma source(%dma_start3A_243 : memref<64xi32, #tpu.memory_space<hbm>>) target(%dma_start3A_236 : memref<64xi32, #tpu.memory_space<vmem>>) target_semaphore(%arg16 : memref<!tpu.dma_semaphore, #tpu.memory_space<semaphore_mem>>)
    %dma_start3A_244 = arith.constant 5 : i32
    %dma_start3A_245 = arith.constant 5 : i32
    %dma_start3A_246 = arith.constant 0 : i32
    %dma_start3A_247 = tpu.memref_slice %arg8[%dma_start3A_245, %dma_start3A_246] : memref<8x64xi32, #tpu.memory_space<vmem>> -> memref<1x64xi32, #tpu.memory_space<vmem>>
    %dma_start3A_248 = tpu.memref_squeeze %dma_start3A_247 : memref<1x64xi32, #tpu.memory_space<vmem>> -> memref<64xi32, #tpu.memory_space<vmem>>
    %dma_start3A_249 = arith.constant 0 : i32
    %dma_start3A_250 = arith.constant 0 : i32
    %dma_start3A_251 = tpu.memref_slice %arg3[%add3A, %dma_start3A_249, %dma_start3A_250] : memref<32x160x64xi32, #tpu.memory_space<hbm>> -> memref<1x160x64xi32, #tpu.memory_space<hbm>>
    %dma_start3A_252 = tpu.memref_squeeze %dma_start3A_251 : memref<1x160x64xi32, #tpu.memory_space<hbm>> -> memref<160x64xi32, #tpu.memory_space<hbm>>
    %dma_start3A_253 = arith.constant 0 : i32
    %dma_start3A_254 = tpu.memref_slice %dma_start3A_252[%dma_start3A_244, %dma_start3A_253] : memref<160x64xi32, #tpu.memory_space<hbm>> -> memref<1x64xi32, #tpu.memory_space<hbm>>
    %dma_start3A_255 = tpu.memref_squeeze %dma_start3A_254 : memref<1x64xi32, #tpu.memory_space<hbm>> -> memref<64xi32, #tpu.memory_space<hbm>>
    %dma_start3A_256 = arith.constant 0 : i32
    %dma_start3A_257 = tpu.memref_slice %arg8[%dma_start3A_245, %dma_start3A_256] : memref<8x64xi32, #tpu.memory_space<vmem>> -> memref<1x64xi32, #tpu.memory_space<vmem>>
    %dma_start3A_258 = tpu.memref_squeeze %dma_start3A_257 : memref<1x64xi32, #tpu.memory_space<vmem>> -> memref<64xi32, #tpu.memory_space<vmem>>
    %dma_start3A_259 = arith.constant 0 : i32
    %dma_start3A_260 = arith.constant 0 : i32
    %dma_start3A_261 = tpu.memref_slice %arg3[%add3A, %dma_start3A_259, %dma_start3A_260] : memref<32x160x64xi32, #tpu.memory_space<hbm>> -> memref<1x160x64xi32, #tpu.memory_space<hbm>>
    %dma_start3A_262 = tpu.memref_squeeze %dma_start3A_261 : memref<1x160x64xi32, #tpu.memory_space<hbm>> -> memref<160x64xi32, #tpu.memory_space<hbm>>
    %dma_start3A_263 = arith.constant 0 : i32
    %dma_start3A_264 = tpu.memref_slice %dma_start3A_262[%dma_start3A_244, %dma_start3A_263] : memref<160x64xi32, #tpu.memory_space<hbm>> -> memref<1x64xi32, #tpu.memory_space<hbm>>
    %dma_start3A_265 = tpu.memref_squeeze %dma_start3A_264 : memref<1x64xi32, #tpu.memory_space<hbm>> -> memref<64xi32, #tpu.memory_space<hbm>>
    tpu.enqueue_dma source(%dma_start3A_265 : memref<64xi32, #tpu.memory_space<hbm>>) target(%dma_start3A_258 : memref<64xi32, #tpu.memory_space<vmem>>) target_semaphore(%arg24 : memref<!tpu.dma_semaphore, #tpu.memory_space<semaphore_mem>>)
    %dma_start3A_266 = arith.constant 6 : i32
    %dma_start3A_267 = arith.constant 6 : i32
    %dma_start3A_268 = arith.constant 0 : i32
    %dma_start3A_269 = tpu.memref_slice %arg7[%dma_start3A_267, %dma_start3A_268] : memref<8x64xi32, #tpu.memory_space<vmem>> -> memref<1x64xi32, #tpu.memory_space<vmem>>
    %dma_start3A_270 = tpu.memref_squeeze %dma_start3A_269 : memref<1x64xi32, #tpu.memory_space<vmem>> -> memref<64xi32, #tpu.memory_space<vmem>>
    %dma_start3A_271 = arith.constant 0 : i32
    %dma_start3A_272 = arith.constant 0 : i32
    %dma_start3A_273 = tpu.memref_slice %arg2[%add3A, %dma_start3A_271, %dma_start3A_272] : memref<32x160x64xi32, #tpu.memory_space<hbm>> -> memref<1x160x64xi32, #tpu.memory_space<hbm>>
    %dma_start3A_274 = tpu.memref_squeeze %dma_start3A_273 : memref<1x160x64xi32, #tpu.memory_space<hbm>> -> memref<160x64xi32, #tpu.memory_space<hbm>>
    %dma_start3A_275 = arith.constant 0 : i32
    %dma_start3A_276 = tpu.memref_slice %dma_start3A_274[%dma_start3A_266, %dma_start3A_275] : memref<160x64xi32, #tpu.memory_space<hbm>> -> memref<1x64xi32, #tpu.memory_space<hbm>>
    %dma_start3A_277 = tpu.memref_squeeze %dma_start3A_276 : memref<1x64xi32, #tpu.memory_space<hbm>> -> memref<64xi32, #tpu.memory_space<hbm>>
    %dma_start3A_278 = arith.constant 0 : i32
    %dma_start3A_279 = tpu.memref_slice %arg7[%dma_start3A_267, %dma_start3A_278] : memref<8x64xi32, #tpu.memory_space<vmem>> -> memref<1x64xi32, #tpu.memory_space<vmem>>
    %dma_start3A_280 = tpu.memref_squeeze %dma_start3A_279 : memref<1x64xi32, #tpu.memory_space<vmem>> -> memref<64xi32, #tpu.memory_space<vmem>>
    %dma_start3A_281 = arith.constant 0 : i32
    %dma_start3A_282 = arith.constant 0 : i32
    %dma_start3A_283 = tpu.memref_slice %arg2[%add3A, %dma_start3A_281, %dma_start3A_282] : memref<32x160x64xi32, #tpu.memory_space<hbm>> -> memref<1x160x64xi32, #tpu.memory_space<hbm>>
    %dma_start3A_284 = tpu.memref_squeeze %dma_start3A_283 : memref<1x160x64xi32, #tpu.memory_space<hbm>> -> memref<160x64xi32, #tpu.memory_space<hbm>>
    %dma_start3A_285 = arith.constant 0 : i32
    %dma_start3A_286 = tpu.memref_slice %dma_start3A_284[%dma_start3A_266, %dma_start3A_285] : memref<160x64xi32, #tpu.memory_space<hbm>> -> memref<1x64xi32, #tpu.memory_space<hbm>>
    %dma_start3A_287 = tpu.memref_squeeze %dma_start3A_286 : memref<1x64xi32, #tpu.memory_space<hbm>> -> memref<64xi32, #tpu.memory_space<hbm>>
    tpu.enqueue_dma source(%dma_start3A_287 : memref<64xi32, #tpu.memory_space<hbm>>) target(%dma_start3A_280 : memref<64xi32, #tpu.memory_space<vmem>>) target_semaphore(%arg17 : memref<!tpu.dma_semaphore, #tpu.memory_space<semaphore_mem>>)
    %dma_start3A_288 = arith.constant 6 : i32
    %dma_start3A_289 = arith.constant 6 : i32
    %dma_start3A_290 = arith.constant 0 : i32
    %dma_start3A_291 = tpu.memref_slice %arg8[%dma_start3A_289, %dma_start3A_290] : memref<8x64xi32, #tpu.memory_space<vmem>> -> memref<1x64xi32, #tpu.memory_space<vmem>>
    %dma_start3A_292 = tpu.memref_squeeze %dma_start3A_291 : memref<1x64xi32, #tpu.memory_space<vmem>> -> memref<64xi32, #tpu.memory_space<vmem>>
    %dma_start3A_293 = arith.constant 0 : i32
    %dma_start3A_294 = arith.constant 0 : i32
    %dma_start3A_295 = tpu.memref_slice %arg3[%add3A, %dma_start3A_293, %dma_start3A_294] : memref<32x160x64xi32, #tpu.memory_space<hbm>> -> memref<1x160x64xi32, #tpu.memory_space<hbm>>
    %dma_start3A_296 = tpu.memref_squeeze %dma_start3A_295 : memref<1x160x64xi32, #tpu.memory_space<hbm>> -> memref<160x64xi32, #tpu.memory_space<hbm>>
    %dma_start3A_297 = arith.constant 0 : i32
    %dma_start3A_298 = tpu.memref_slice %dma_start3A_296[%dma_start3A_288, %dma_start3A_297] : memref<160x64xi32, #tpu.memory_space<hbm>> -> memref<1x64xi32, #tpu.memory_space<hbm>>
    %dma_start3A_299 = tpu.memref_squeeze %dma_start3A_298 : memref<1x64xi32, #tpu.memory_space<hbm>> -> memref<64xi32, #tpu.memory_space<hbm>>
    %dma_start3A_300 = arith.constant 0 : i32
    %dma_start3A_301 = tpu.memref_slice %arg8[%dma_start3A_289, %dma_start3A_300] : memref<8x64xi32, #tpu.memory_space<vmem>> -> memref<1x64xi32, #tpu.memory_space<vmem>>
    %dma_start3A_302 = tpu.memref_squeeze %dma_start3A_301 : memref<1x64xi32, #tpu.memory_space<vmem>> -> memref<64xi32, #tpu.memory_space<vmem>>
    %dma_start3A_303 = arith.constant 0 : i32
    %dma_start3A_304 = arith.constant 0 : i32
    %dma_start3A_305 = tpu.memref_slice %arg3[%add3A, %dma_start3A_303, %dma_start3A_304] : memref<32x160x64xi32, #tpu.memory_space<hbm>> -> memref<1x160x64xi32, #tpu.memory_space<hbm>>
    %dma_start3A_306 = tpu.memref_squeeze %dma_start3A_305 : memref<1x160x64xi32, #tpu.memory_space<hbm>> -> memref<160x64xi32, #tpu.memory_space<hbm>>
    %dma_start3A_307 = arith.constant 0 : i32
    %dma_start3A_308 = tpu.memref_slice %dma_start3A_306[%dma_start3A_288, %dma_start3A_307] : memref<160x64xi32, #tpu.memory_space<hbm>> -> memref<1x64xi32, #tpu.memory_space<hbm>>
    %dma_start3A_309 = tpu.memref_squeeze %dma_start3A_308 : memref<1x64xi32, #tpu.memory_space<hbm>> -> memref<64xi32, #tpu.memory_space<hbm>>
    tpu.enqueue_dma source(%dma_start3A_309 : memref<64xi32, #tpu.memory_space<hbm>>) target(%dma_start3A_302 : memref<64xi32, #tpu.memory_space<vmem>>) target_semaphore(%arg25 : memref<!tpu.dma_semaphore, #tpu.memory_space<semaphore_mem>>)
    %dma_start3A_310 = arith.constant 7 : i32
    %dma_start3A_311 = arith.constant 7 : i32
    %dma_start3A_312 = arith.constant 0 : i32
    %dma_start3A_313 = tpu.memref_slice %arg7[%dma_start3A_311, %dma_start3A_312] : memref<8x64xi32, #tpu.memory_space<vmem>> -> memref<1x64xi32, #tpu.memory_space<vmem>>
    %dma_start3A_314 = tpu.memref_squeeze %dma_start3A_313 : memref<1x64xi32, #tpu.memory_space<vmem>> -> memref<64xi32, #tpu.memory_space<vmem>>
    %dma_start3A_315 = arith.constant 0 : i32
    %dma_start3A_316 = arith.constant 0 : i32
    %dma_start3A_317 = tpu.memref_slice %arg2[%add3A, %dma_start3A_315, %dma_start3A_316] : memref<32x160x64xi32, #tpu.memory_space<hbm>> -> memref<1x160x64xi32, #tpu.memory_space<hbm>>
    %dma_start3A_318 = tpu.memref_squeeze %dma_start3A_317 : memref<1x160x64xi32, #tpu.memory_space<hbm>> -> memref<160x64xi32, #tpu.memory_space<hbm>>
    %dma_start3A_319 = arith.constant 0 : i32
    %dma_start3A_320 = tpu.memref_slice %dma_start3A_318[%dma_start3A_310, %dma_start3A_319] : memref<160x64xi32, #tpu.memory_space<hbm>> -> memref<1x64xi32, #tpu.memory_space<hbm>>
    %dma_start3A_321 = tpu.memref_squeeze %dma_start3A_320 : memref<1x64xi32, #tpu.memory_space<hbm>> -> memref<64xi32, #tpu.memory_space<hbm>>
    %dma_start3A_322 = arith.constant 0 : i32
    %dma_start3A_323 = tpu.memref_slice %arg7[%dma_start3A_311, %dma_start3A_322] : memref<8x64xi32, #tpu.memory_space<vmem>> -> memref<1x64xi32, #tpu.memory_space<vmem>>
    %dma_start3A_324 = tpu.memref_squeeze %dma_start3A_323 : memref<1x64xi32, #tpu.memory_space<vmem>> -> memref<64xi32, #tpu.memory_space<vmem>>
    %dma_start3A_325 = arith.constant 0 : i32
    %dma_start3A_326 = arith.constant 0 : i32
    %dma_start3A_327 = tpu.memref_slice %arg2[%add3A, %dma_start3A_325, %dma_start3A_326] : memref<32x160x64xi32, #tpu.memory_space<hbm>> -> memref<1x160x64xi32, #tpu.memory_space<hbm>>
    %dma_start3A_328 = tpu.memref_squeeze %dma_start3A_327 : memref<1x160x64xi32, #tpu.memory_space<hbm>> -> memref<160x64xi32, #tpu.memory_space<hbm>>
    %dma_start3A_329 = arith.constant 0 : i32
    %dma_start3A_330 = tpu.memref_slice %dma_start3A_328[%dma_start3A_310, %dma_start3A_329] : memref<160x64xi32, #tpu.memory_space<hbm>> -> memref<1x64xi32, #tpu.memory_space<hbm>>
    %dma_start3A_331 = tpu.memref_squeeze %dma_start3A_330 : memref<1x64xi32, #tpu.memory_space<hbm>> -> memref<64xi32, #tpu.memory_space<hbm>>
    tpu.enqueue_dma source(%dma_start3A_331 : memref<64xi32, #tpu.memory_space<hbm>>) target(%dma_start3A_324 : memref<64xi32, #tpu.memory_space<vmem>>) target_semaphore(%arg18 : memref<!tpu.dma_semaphore, #tpu.memory_space<semaphore_mem>>)
    %dma_start3A_332 = arith.constant 7 : i32
    %dma_start3A_333 = arith.constant 7 : i32
    %dma_start3A_334 = arith.constant 0 : i32
    %dma_start3A_335 = tpu.memref_slice %arg8[%dma_start3A_333, %dma_start3A_334] : memref<8x64xi32, #tpu.memory_space<vmem>> -> memref<1x64xi32, #tpu.memory_space<vmem>>
    %dma_start3A_336 = tpu.memref_squeeze %dma_start3A_335 : memref<1x64xi32, #tpu.memory_space<vmem>> -> memref<64xi32, #tpu.memory_space<vmem>>
    %dma_start3A_337 = arith.constant 0 : i32
    %dma_start3A_338 = arith.constant 0 : i32
    %dma_start3A_339 = tpu.memref_slice %arg3[%add3A, %dma_start3A_337, %dma_start3A_338] : memref<32x160x64xi32, #tpu.memory_space<hbm>> -> memref<1x160x64xi32, #tpu.memory_space<hbm>>
    %dma_start3A_340 = tpu.memref_squeeze %dma_start3A_339 : memref<1x160x64xi32, #tpu.memory_space<hbm>> -> memref<160x64xi32, #tpu.memory_space<hbm>>
    %dma_start3A_341 = arith.constant 0 : i32
    %dma_start3A_342 = tpu.memref_slice %dma_start3A_340[%dma_start3A_332, %dma_start3A_341] : memref<160x64xi32, #tpu.memory_space<hbm>> -> memref<1x64xi32, #tpu.memory_space<hbm>>
    %dma_start3A_343 = tpu.memref_squeeze %dma_start3A_342 : memref<1x64xi32, #tpu.memory_space<hbm>> -> memref<64xi32, #tpu.memory_space<hbm>>
    %dma_start3A_344 = arith.constant 0 : i32
    %dma_start3A_345 = tpu.memref_slice %arg8[%dma_start3A_333, %dma_start3A_344] : memref<8x64xi32, #tpu.memory_space<vmem>> -> memref<1x64xi32, #tpu.memory_space<vmem>>
    %dma_start3A_346 = tpu.memref_squeeze %dma_start3A_345 : memref<1x64xi32, #tpu.memory_space<vmem>> -> memref<64xi32, #tpu.memory_space<vmem>>
    %dma_start3A_347 = arith.constant 0 : i32
    %dma_start3A_348 = arith.constant 0 : i32
    %dma_start3A_349 = tpu.memref_slice %arg3[%add3A, %dma_start3A_347, %dma_start3A_348] : memref<32x160x64xi32, #tpu.memory_space<hbm>> -> memref<1x160x64xi32, #tpu.memory_space<hbm>>
    %dma_start3A_350 = tpu.memref_squeeze %dma_start3A_349 : memref<1x160x64xi32, #tpu.memory_space<hbm>> -> memref<160x64xi32, #tpu.memory_space<hbm>>
    %dma_start3A_351 = arith.constant 0 : i32
    %dma_start3A_352 = tpu.memref_slice %dma_start3A_350[%dma_start3A_332, %dma_start3A_351] : memref<160x64xi32, #tpu.memory_space<hbm>> -> memref<1x64xi32, #tpu.memory_space<hbm>>
    %dma_start3A_353 = tpu.memref_squeeze %dma_start3A_352 : memref<1x64xi32, #tpu.memory_space<hbm>> -> memref<64xi32, #tpu.memory_space<hbm>>
    tpu.enqueue_dma source(%dma_start3A_353 : memref<64xi32, #tpu.memory_space<hbm>>) target(%dma_start3A_346 : memref<64xi32, #tpu.memory_space<vmem>>) target_semaphore(%arg26 : memref<!tpu.dma_semaphore, #tpu.memory_space<semaphore_mem>>)
    %dma_wait3A = arith.constant 0 : i32
    %dma_wait3A_354 = arith.constant 0 : i32
    %dma_wait3A_355 = arith.constant 0 : i32
    %dma_wait3A_356 = tpu.memref_slice %arg8[%dma_wait3A_354, %dma_wait3A_355] : memref<8x64xi32, #tpu.memory_space<vmem>> -> memref<1x64xi32, #tpu.memory_space<vmem>>
    %dma_wait3A_357 = tpu.memref_squeeze %dma_wait3A_356 : memref<1x64xi32, #tpu.memory_space<vmem>> -> memref<64xi32, #tpu.memory_space<vmem>>
    %dma_wait3A_358 = arith.constant 0 : i32
    %dma_wait3A_359 = arith.constant 0 : i32
    %dma_wait3A_360 = tpu.memref_slice %arg3[%add3A, %dma_wait3A_358, %dma_wait3A_359] : memref<32x160x64xi32, #tpu.memory_space<hbm>> -> memref<1x160x64xi32, #tpu.memory_space<hbm>>
    %dma_wait3A_361 = tpu.memref_squeeze %dma_wait3A_360 : memref<1x160x64xi32, #tpu.memory_space<hbm>> -> memref<160x64xi32, #tpu.memory_space<hbm>>
    %dma_wait3A_362 = arith.constant 0 : i32
    %dma_wait3A_363 = tpu.memref_slice %dma_wait3A_361[%dma_wait3A, %dma_wait3A_362] : memref<160x64xi32, #tpu.memory_space<hbm>> -> memref<1x64xi32, #tpu.memory_space<hbm>>
    %dma_wait3A_364 = tpu.memref_squeeze %dma_wait3A_363 : memref<1x64xi32, #tpu.memory_space<hbm>> -> memref<64xi32, #tpu.memory_space<hbm>>
    %dma_wait3A_365 = arith.constant 0 : i32
    %dma_wait3A_366 = tpu.memref_slice %arg8[%dma_wait3A_354, %dma_wait3A_365] : memref<8x64xi32, #tpu.memory_space<vmem>> -> memref<1x64xi32, #tpu.memory_space<vmem>>
    %dma_wait3A_367 = tpu.memref_squeeze %dma_wait3A_366 : memref<1x64xi32, #tpu.memory_space<vmem>> -> memref<64xi32, #tpu.memory_space<vmem>>
    %dma_wait3A_368 = arith.constant 0 : i32
    %dma_wait3A_369 = arith.constant 0 : i32
    %dma_wait3A_370 = tpu.memref_slice %arg3[%add3A, %dma_wait3A_368, %dma_wait3A_369] : memref<32x160x64xi32, #tpu.memory_space<hbm>> -> memref<1x160x64xi32, #tpu.memory_space<hbm>>
    %dma_wait3A_371 = tpu.memref_squeeze %dma_wait3A_370 : memref<1x160x64xi32, #tpu.memory_space<hbm>> -> memref<160x64xi32, #tpu.memory_space<hbm>>
    %dma_wait3A_372 = arith.constant 0 : i32
    %dma_wait3A_373 = tpu.memref_slice %dma_wait3A_371[%dma_wait3A, %dma_wait3A_372] : memref<160x64xi32, #tpu.memory_space<hbm>> -> memref<1x64xi32, #tpu.memory_space<hbm>>
    %dma_wait3A_374 = tpu.memref_squeeze %dma_wait3A_373 : memref<1x64xi32, #tpu.memory_space<hbm>> -> memref<64xi32, #tpu.memory_space<hbm>>
    tpu.wait_dma2 semaphore(%arg19 : memref<!tpu.dma_semaphore, #tpu.memory_space<semaphore_mem>>) src(%dma_wait3A_374 : memref<64xi32, #tpu.memory_space<hbm>>) dst(%dma_wait3A_367 : memref<64xi32, #tpu.memory_space<vmem>>)
    %dma_start3A_375 = arith.constant 0 : i32
    %dma_start3A_376 = arith.constant 0 : i32
    %dma_start3A_377 = arith.constant 0 : i32
    %dma_start3A_378 = arith.constant 0 : i32
    %dma_start3A_379 = tpu.memref_slice %arg9[%dma_start3A_376, %dma_start3A_377, %dma_start3A_378] : memref<4x64x128xf32, #tpu.memory_space<vmem>> -> memref<1x64x128xf32, #tpu.memory_space<vmem>>
    %dma_start3A_380 = tpu.memref_squeeze %dma_start3A_379 : memref<1x64x128xf32, #tpu.memory_space<vmem>> -> memref<64x128xf32, #tpu.memory_space<vmem>>
    %dma_start3A_381 = arith.constant 0 : i32
    %dma_start3A_382 = tpu.memref_slice %arg8[%dma_start3A_375, %dma_start3A_381] : memref<8x64xi32, #tpu.memory_space<vmem>> -> memref<1x64xi32, #tpu.memory_space<vmem>>
    %dma_start3A_383 = tpu.memref_squeeze %dma_start3A_382 : memref<1x64xi32, #tpu.memory_space<vmem>> -> memref<64xi32, #tpu.memory_space<vmem>>
    %dma_start3A_384 = arith.constant 0 : i32
    %dma_start3A_385 = arith.constant 0 : i32
    %dma_start3A_386 = tpu.memref_slice %arg4[%dma_start3A_384, %dma_start3A_385] : memref<10240x128xf32, #tpu.memory_space<hbm>> -> memref<10240x128xf32, #tpu.memory_space<hbm>>
    tpu.enqueue_indirect_dma source(%dma_start3A_386 : memref<10240x128xf32, #tpu.memory_space<hbm>>) target(%dma_start3A_380 : memref<64x128xf32, #tpu.memory_space<vmem>>) offsets(%dma_start3A_383 : memref<64xi32, #tpu.memory_space<vmem>>) semaphore(%arg27 : memref<!tpu.dma_semaphore, #tpu.memory_space<semaphore_mem>>)
    %dma_wait3A_387 = arith.constant 1 : i32
    %dma_wait3A_388 = arith.constant 1 : i32
    %dma_wait3A_389 = arith.constant 0 : i32
    %dma_wait3A_390 = tpu.memref_slice %arg8[%dma_wait3A_388, %dma_wait3A_389] : memref<8x64xi32, #tpu.memory_space<vmem>> -> memref<1x64xi32, #tpu.memory_space<vmem>>
    %dma_wait3A_391 = tpu.memref_squeeze %dma_wait3A_390 : memref<1x64xi32, #tpu.memory_space<vmem>> -> memref<64xi32, #tpu.memory_space<vmem>>
    %dma_wait3A_392 = arith.constant 0 : i32
    %dma_wait3A_393 = arith.constant 0 : i32
    %dma_wait3A_394 = tpu.memref_slice %arg3[%add3A, %dma_wait3A_392, %dma_wait3A_393] : memref<32x160x64xi32, #tpu.memory_space<hbm>> -> memref<1x160x64xi32, #tpu.memory_space<hbm>>
    %dma_wait3A_395 = tpu.memref_squeeze %dma_wait3A_394 : memref<1x160x64xi32, #tpu.memory_space<hbm>> -> memref<160x64xi32, #tpu.memory_space<hbm>>
    %dma_wait3A_396 = arith.constant 0 : i32
    %dma_wait3A_397 = tpu.memref_slice %dma_wait3A_395[%dma_wait3A_387, %dma_wait3A_396] : memref<160x64xi32, #tpu.memory_space<hbm>> -> memref<1x64xi32, #tpu.memory_space<hbm>>
    %dma_wait3A_398 = tpu.memref_squeeze %dma_wait3A_397 : memref<1x64xi32, #tpu.memory_space<hbm>> -> memref<64xi32, #tpu.memory_space<hbm>>
    %dma_wait3A_399 = arith.constant 0 : i32
    %dma_wait3A_400 = tpu.memref_slice %arg8[%dma_wait3A_388, %dma_wait3A_399] : memref<8x64xi32, #tpu.memory_space<vmem>> -> memref<1x64xi32, #tpu.memory_space<vmem>>
    %dma_wait3A_401 = tpu.memref_squeeze %dma_wait3A_400 : memref<1x64xi32, #tpu.memory_space<vmem>> -> memref<64xi32, #tpu.memory_space<vmem>>
    %dma_wait3A_402 = arith.constant 0 : i32
    %dma_wait3A_403 = arith.constant 0 : i32
    %dma_wait3A_404 = tpu.memref_slice %arg3[%add3A, %dma_wait3A_402, %dma_wait3A_403] : memref<32x160x64xi32, #tpu.memory_space<hbm>> -> memref<1x160x64xi32, #tpu.memory_space<hbm>>
    %dma_wait3A_405 = tpu.memref_squeeze %dma_wait3A_404 : memref<1x160x64xi32, #tpu.memory_space<hbm>> -> memref<160x64xi32, #tpu.memory_space<hbm>>
    %dma_wait3A_406 = arith.constant 0 : i32
    %dma_wait3A_407 = tpu.memref_slice %dma_wait3A_405[%dma_wait3A_387, %dma_wait3A_406] : memref<160x64xi32, #tpu.memory_space<hbm>> -> memref<1x64xi32, #tpu.memory_space<hbm>>
    %dma_wait3A_408 = tpu.memref_squeeze %dma_wait3A_407 : memref<1x64xi32, #tpu.memory_space<hbm>> -> memref<64xi32, #tpu.memory_space<hbm>>
    tpu.wait_dma2 semaphore(%arg20 : memref<!tpu.dma_semaphore, #tpu.memory_space<semaphore_mem>>) src(%dma_wait3A_408 : memref<64xi32, #tpu.memory_space<hbm>>) dst(%dma_wait3A_401 : memref<64xi32, #tpu.memory_space<vmem>>)
    %dma_start3A_409 = arith.constant 1 : i32
    %dma_start3A_410 = arith.constant 1 : i32
    %dma_start3A_411 = arith.constant 0 : i32
    %dma_start3A_412 = arith.constant 0 : i32
    %dma_start3A_413 = tpu.memref_slice %arg9[%dma_start3A_410, %dma_start3A_411, %dma_start3A_412] : memref<4x64x128xf32, #tpu.memory_space<vmem>> -> memref<1x64x128xf32, #tpu.memory_space<vmem>>
    %dma_start3A_414 = tpu.memref_squeeze %dma_start3A_413 : memref<1x64x128xf32, #tpu.memory_space<vmem>> -> memref<64x128xf32, #tpu.memory_space<vmem>>
    %dma_start3A_415 = arith.constant 0 : i32
    %dma_start3A_416 = tpu.memref_slice %arg8[%dma_start3A_409, %dma_start3A_415] : memref<8x64xi32, #tpu.memory_space<vmem>> -> memref<1x64xi32, #tpu.memory_space<vmem>>
    %dma_start3A_417 = tpu.memref_squeeze %dma_start3A_416 : memref<1x64xi32, #tpu.memory_space<vmem>> -> memref<64xi32, #tpu.memory_space<vmem>>
    %dma_start3A_418 = arith.constant 0 : i32
    %dma_start3A_419 = arith.constant 0 : i32
    %dma_start3A_420 = tpu.memref_slice %arg4[%dma_start3A_418, %dma_start3A_419] : memref<10240x128xf32, #tpu.memory_space<hbm>> -> memref<10240x128xf32, #tpu.memory_space<hbm>>
    tpu.enqueue_indirect_dma source(%dma_start3A_420 : memref<10240x128xf32, #tpu.memory_space<hbm>>) target(%dma_start3A_414 : memref<64x128xf32, #tpu.memory_space<vmem>>) offsets(%dma_start3A_417 : memref<64xi32, #tpu.memory_space<vmem>>) semaphore(%arg28 : memref<!tpu.dma_semaphore, #tpu.memory_space<semaphore_mem>>)
    %dma_wait3A_421 = arith.constant 2 : i32
    %dma_wait3A_422 = arith.constant 2 : i32
    %dma_wait3A_423 = arith.constant 0 : i32
    %dma_wait3A_424 = tpu.memref_slice %arg8[%dma_wait3A_422, %dma_wait3A_423] : memref<8x64xi32, #tpu.memory_space<vmem>> -> memref<1x64xi32, #tpu.memory_space<vmem>>
    %dma_wait3A_425 = tpu.memref_squeeze %dma_wait3A_424 : memref<1x64xi32, #tpu.memory_space<vmem>> -> memref<64xi32, #tpu.memory_space<vmem>>
    %dma_wait3A_426 = arith.constant 0 : i32
    %dma_wait3A_427 = arith.constant 0 : i32
    %dma_wait3A_428 = tpu.memref_slice %arg3[%add3A, %dma_wait3A_426, %dma_wait3A_427] : memref<32x160x64xi32, #tpu.memory_space<hbm>> -> memref<1x160x64xi32, #tpu.memory_space<hbm>>
    %dma_wait3A_429 = tpu.memref_squeeze %dma_wait3A_428 : memref<1x160x64xi32, #tpu.memory_space<hbm>> -> memref<160x64xi32, #tpu.memory_space<hbm>>
    %dma_wait3A_430 = arith.constant 0 : i32
    %dma_wait3A_431 = tpu.memref_slice %dma_wait3A_429[%dma_wait3A_421, %dma_wait3A_430] : memref<160x64xi32, #tpu.memory_space<hbm>> -> memref<1x64xi32, #tpu.memory_space<hbm>>
    %dma_wait3A_432 = tpu.memref_squeeze %dma_wait3A_431 : memref<1x64xi32, #tpu.memory_space<hbm>> -> memref<64xi32, #tpu.memory_space<hbm>>
    %dma_wait3A_433 = arith.constant 0 : i32
    %dma_wait3A_434 = tpu.memref_slice %arg8[%dma_wait3A_422, %dma_wait3A_433] : memref<8x64xi32, #tpu.memory_space<vmem>> -> memref<1x64xi32, #tpu.memory_space<vmem>>
    %dma_wait3A_435 = tpu.memref_squeeze %dma_wait3A_434 : memref<1x64xi32, #tpu.memory_space<vmem>> -> memref<64xi32, #tpu.memory_space<vmem>>
    %dma_wait3A_436 = arith.constant 0 : i32
    %dma_wait3A_437 = arith.constant 0 : i32
    %dma_wait3A_438 = tpu.memref_slice %arg3[%add3A, %dma_wait3A_436, %dma_wait3A_437] : memref<32x160x64xi32, #tpu.memory_space<hbm>> -> memref<1x160x64xi32, #tpu.memory_space<hbm>>
    %dma_wait3A_439 = tpu.memref_squeeze %dma_wait3A_438 : memref<1x160x64xi32, #tpu.memory_space<hbm>> -> memref<160x64xi32, #tpu.memory_space<hbm>>
    %dma_wait3A_440 = arith.constant 0 : i32
    %dma_wait3A_441 = tpu.memref_slice %dma_wait3A_439[%dma_wait3A_421, %dma_wait3A_440] : memref<160x64xi32, #tpu.memory_space<hbm>> -> memref<1x64xi32, #tpu.memory_space<hbm>>
    %dma_wait3A_442 = tpu.memref_squeeze %dma_wait3A_441 : memref<1x64xi32, #tpu.memory_space<hbm>> -> memref<64xi32, #tpu.memory_space<hbm>>
    tpu.wait_dma2 semaphore(%arg21 : memref<!tpu.dma_semaphore, #tpu.memory_space<semaphore_mem>>) src(%dma_wait3A_442 : memref<64xi32, #tpu.memory_space<hbm>>) dst(%dma_wait3A_435 : memref<64xi32, #tpu.memory_space<vmem>>)
    %dma_start3A_443 = arith.constant 2 : i32
    %dma_start3A_444 = arith.constant 2 : i32
    %dma_start3A_445 = arith.constant 0 : i32
    %dma_start3A_446 = arith.constant 0 : i32
    %dma_start3A_447 = tpu.memref_slice %arg9[%dma_start3A_444, %dma_start3A_445, %dma_start3A_446] : memref<4x64x128xf32, #tpu.memory_space<vmem>> -> memref<1x64x128xf32, #tpu.memory_space<vmem>>
    %dma_start3A_448 = tpu.memref_squeeze %dma_start3A_447 : memref<1x64x128xf32, #tpu.memory_space<vmem>> -> memref<64x128xf32, #tpu.memory_space<vmem>>
    %dma_start3A_449 = arith.constant 0 : i32
    %dma_start3A_450 = tpu.memref_slice %arg8[%dma_start3A_443, %dma_start3A_449] : memref<8x64xi32, #tpu.memory_space<vmem>> -> memref<1x64xi32, #tpu.memory_space<vmem>>
    %dma_start3A_451 = tpu.memref_squeeze %dma_start3A_450 : memref<1x64xi32, #tpu.memory_space<vmem>> -> memref<64xi32, #tpu.memory_space<vmem>>
    %dma_start3A_452 = arith.constant 0 : i32
    %dma_start3A_453 = arith.constant 0 : i32
    %dma_start3A_454 = tpu.memref_slice %arg4[%dma_start3A_452, %dma_start3A_453] : memref<10240x128xf32, #tpu.memory_space<hbm>> -> memref<10240x128xf32, #tpu.memory_space<hbm>>
    tpu.enqueue_indirect_dma source(%dma_start3A_454 : memref<10240x128xf32, #tpu.memory_space<hbm>>) target(%dma_start3A_448 : memref<64x128xf32, #tpu.memory_space<vmem>>) offsets(%dma_start3A_451 : memref<64xi32, #tpu.memory_space<vmem>>) semaphore(%arg29 : memref<!tpu.dma_semaphore, #tpu.memory_space<semaphore_mem>>)
    %dma_wait3A_455 = arith.constant 3 : i32
    %dma_wait3A_456 = arith.constant 3 : i32
    %dma_wait3A_457 = arith.constant 0 : i32
    %dma_wait3A_458 = tpu.memref_slice %arg8[%dma_wait3A_456, %dma_wait3A_457] : memref<8x64xi32, #tpu.memory_space<vmem>> -> memref<1x64xi32, #tpu.memory_space<vmem>>
    %dma_wait3A_459 = tpu.memref_squeeze %dma_wait3A_458 : memref<1x64xi32, #tpu.memory_space<vmem>> -> memref<64xi32, #tpu.memory_space<vmem>>
    %dma_wait3A_460 = arith.constant 0 : i32
    %dma_wait3A_461 = arith.constant 0 : i32
    %dma_wait3A_462 = tpu.memref_slice %arg3[%add3A, %dma_wait3A_460, %dma_wait3A_461] : memref<32x160x64xi32, #tpu.memory_space<hbm>> -> memref<1x160x64xi32, #tpu.memory_space<hbm>>
    %dma_wait3A_463 = tpu.memref_squeeze %dma_wait3A_462 : memref<1x160x64xi32, #tpu.memory_space<hbm>> -> memref<160x64xi32, #tpu.memory_space<hbm>>
    %dma_wait3A_464 = arith.constant 0 : i32
    %dma_wait3A_465 = tpu.memref_slice %dma_wait3A_463[%dma_wait3A_455, %dma_wait3A_464] : memref<160x64xi32, #tpu.memory_space<hbm>> -> memref<1x64xi32, #tpu.memory_space<hbm>>
    %dma_wait3A_466 = tpu.memref_squeeze %dma_wait3A_465 : memref<1x64xi32, #tpu.memory_space<hbm>> -> memref<64xi32, #tpu.memory_space<hbm>>
    %dma_wait3A_467 = arith.constant 0 : i32
    %dma_wait3A_468 = tpu.memref_slice %arg8[%dma_wait3A_456, %dma_wait3A_467] : memref<8x64xi32, #tpu.memory_space<vmem>> -> memref<1x64xi32, #tpu.memory_space<vmem>>
    %dma_wait3A_469 = tpu.memref_squeeze %dma_wait3A_468 : memref<1x64xi32, #tpu.memory_space<vmem>> -> memref<64xi32, #tpu.memory_space<vmem>>
    %dma_wait3A_470 = arith.constant 0 : i32
    %dma_wait3A_471 = arith.constant 0 : i32
    %dma_wait3A_472 = tpu.memref_slice %arg3[%add3A, %dma_wait3A_470, %dma_wait3A_471] : memref<32x160x64xi32, #tpu.memory_space<hbm>> -> memref<1x160x64xi32, #tpu.memory_space<hbm>>
    %dma_wait3A_473 = tpu.memref_squeeze %dma_wait3A_472 : memref<1x160x64xi32, #tpu.memory_space<hbm>> -> memref<160x64xi32, #tpu.memory_space<hbm>>
    %dma_wait3A_474 = arith.constant 0 : i32
    %dma_wait3A_475 = tpu.memref_slice %dma_wait3A_473[%dma_wait3A_455, %dma_wait3A_474] : memref<160x64xi32, #tpu.memory_space<hbm>> -> memref<1x64xi32, #tpu.memory_space<hbm>>
    %dma_wait3A_476 = tpu.memref_squeeze %dma_wait3A_475 : memref<1x64xi32, #tpu.memory_space<hbm>> -> memref<64xi32, #tpu.memory_space<hbm>>
    tpu.wait_dma2 semaphore(%arg22 : memref<!tpu.dma_semaphore, #tpu.memory_space<semaphore_mem>>) src(%dma_wait3A_476 : memref<64xi32, #tpu.memory_space<hbm>>) dst(%dma_wait3A_469 : memref<64xi32, #tpu.memory_space<vmem>>)
    %dma_start3A_477 = arith.constant 3 : i32
    %dma_start3A_478 = arith.constant 3 : i32
    %dma_start3A_479 = arith.constant 0 : i32
    %dma_start3A_480 = arith.constant 0 : i32
    %dma_start3A_481 = tpu.memref_slice %arg9[%dma_start3A_478, %dma_start3A_479, %dma_start3A_480] : memref<4x64x128xf32, #tpu.memory_space<vmem>> -> memref<1x64x128xf32, #tpu.memory_space<vmem>>
    %dma_start3A_482 = tpu.memref_squeeze %dma_start3A_481 : memref<1x64x128xf32, #tpu.memory_space<vmem>> -> memref<64x128xf32, #tpu.memory_space<vmem>>
    %dma_start3A_483 = arith.constant 0 : i32
    %dma_start3A_484 = tpu.memref_slice %arg8[%dma_start3A_477, %dma_start3A_483] : memref<8x64xi32, #tpu.memory_space<vmem>> -> memref<1x64xi32, #tpu.memory_space<vmem>>
    %dma_start3A_485 = tpu.memref_squeeze %dma_start3A_484 : memref<1x64xi32, #tpu.memory_space<vmem>> -> memref<64xi32, #tpu.memory_space<vmem>>
    %dma_start3A_486 = arith.constant 0 : i32
    %dma_start3A_487 = arith.constant 0 : i32
    %dma_start3A_488 = tpu.memref_slice %arg4[%dma_start3A_486, %dma_start3A_487] : memref<10240x128xf32, #tpu.memory_space<hbm>> -> memref<10240x128xf32, #tpu.memory_space<hbm>>
    tpu.enqueue_indirect_dma source(%dma_start3A_488 : memref<10240x128xf32, #tpu.memory_space<hbm>>) target(%dma_start3A_482 : memref<64x128xf32, #tpu.memory_space<vmem>>) offsets(%dma_start3A_485 : memref<64xi32, #tpu.memory_space<vmem>>) semaphore(%arg30 : memref<!tpu.dma_semaphore, #tpu.memory_space<semaphore_mem>>)
    %scan3A = arith.constant 0 : i32
    %scan3A_489 = arith.constant 0 : i32
    %scan3A_490 = arith.constant 20 : i32
    %scan3A_491 = arith.addi %scan3A_489, %scan3A_490 : i32
    %scan3A_492 = arith.constant 1 : i32
    scf.for %scan3A_499 = %scan3A_489 to %scan3A_491 step %scan3A_492  : i32 {
      %mul3A_500 = arith.constant 8 : i32
      %mul3A_501 = arith.muli %scan3A_499, %mul3A_500 : i32
      %add3A_502 = arith.constant 0 : i32
      %add3A_503 = arith.addi %mul3A_501, %add3A_502 : i32
      %dma_wait3A_504 = arith.constant 0 : i32
      %dma_wait3A_505 = arith.constant 0 : i32
      %dma_wait3A_506 = arith.constant 0 : i32
      %dma_wait3A_507 = arith.constant 0 : i32
      %dma_wait3A_508 = tpu.memref_slice %arg9[%dma_wait3A_505, %dma_wait3A_506, %dma_wait3A_507] : memref<4x64x128xf32, #tpu.memory_space<vmem>> -> memref<1x64x128xf32, #tpu.memory_space<vmem>>
      %dma_wait3A_509 = tpu.memref_squeeze %dma_wait3A_508 : memref<1x64x128xf32, #tpu.memory_space<vmem>> -> memref<64x128xf32, #tpu.memory_space<vmem>>
      %dma_wait3A_510 = arith.constant 0 : i32
      %dma_wait3A_511 = tpu.memref_slice %arg8[%dma_wait3A_504, %dma_wait3A_510] : memref<8x64xi32, #tpu.memory_space<vmem>> -> memref<1x64xi32, #tpu.memory_space<vmem>>
      %dma_wait3A_512 = tpu.memref_squeeze %dma_wait3A_511 : memref<1x64xi32, #tpu.memory_space<vmem>> -> memref<64xi32, #tpu.memory_space<vmem>>
      %dma_wait3A_513 = arith.constant 0 : i32
      %dma_wait3A_514 = arith.constant 0 : i32
      %dma_wait3A_515 = tpu.memref_slice %arg4[%dma_wait3A_513, %dma_wait3A_514] : memref<10240x128xf32, #tpu.memory_space<hbm>> -> memref<10240x128xf32, #tpu.memory_space<hbm>>
      tpu.wait_indirect_dma semaphore(%arg27 : memref<!tpu.dma_semaphore, #tpu.memory_space<semaphore_mem>>) src(%dma_wait3A_515 : memref<10240x128xf32, #tpu.memory_space<hbm>>) dst(%dma_wait3A_509 : memref<64x128xf32, #tpu.memory_space<vmem>>)
      %dma_wait3A_516 = arith.constant 0 : i32
      %dma_wait3A_517 = arith.constant 0 : i32
      %dma_wait3A_518 = arith.constant 0 : i32
      %dma_wait3A_519 = tpu.memref_slice %arg7[%dma_wait3A_517, %dma_wait3A_518] : memref<8x64xi32, #tpu.memory_space<vmem>> -> memref<1x64xi32, #tpu.memory_space<vmem>>
      %dma_wait3A_520 = tpu.memref_squeeze %dma_wait3A_519 : memref<1x64xi32, #tpu.memory_space<vmem>> -> memref<64xi32, #tpu.memory_space<vmem>>
      %dma_wait3A_521 = arith.constant 0 : i32
      %dma_wait3A_522 = arith.constant 0 : i32
      %dma_wait3A_523 = tpu.memref_slice %arg2[%add3A, %dma_wait3A_521, %dma_wait3A_522] : memref<32x160x64xi32, #tpu.memory_space<hbm>> -> memref<1x160x64xi32, #tpu.memory_space<hbm>>
      %dma_wait3A_524 = tpu.memref_squeeze %dma_wait3A_523 : memref<1x160x64xi32, #tpu.memory_space<hbm>> -> memref<160x64xi32, #tpu.memory_space<hbm>>
      %dma_wait3A_525 = arith.constant 0 : i32
      %dma_wait3A_526 = tpu.memref_slice %dma_wait3A_524[%dma_wait3A_516, %dma_wait3A_525] : memref<160x64xi32, #tpu.memory_space<hbm>> -> memref<1x64xi32, #tpu.memory_space<hbm>>
      %dma_wait3A_527 = tpu.memref_squeeze %dma_wait3A_526 : memref<1x64xi32, #tpu.memory_space<hbm>> -> memref<64xi32, #tpu.memory_space<hbm>>
      %dma_wait3A_528 = arith.constant 0 : i32
      %dma_wait3A_529 = tpu.memref_slice %arg7[%dma_wait3A_517, %dma_wait3A_528] : memref<8x64xi32, #tpu.memory_space<vmem>> -> memref<1x64xi32, #tpu.memory_space<vmem>>
      %dma_wait3A_530 = tpu.memref_squeeze %dma_wait3A_529 : memref<1x64xi32, #tpu.memory_space<vmem>> -> memref<64xi32, #tpu.memory_space<vmem>>
      %dma_wait3A_531 = arith.constant 0 : i32
      %dma_wait3A_532 = arith.constant 0 : i32
      %dma_wait3A_533 = tpu.memref_slice %arg2[%add3A, %dma_wait3A_531, %dma_wait3A_532] : memref<32x160x64xi32, #tpu.memory_space<hbm>> -> memref<1x160x64xi32, #tpu.memory_space<hbm>>
      %dma_wait3A_534 = tpu.memref_squeeze %dma_wait3A_533 : memref<1x160x64xi32, #tpu.memory_space<hbm>> -> memref<160x64xi32, #tpu.memory_space<hbm>>
      %dma_wait3A_535 = arith.constant 0 : i32
      %dma_wait3A_536 = tpu.memref_slice %dma_wait3A_534[%dma_wait3A_516, %dma_wait3A_535] : memref<160x64xi32, #tpu.memory_space<hbm>> -> memref<1x64xi32, #tpu.memory_space<hbm>>
      %dma_wait3A_537 = tpu.memref_squeeze %dma_wait3A_536 : memref<1x64xi32, #tpu.memory_space<hbm>> -> memref<64xi32, #tpu.memory_space<hbm>>
      tpu.wait_dma2 semaphore(%arg11 : memref<!tpu.dma_semaphore, #tpu.memory_space<semaphore_mem>>) src(%dma_wait3A_537 : memref<64xi32, #tpu.memory_space<hbm>>) dst(%dma_wait3A_530 : memref<64xi32, #tpu.memory_space<vmem>>)
      %dma_start3A_538 = arith.constant 0 : i32
      %dma_start3A_539 = arith.constant 0 : i32
      %dma_start3A_540 = arith.constant 0 : i32
      %dma_start3A_541 = arith.constant 0 : i32
      %dma_start3A_542 = tpu.memref_slice %arg9[%dma_start3A_538, %dma_start3A_540, %dma_start3A_541] : memref<4x64x128xf32, #tpu.memory_space<vmem>> -> memref<1x64x128xf32, #tpu.memory_space<vmem>>
      %dma_start3A_543 = tpu.memref_squeeze %dma_start3A_542 : memref<1x64x128xf32, #tpu.memory_space<vmem>> -> memref<64x128xf32, #tpu.memory_space<vmem>>
      %dma_start3A_544 = arith.constant 0 : i32
      %dma_start3A_545 = tpu.memref_slice %arg7[%dma_start3A_539, %dma_start3A_544] : memref<8x64xi32, #tpu.memory_space<vmem>> -> memref<1x64xi32, #tpu.memory_space<vmem>>
      %dma_start3A_546 = tpu.memref_squeeze %dma_start3A_545 : memref<1x64xi32, #tpu.memory_space<vmem>> -> memref<64xi32, #tpu.memory_space<vmem>>
      %dma_start3A_547 = arith.constant 0 : i32
      %dma_start3A_548 = arith.constant 0 : i32
      %dma_start3A_549 = tpu.memref_slice %arg10[%dma_start3A_547, %dma_start3A_548] : memref<10240x128xf32, #tpu.memory_space<vmem_shared>> -> memref<10240x128xf32, #tpu.memory_space<vmem_shared>>
      tpu.enqueue_indirect_dma source(%dma_start3A_543 : memref<64x128xf32, #tpu.memory_space<vmem>>) target(%dma_start3A_549 : memref<10240x128xf32, #tpu.memory_space<vmem_shared>>) offsets(%dma_start3A_546 : memref<64xi32, #tpu.memory_space<vmem>>) semaphore(%arg31 : memref<!tpu.dma_semaphore, #tpu.memory_space<semaphore_mem>>) {add = true}
      %dma_wait3A_550 = arith.constant 0 : i32
      %dma_wait3A_551 = arith.constant 0 : i32
      %dma_wait3A_552 = arith.constant 0 : i32
      %dma_wait3A_553 = arith.constant 0 : i32
      %dma_wait3A_554 = tpu.memref_slice %arg9[%dma_wait3A_550, %dma_wait3A_552, %dma_wait3A_553] : memref<4x64x128xf32, #tpu.memory_space<vmem>> -> memref<1x64x128xf32, #tpu.memory_space<vmem>>
      %dma_wait3A_555 = tpu.memref_squeeze %dma_wait3A_554 : memref<1x64x128xf32, #tpu.memory_space<vmem>> -> memref<64x128xf32, #tpu.memory_space<vmem>>
      %dma_wait3A_556 = arith.constant 0 : i32
      %dma_wait3A_557 = tpu.memref_slice %arg7[%dma_wait3A_551, %dma_wait3A_556] : memref<8x64xi32, #tpu.memory_space<vmem>> -> memref<1x64xi32, #tpu.memory_space<vmem>>
      %dma_wait3A_558 = tpu.memref_squeeze %dma_wait3A_557 : memref<1x64xi32, #tpu.memory_space<vmem>> -> memref<64xi32, #tpu.memory_space<vmem>>
      %dma_wait3A_559 = arith.constant 0 : i32
      %dma_wait3A_560 = arith.constant 0 : i32
      %dma_wait3A_561 = tpu.memref_slice %arg10[%dma_wait3A_559, %dma_wait3A_560] : memref<10240x128xf32, #tpu.memory_space<vmem_shared>> -> memref<10240x128xf32, #tpu.memory_space<vmem_shared>>
      tpu.wait_indirect_dma semaphore(%arg31 : memref<!tpu.dma_semaphore, #tpu.memory_space<semaphore_mem>>) src(%dma_wait3A_555 : memref<64x128xf32, #tpu.memory_space<vmem>>) dst(%dma_wait3A_561 : memref<10240x128xf32, #tpu.memory_space<vmem_shared>>)
      %add3A_562 = arith.constant 4 : i32
      %add3A_563 = arith.addi %add3A_503, %add3A_562 : i32
      %lt3A = arith.constant 160 : i32
      %lt3A_564 = arith.cmpi slt, %add3A_563, %lt3A : i32
      %convert_element_type3A = arith.extui %lt3A_564 : i1 to i32
      %cond3A = arith.constant 0 : i32
      %cond3A_565 = arith.cmpi ne, %convert_element_type3A, %cond3A : i32
      scf.if %cond3A_565 {
        %dma_wait3A_1105 = arith.constant 4 : i32
        %dma_wait3A_1106 = arith.constant 4 : i32
        %dma_wait3A_1107 = arith.constant 0 : i32
        %dma_wait3A_1108 = tpu.memref_slice %arg8[%dma_wait3A_1106, %dma_wait3A_1107] : memref<8x64xi32, #tpu.memory_space<vmem>> -> memref<1x64xi32, #tpu.memory_space<vmem>>
        %dma_wait3A_1109 = tpu.memref_squeeze %dma_wait3A_1108 : memref<1x64xi32, #tpu.memory_space<vmem>> -> memref<64xi32, #tpu.memory_space<vmem>>
        %dma_wait3A_1110 = arith.constant 0 : i32
        %dma_wait3A_1111 = arith.constant 0 : i32
        %dma_wait3A_1112 = tpu.memref_slice %arg3[%add3A, %dma_wait3A_1110, %dma_wait3A_1111] : memref<32x160x64xi32, #tpu.memory_space<hbm>> -> memref<1x160x64xi32, #tpu.memory_space<hbm>>
        %dma_wait3A_1113 = tpu.memref_squeeze %dma_wait3A_1112 : memref<1x160x64xi32, #tpu.memory_space<hbm>> -> memref<160x64xi32, #tpu.memory_space<hbm>>
        %dma_wait3A_1114 = arith.constant 0 : i32
        %dma_wait3A_1115 = tpu.memref_slice %dma_wait3A_1113[%dma_wait3A_1105, %dma_wait3A_1114] : memref<160x64xi32, #tpu.memory_space<hbm>> -> memref<1x64xi32, #tpu.memory_space<hbm>>
        %dma_wait3A_1116 = tpu.memref_squeeze %dma_wait3A_1115 : memref<1x64xi32, #tpu.memory_space<hbm>> -> memref<64xi32, #tpu.memory_space<hbm>>
        %dma_wait3A_1117 = arith.constant 0 : i32
        %dma_wait3A_1118 = tpu.memref_slice %arg8[%dma_wait3A_1106, %dma_wait3A_1117] : memref<8x64xi32, #tpu.memory_space<vmem>> -> memref<1x64xi32, #tpu.memory_space<vmem>>
        %dma_wait3A_1119 = tpu.memref_squeeze %dma_wait3A_1118 : memref<1x64xi32, #tpu.memory_space<vmem>> -> memref<64xi32, #tpu.memory_space<vmem>>
        %dma_wait3A_1120 = arith.constant 0 : i32
        %dma_wait3A_1121 = arith.constant 0 : i32
        %dma_wait3A_1122 = tpu.memref_slice %arg3[%add3A, %dma_wait3A_1120, %dma_wait3A_1121] : memref<32x160x64xi32, #tpu.memory_space<hbm>> -> memref<1x160x64xi32, #tpu.memory_space<hbm>>
        %dma_wait3A_1123 = tpu.memref_squeeze %dma_wait3A_1122 : memref<1x160x64xi32, #tpu.memory_space<hbm>> -> memref<160x64xi32, #tpu.memory_space<hbm>>
        %dma_wait3A_1124 = arith.constant 0 : i32
        %dma_wait3A_1125 = tpu.memref_slice %dma_wait3A_1123[%dma_wait3A_1105, %dma_wait3A_1124] : memref<160x64xi32, #tpu.memory_space<hbm>> -> memref<1x64xi32, #tpu.memory_space<hbm>>
        %dma_wait3A_1126 = tpu.memref_squeeze %dma_wait3A_1125 : memref<1x64xi32, #tpu.memory_space<hbm>> -> memref<64xi32, #tpu.memory_space<hbm>>
        tpu.wait_dma2 semaphore(%arg23 : memref<!tpu.dma_semaphore, #tpu.memory_space<semaphore_mem>>) src(%dma_wait3A_1126 : memref<64xi32, #tpu.memory_space<hbm>>) dst(%dma_wait3A_1119 : memref<64xi32, #tpu.memory_space<vmem>>)
        %dma_start3A_1127 = arith.constant 4 : i32
        %dma_start3A_1128 = arith.constant 0 : i32
        %dma_start3A_1129 = arith.constant 0 : i32
        %dma_start3A_1130 = arith.constant 0 : i32
        %dma_start3A_1131 = tpu.memref_slice %arg9[%dma_start3A_1128, %dma_start3A_1129, %dma_start3A_1130] : memref<4x64x128xf32, #tpu.memory_space<vmem>> -> memref<1x64x128xf32, #tpu.memory_space<vmem>>
        %dma_start3A_1132 = tpu.memref_squeeze %dma_start3A_1131 : memref<1x64x128xf32, #tpu.memory_space<vmem>> -> memref<64x128xf32, #tpu.memory_space<vmem>>
        %dma_start3A_1133 = arith.constant 0 : i32
        %dma_start3A_1134 = tpu.memref_slice %arg8[%dma_start3A_1127, %dma_start3A_1133] : memref<8x64xi32, #tpu.memory_space<vmem>> -> memref<1x64xi32, #tpu.memory_space<vmem>>
        %dma_start3A_1135 = tpu.memref_squeeze %dma_start3A_1134 : memref<1x64xi32, #tpu.memory_space<vmem>> -> memref<64xi32, #tpu.memory_space<vmem>>
        %dma_start3A_1136 = arith.constant 0 : i32
        %dma_start3A_1137 = arith.constant 0 : i32
        %dma_start3A_1138 = tpu.memref_slice %arg4[%dma_start3A_1136, %dma_start3A_1137] : memref<10240x128xf32, #tpu.memory_space<hbm>> -> memref<10240x128xf32, #tpu.memory_space<hbm>>
        tpu.enqueue_indirect_dma source(%dma_start3A_1138 : memref<10240x128xf32, #tpu.memory_space<hbm>>) target(%dma_start3A_1132 : memref<64x128xf32, #tpu.memory_space<vmem>>) offsets(%dma_start3A_1135 : memref<64xi32, #tpu.memory_space<vmem>>) semaphore(%arg27 : memref<!tpu.dma_semaphore, #tpu.memory_space<semaphore_mem>>)
      } else {
      }
      %add3A_566 = arith.constant 8 : i32
      %add3A_567 = arith.addi %add3A_503, %add3A_566 : i32
      %lt3A_568 = arith.constant 160 : i32
      %lt3A_569 = arith.cmpi slt, %add3A_567, %lt3A_568 : i32
      %convert_element_type3A_570 = arith.extui %lt3A_569 : i1 to i32
      %cond3A_571 = arith.constant 0 : i32
      %cond3A_572 = arith.cmpi ne, %convert_element_type3A_570, %cond3A_571 : i32
      scf.if %cond3A_572 {
        %add3A_1105 = arith.constant 8 : i32
        %add3A_1106 = arith.addi %add3A_503, %add3A_1105 : i32
        %dma_start3A_1107 = arith.constant 0 : i32
        %dma_start3A_1108 = arith.constant 0 : i32
        %dma_start3A_1109 = tpu.memref_slice %arg7[%dma_start3A_1107, %dma_start3A_1108] : memref<8x64xi32, #tpu.memory_space<vmem>> -> memref<1x64xi32, #tpu.memory_space<vmem>>
        %dma_start3A_1110 = tpu.memref_squeeze %dma_start3A_1109 : memref<1x64xi32, #tpu.memory_space<vmem>> -> memref<64xi32, #tpu.memory_space<vmem>>
        %dma_start3A_1111 = arith.constant 0 : i32
        %dma_start3A_1112 = arith.constant 0 : i32
        %dma_start3A_1113 = tpu.memref_slice %arg2[%add3A, %dma_start3A_1111, %dma_start3A_1112] : memref<32x160x64xi32, #tpu.memory_space<hbm>> -> memref<1x160x64xi32, #tpu.memory_space<hbm>>
        %dma_start3A_1114 = tpu.memref_squeeze %dma_start3A_1113 : memref<1x160x64xi32, #tpu.memory_space<hbm>> -> memref<160x64xi32, #tpu.memory_space<hbm>>
        %dma_start3A_1115 = arith.constant 0 : i32
        %dma_start3A_1116 = tpu.memref_slice %dma_start3A_1114[%add3A_1106, %dma_start3A_1115] : memref<160x64xi32, #tpu.memory_space<hbm>> -> memref<1x64xi32, #tpu.memory_space<hbm>>
        %dma_start3A_1117 = tpu.memref_squeeze %dma_start3A_1116 : memref<1x64xi32, #tpu.memory_space<hbm>> -> memref<64xi32, #tpu.memory_space<hbm>>
        %dma_start3A_1118 = arith.constant 0 : i32
        %dma_start3A_1119 = tpu.memref_slice %arg7[%dma_start3A_1107, %dma_start3A_1118] : memref<8x64xi32, #tpu.memory_space<vmem>> -> memref<1x64xi32, #tpu.memory_space<vmem>>
        %dma_start3A_1120 = tpu.memref_squeeze %dma_start3A_1119 : memref<1x64xi32, #tpu.memory_space<vmem>> -> memref<64xi32, #tpu.memory_space<vmem>>
        %dma_start3A_1121 = arith.constant 0 : i32
        %dma_start3A_1122 = arith.constant 0 : i32
        %dma_start3A_1123 = tpu.memref_slice %arg2[%add3A, %dma_start3A_1121, %dma_start3A_1122] : memref<32x160x64xi32, #tpu.memory_space<hbm>> -> memref<1x160x64xi32, #tpu.memory_space<hbm>>
        %dma_start3A_1124 = tpu.memref_squeeze %dma_start3A_1123 : memref<1x160x64xi32, #tpu.memory_space<hbm>> -> memref<160x64xi32, #tpu.memory_space<hbm>>
        %dma_start3A_1125 = arith.constant 0 : i32
        %dma_start3A_1126 = tpu.memref_slice %dma_start3A_1124[%add3A_1106, %dma_start3A_1125] : memref<160x64xi32, #tpu.memory_space<hbm>> -> memref<1x64xi32, #tpu.memory_space<hbm>>
        %dma_start3A_1127 = tpu.memref_squeeze %dma_start3A_1126 : memref<1x64xi32, #tpu.memory_space<hbm>> -> memref<64xi32, #tpu.memory_space<hbm>>
        tpu.enqueue_dma source(%dma_start3A_1127 : memref<64xi32, #tpu.memory_space<hbm>>) target(%dma_start3A_1120 : memref<64xi32, #tpu.memory_space<vmem>>) target_semaphore(%arg11 : memref<!tpu.dma_semaphore, #tpu.memory_space<semaphore_mem>>)
        %add3A_1128 = arith.constant 8 : i32
        %add3A_1129 = arith.addi %add3A_503, %add3A_1128 : i32
        %dma_start3A_1130 = arith.constant 0 : i32
        %dma_start3A_1131 = arith.constant 0 : i32
        %dma_start3A_1132 = tpu.memref_slice %arg8[%dma_start3A_1130, %dma_start3A_1131] : memref<8x64xi32, #tpu.memory_space<vmem>> -> memref<1x64xi32, #tpu.memory_space<vmem>>
        %dma_start3A_1133 = tpu.memref_squeeze %dma_start3A_1132 : memref<1x64xi32, #tpu.memory_space<vmem>> -> memref<64xi32, #tpu.memory_space<vmem>>
        %dma_start3A_1134 = arith.constant 0 : i32
        %dma_start3A_1135 = arith.constant 0 : i32
        %dma_start3A_1136 = tpu.memref_slice %arg3[%add3A, %dma_start3A_1134, %dma_start3A_1135] : memref<32x160x64xi32, #tpu.memory_space<hbm>> -> memref<1x160x64xi32, #tpu.memory_space<hbm>>
        %dma_start3A_1137 = tpu.memref_squeeze %dma_start3A_1136 : memref<1x160x64xi32, #tpu.memory_space<hbm>> -> memref<160x64xi32, #tpu.memory_space<hbm>>
        %dma_start3A_1138 = arith.constant 0 : i32
        %dma_start3A_1139 = tpu.memref_slice %dma_start3A_1137[%add3A_1129, %dma_start3A_1138] : memref<160x64xi32, #tpu.memory_space<hbm>> -> memref<1x64xi32, #tpu.memory_space<hbm>>
        %dma_start3A_1140 = tpu.memref_squeeze %dma_start3A_1139 : memref<1x64xi32, #tpu.memory_space<hbm>> -> memref<64xi32, #tpu.memory_space<hbm>>
        %dma_start3A_1141 = arith.constant 0 : i32
        %dma_start3A_1142 = tpu.memref_slice %arg8[%dma_start3A_1130, %dma_start3A_1141] : memref<8x64xi32, #tpu.memory_space<vmem>> -> memref<1x64xi32, #tpu.memory_space<vmem>>
        %dma_start3A_1143 = tpu.memref_squeeze %dma_start3A_1142 : memref<1x64xi32, #tpu.memory_space<vmem>> -> memref<64xi32, #tpu.memory_space<vmem>>
        %dma_start3A_1144 = arith.constant 0 : i32
        %dma_start3A_1145 = arith.constant 0 : i32
        %dma_start3A_1146 = tpu.memref_slice %arg3[%add3A, %dma_start3A_1144, %dma_start3A_1145] : memref<32x160x64xi32, #tpu.memory_space<hbm>> -> memref<1x160x64xi32, #tpu.memory_space<hbm>>
        %dma_start3A_1147 = tpu.memref_squeeze %dma_start3A_1146 : memref<1x160x64xi32, #tpu.memory_space<hbm>> -> memref<160x64xi32, #tpu.memory_space<hbm>>
        %dma_start3A_1148 = arith.constant 0 : i32
        %dma_start3A_1149 = tpu.memref_slice %dma_start3A_1147[%add3A_1129, %dma_start3A_1148] : memref<160x64xi32, #tpu.memory_space<hbm>> -> memref<1x64xi32, #tpu.memory_space<hbm>>
        %dma_start3A_1150 = tpu.memref_squeeze %dma_start3A_1149 : memref<1x64xi32, #tpu.memory_space<hbm>> -> memref<64xi32, #tpu.memory_space<hbm>>
        tpu.enqueue_dma source(%dma_start3A_1150 : memref<64xi32, #tpu.memory_space<hbm>>) target(%dma_start3A_1143 : memref<64xi32, #tpu.memory_space<vmem>>) target_semaphore(%arg19 : memref<!tpu.dma_semaphore, #tpu.memory_space<semaphore_mem>>)
      } else {
      }
      %mul3A_573 = arith.constant 8 : i32
      %mul3A_574 = arith.muli %scan3A_499, %mul3A_573 : i32
      %add3A_575 = arith.constant 1 : i32
      %add3A_576 = arith.addi %mul3A_574, %add3A_575 : i32
      %dma_wait3A_577 = arith.constant 1 : i32
      %dma_wait3A_578 = arith.constant 1 : i32
      %dma_wait3A_579 = arith.constant 0 : i32
      %dma_wait3A_580 = arith.constant 0 : i32
      %dma_wait3A_581 = tpu.memref_slice %arg9[%dma_wait3A_578, %dma_wait3A_579, %dma_wait3A_580] : memref<4x64x128xf32, #tpu.memory_space<vmem>> -> memref<1x64x128xf32, #tpu.memory_space<vmem>>
      %dma_wait3A_582 = tpu.memref_squeeze %dma_wait3A_581 : memref<1x64x128xf32, #tpu.memory_space<vmem>> -> memref<64x128xf32, #tpu.memory_space<vmem>>
      %dma_wait3A_583 = arith.constant 0 : i32
      %dma_wait3A_584 = tpu.memref_slice %arg8[%dma_wait3A_577, %dma_wait3A_583] : memref<8x64xi32, #tpu.memory_space<vmem>> -> memref<1x64xi32, #tpu.memory_space<vmem>>
      %dma_wait3A_585 = tpu.memref_squeeze %dma_wait3A_584 : memref<1x64xi32, #tpu.memory_space<vmem>> -> memref<64xi32, #tpu.memory_space<vmem>>
      %dma_wait3A_586 = arith.constant 0 : i32
      %dma_wait3A_587 = arith.constant 0 : i32
      %dma_wait3A_588 = tpu.memref_slice %arg4[%dma_wait3A_586, %dma_wait3A_587] : memref<10240x128xf32, #tpu.memory_space<hbm>> -> memref<10240x128xf32, #tpu.memory_space<hbm>>
      tpu.wait_indirect_dma semaphore(%arg28 : memref<!tpu.dma_semaphore, #tpu.memory_space<semaphore_mem>>) src(%dma_wait3A_588 : memref<10240x128xf32, #tpu.memory_space<hbm>>) dst(%dma_wait3A_582 : memref<64x128xf32, #tpu.memory_space<vmem>>)
      %dma_wait3A_589 = arith.constant 1 : i32
      %dma_wait3A_590 = arith.constant 1 : i32
      %dma_wait3A_591 = arith.constant 0 : i32
      %dma_wait3A_592 = tpu.memref_slice %arg7[%dma_wait3A_590, %dma_wait3A_591] : memref<8x64xi32, #tpu.memory_space<vmem>> -> memref<1x64xi32, #tpu.memory_space<vmem>>
      %dma_wait3A_593 = tpu.memref_squeeze %dma_wait3A_592 : memref<1x64xi32, #tpu.memory_space<vmem>> -> memref<64xi32, #tpu.memory_space<vmem>>
      %dma_wait3A_594 = arith.constant 0 : i32
      %dma_wait3A_595 = arith.constant 0 : i32
      %dma_wait3A_596 = tpu.memref_slice %arg2[%add3A, %dma_wait3A_594, %dma_wait3A_595] : memref<32x160x64xi32, #tpu.memory_space<hbm>> -> memref<1x160x64xi32, #tpu.memory_space<hbm>>
      %dma_wait3A_597 = tpu.memref_squeeze %dma_wait3A_596 : memref<1x160x64xi32, #tpu.memory_space<hbm>> -> memref<160x64xi32, #tpu.memory_space<hbm>>
      %dma_wait3A_598 = arith.constant 0 : i32
      %dma_wait3A_599 = tpu.memref_slice %dma_wait3A_597[%dma_wait3A_589, %dma_wait3A_598] : memref<160x64xi32, #tpu.memory_space<hbm>> -> memref<1x64xi32, #tpu.memory_space<hbm>>
      %dma_wait3A_600 = tpu.memref_squeeze %dma_wait3A_599 : memref<1x64xi32, #tpu.memory_space<hbm>> -> memref<64xi32, #tpu.memory_space<hbm>>
      %dma_wait3A_601 = arith.constant 0 : i32
      %dma_wait3A_602 = tpu.memref_slice %arg7[%dma_wait3A_590, %dma_wait3A_601] : memref<8x64xi32, #tpu.memory_space<vmem>> -> memref<1x64xi32, #tpu.memory_space<vmem>>
      %dma_wait3A_603 = tpu.memref_squeeze %dma_wait3A_602 : memref<1x64xi32, #tpu.memory_space<vmem>> -> memref<64xi32, #tpu.memory_space<vmem>>
      %dma_wait3A_604 = arith.constant 0 : i32
      %dma_wait3A_605 = arith.constant 0 : i32
      %dma_wait3A_606 = tpu.memref_slice %arg2[%add3A, %dma_wait3A_604, %dma_wait3A_605] : memref<32x160x64xi32, #tpu.memory_space<hbm>> -> memref<1x160x64xi32, #tpu.memory_space<hbm>>
      %dma_wait3A_607 = tpu.memref_squeeze %dma_wait3A_606 : memref<1x160x64xi32, #tpu.memory_space<hbm>> -> memref<160x64xi32, #tpu.memory_space<hbm>>
      %dma_wait3A_608 = arith.constant 0 : i32
      %dma_wait3A_609 = tpu.memref_slice %dma_wait3A_607[%dma_wait3A_589, %dma_wait3A_608] : memref<160x64xi32, #tpu.memory_space<hbm>> -> memref<1x64xi32, #tpu.memory_space<hbm>>
      %dma_wait3A_610 = tpu.memref_squeeze %dma_wait3A_609 : memref<1x64xi32, #tpu.memory_space<hbm>> -> memref<64xi32, #tpu.memory_space<hbm>>
      tpu.wait_dma2 semaphore(%arg12 : memref<!tpu.dma_semaphore, #tpu.memory_space<semaphore_mem>>) src(%dma_wait3A_610 : memref<64xi32, #tpu.memory_space<hbm>>) dst(%dma_wait3A_603 : memref<64xi32, #tpu.memory_space<vmem>>)
      %dma_start3A_611 = arith.constant 1 : i32
      %dma_start3A_612 = arith.constant 1 : i32
      %dma_start3A_613 = arith.constant 0 : i32
      %dma_start3A_614 = arith.constant 0 : i32
      %dma_start3A_615 = tpu.memref_slice %arg9[%dma_start3A_611, %dma_start3A_613, %dma_start3A_614] : memref<4x64x128xf32, #tpu.memory_space<vmem>> -> memref<1x64x128xf32, #tpu.memory_space<vmem>>
      %dma_start3A_616 = tpu.memref_squeeze %dma_start3A_615 : memref<1x64x128xf32, #tpu.memory_space<vmem>> -> memref<64x128xf32, #tpu.memory_space<vmem>>
      %dma_start3A_617 = arith.constant 0 : i32
      %dma_start3A_618 = tpu.memref_slice %arg7[%dma_start3A_612, %dma_start3A_617] : memref<8x64xi32, #tpu.memory_space<vmem>> -> memref<1x64xi32, #tpu.memory_space<vmem>>
      %dma_start3A_619 = tpu.memref_squeeze %dma_start3A_618 : memref<1x64xi32, #tpu.memory_space<vmem>> -> memref<64xi32, #tpu.memory_space<vmem>>
      %dma_start3A_620 = arith.constant 0 : i32
      %dma_start3A_621 = arith.constant 0 : i32
      %dma_start3A_622 = tpu.memref_slice %arg10[%dma_start3A_620, %dma_start3A_621] : memref<10240x128xf32, #tpu.memory_space<vmem_shared>> -> memref<10240x128xf32, #tpu.memory_space<vmem_shared>>
      tpu.enqueue_indirect_dma source(%dma_start3A_616 : memref<64x128xf32, #tpu.memory_space<vmem>>) target(%dma_start3A_622 : memref<10240x128xf32, #tpu.memory_space<vmem_shared>>) offsets(%dma_start3A_619 : memref<64xi32, #tpu.memory_space<vmem>>) semaphore(%arg32 : memref<!tpu.dma_semaphore, #tpu.memory_space<semaphore_mem>>) {add = true}
      %dma_wait3A_623 = arith.constant 1 : i32
      %dma_wait3A_624 = arith.constant 1 : i32
      %dma_wait3A_625 = arith.constant 0 : i32
      %dma_wait3A_626 = arith.constant 0 : i32
      %dma_wait3A_627 = tpu.memref_slice %arg9[%dma_wait3A_623, %dma_wait3A_625, %dma_wait3A_626] : memref<4x64x128xf32, #tpu.memory_space<vmem>> -> memref<1x64x128xf32, #tpu.memory_space<vmem>>
      %dma_wait3A_628 = tpu.memref_squeeze %dma_wait3A_627 : memref<1x64x128xf32, #tpu.memory_space<vmem>> -> memref<64x128xf32, #tpu.memory_space<vmem>>
      %dma_wait3A_629 = arith.constant 0 : i32
      %dma_wait3A_630 = tpu.memref_slice %arg7[%dma_wait3A_624, %dma_wait3A_629] : memref<8x64xi32, #tpu.memory_space<vmem>> -> memref<1x64xi32, #tpu.memory_space<vmem>>
      %dma_wait3A_631 = tpu.memref_squeeze %dma_wait3A_630 : memref<1x64xi32, #tpu.memory_space<vmem>> -> memref<64xi32, #tpu.memory_space<vmem>>
      %dma_wait3A_632 = arith.constant 0 : i32
      %dma_wait3A_633 = arith.constant 0 : i32
      %dma_wait3A_634 = tpu.memref_slice %arg10[%dma_wait3A_632, %dma_wait3A_633] : memref<10240x128xf32, #tpu.memory_space<vmem_shared>> -> memref<10240x128xf32, #tpu.memory_space<vmem_shared>>
      tpu.wait_indirect_dma semaphore(%arg32 : memref<!tpu.dma_semaphore, #tpu.memory_space<semaphore_mem>>) src(%dma_wait3A_628 : memref<64x128xf32, #tpu.memory_space<vmem>>) dst(%dma_wait3A_634 : memref<10240x128xf32, #tpu.memory_space<vmem_shared>>)
      %add3A_635 = arith.constant 4 : i32
      %add3A_636 = arith.addi %add3A_576, %add3A_635 : i32
      %lt3A_637 = arith.constant 160 : i32
      %lt3A_638 = arith.cmpi slt, %add3A_636, %lt3A_637 : i32
      %convert_element_type3A_639 = arith.extui %lt3A_638 : i1 to i32
      %cond3A_640 = arith.constant 0 : i32
      %cond3A_641 = arith.cmpi ne, %convert_element_type3A_639, %cond3A_640 : i32
      scf.if %cond3A_641 {
        %dma_wait3A_1105 = arith.constant 5 : i32
        %dma_wait3A_1106 = arith.constant 5 : i32
        %dma_wait3A_1107 = arith.constant 0 : i32
        %dma_wait3A_1108 = tpu.memref_slice %arg8[%dma_wait3A_1106, %dma_wait3A_1107] : memref<8x64xi32, #tpu.memory_space<vmem>> -> memref<1x64xi32, #tpu.memory_space<vmem>>
        %dma_wait3A_1109 = tpu.memref_squeeze %dma_wait3A_1108 : memref<1x64xi32, #tpu.memory_space<vmem>> -> memref<64xi32, #tpu.memory_space<vmem>>
        %dma_wait3A_1110 = arith.constant 0 : i32
        %dma_wait3A_1111 = arith.constant 0 : i32
        %dma_wait3A_1112 = tpu.memref_slice %arg3[%add3A, %dma_wait3A_1110, %dma_wait3A_1111] : memref<32x160x64xi32, #tpu.memory_space<hbm>> -> memref<1x160x64xi32, #tpu.memory_space<hbm>>
        %dma_wait3A_1113 = tpu.memref_squeeze %dma_wait3A_1112 : memref<1x160x64xi32, #tpu.memory_space<hbm>> -> memref<160x64xi32, #tpu.memory_space<hbm>>
        %dma_wait3A_1114 = arith.constant 0 : i32
        %dma_wait3A_1115 = tpu.memref_slice %dma_wait3A_1113[%dma_wait3A_1105, %dma_wait3A_1114] : memref<160x64xi32, #tpu.memory_space<hbm>> -> memref<1x64xi32, #tpu.memory_space<hbm>>
        %dma_wait3A_1116 = tpu.memref_squeeze %dma_wait3A_1115 : memref<1x64xi32, #tpu.memory_space<hbm>> -> memref<64xi32, #tpu.memory_space<hbm>>
        %dma_wait3A_1117 = arith.constant 0 : i32
        %dma_wait3A_1118 = tpu.memref_slice %arg8[%dma_wait3A_1106, %dma_wait3A_1117] : memref<8x64xi32, #tpu.memory_space<vmem>> -> memref<1x64xi32, #tpu.memory_space<vmem>>
        %dma_wait3A_1119 = tpu.memref_squeeze %dma_wait3A_1118 : memref<1x64xi32, #tpu.memory_space<vmem>> -> memref<64xi32, #tpu.memory_space<vmem>>
        %dma_wait3A_1120 = arith.constant 0 : i32
        %dma_wait3A_1121 = arith.constant 0 : i32
        %dma_wait3A_1122 = tpu.memref_slice %arg3[%add3A, %dma_wait3A_1120, %dma_wait3A_1121] : memref<32x160x64xi32, #tpu.memory_space<hbm>> -> memref<1x160x64xi32, #tpu.memory_space<hbm>>
        %dma_wait3A_1123 = tpu.memref_squeeze %dma_wait3A_1122 : memref<1x160x64xi32, #tpu.memory_space<hbm>> -> memref<160x64xi32, #tpu.memory_space<hbm>>
        %dma_wait3A_1124 = arith.constant 0 : i32
        %dma_wait3A_1125 = tpu.memref_slice %dma_wait3A_1123[%dma_wait3A_1105, %dma_wait3A_1124] : memref<160x64xi32, #tpu.memory_space<hbm>> -> memref<1x64xi32, #tpu.memory_space<hbm>>
        %dma_wait3A_1126 = tpu.memref_squeeze %dma_wait3A_1125 : memref<1x64xi32, #tpu.memory_space<hbm>> -> memref<64xi32, #tpu.memory_space<hbm>>
        tpu.wait_dma2 semaphore(%arg24 : memref<!tpu.dma_semaphore, #tpu.memory_space<semaphore_mem>>) src(%dma_wait3A_1126 : memref<64xi32, #tpu.memory_space<hbm>>) dst(%dma_wait3A_1119 : memref<64xi32, #tpu.memory_space<vmem>>)
        %dma_start3A_1127 = arith.constant 5 : i32
        %dma_start3A_1128 = arith.constant 1 : i32
        %dma_start3A_1129 = arith.constant 0 : i32
        %dma_start3A_1130 = arith.constant 0 : i32
        %dma_start3A_1131 = tpu.memref_slice %arg9[%dma_start3A_1128, %dma_start3A_1129, %dma_start3A_1130] : memref<4x64x128xf32, #tpu.memory_space<vmem>> -> memref<1x64x128xf32, #tpu.memory_space<vmem>>
        %dma_start3A_1132 = tpu.memref_squeeze %dma_start3A_1131 : memref<1x64x128xf32, #tpu.memory_space<vmem>> -> memref<64x128xf32, #tpu.memory_space<vmem>>
        %dma_start3A_1133 = arith.constant 0 : i32
        %dma_start3A_1134 = tpu.memref_slice %arg8[%dma_start3A_1127, %dma_start3A_1133] : memref<8x64xi32, #tpu.memory_space<vmem>> -> memref<1x64xi32, #tpu.memory_space<vmem>>
        %dma_start3A_1135 = tpu.memref_squeeze %dma_start3A_1134 : memref<1x64xi32, #tpu.memory_space<vmem>> -> memref<64xi32, #tpu.memory_space<vmem>>
        %dma_start3A_1136 = arith.constant 0 : i32
        %dma_start3A_1137 = arith.constant 0 : i32
        %dma_start3A_1138 = tpu.memref_slice %arg4[%dma_start3A_1136, %dma_start3A_1137] : memref<10240x128xf32, #tpu.memory_space<hbm>> -> memref<10240x128xf32, #tpu.memory_space<hbm>>
        tpu.enqueue_indirect_dma source(%dma_start3A_1138 : memref<10240x128xf32, #tpu.memory_space<hbm>>) target(%dma_start3A_1132 : memref<64x128xf32, #tpu.memory_space<vmem>>) offsets(%dma_start3A_1135 : memref<64xi32, #tpu.memory_space<vmem>>) semaphore(%arg28 : memref<!tpu.dma_semaphore, #tpu.memory_space<semaphore_mem>>)
      } else {
      }
      %add3A_642 = arith.constant 8 : i32
      %add3A_643 = arith.addi %add3A_576, %add3A_642 : i32
      %lt3A_644 = arith.constant 160 : i32
      %lt3A_645 = arith.cmpi slt, %add3A_643, %lt3A_644 : i32
      %convert_element_type3A_646 = arith.extui %lt3A_645 : i1 to i32
      %cond3A_647 = arith.constant 0 : i32
      %cond3A_648 = arith.cmpi ne, %convert_element_type3A_646, %cond3A_647 : i32
      scf.if %cond3A_648 {
        %add3A_1105 = arith.constant 8 : i32
        %add3A_1106 = arith.addi %add3A_576, %add3A_1105 : i32
        %dma_start3A_1107 = arith.constant 1 : i32
        %dma_start3A_1108 = arith.constant 0 : i32
        %dma_start3A_1109 = tpu.memref_slice %arg7[%dma_start3A_1107, %dma_start3A_1108] : memref<8x64xi32, #tpu.memory_space<vmem>> -> memref<1x64xi32, #tpu.memory_space<vmem>>
        %dma_start3A_1110 = tpu.memref_squeeze %dma_start3A_1109 : memref<1x64xi32, #tpu.memory_space<vmem>> -> memref<64xi32, #tpu.memory_space<vmem>>
        %dma_start3A_1111 = arith.constant 0 : i32
        %dma_start3A_1112 = arith.constant 0 : i32
        %dma_start3A_1113 = tpu.memref_slice %arg2[%add3A, %dma_start3A_1111, %dma_start3A_1112] : memref<32x160x64xi32, #tpu.memory_space<hbm>> -> memref<1x160x64xi32, #tpu.memory_space<hbm>>
        %dma_start3A_1114 = tpu.memref_squeeze %dma_start3A_1113 : memref<1x160x64xi32, #tpu.memory_space<hbm>> -> memref<160x64xi32, #tpu.memory_space<hbm>>
        %dma_start3A_1115 = arith.constant 0 : i32
        %dma_start3A_1116 = tpu.memref_slice %dma_start3A_1114[%add3A_1106, %dma_start3A_1115] : memref<160x64xi32, #tpu.memory_space<hbm>> -> memref<1x64xi32, #tpu.memory_space<hbm>>
        %dma_start3A_1117 = tpu.memref_squeeze %dma_start3A_1116 : memref<1x64xi32, #tpu.memory_space<hbm>> -> memref<64xi32, #tpu.memory_space<hbm>>
        %dma_start3A_1118 = arith.constant 0 : i32
        %dma_start3A_1119 = tpu.memref_slice %arg7[%dma_start3A_1107, %dma_start3A_1118] : memref<8x64xi32, #tpu.memory_space<vmem>> -> memref<1x64xi32, #tpu.memory_space<vmem>>
        %dma_start3A_1120 = tpu.memref_squeeze %dma_start3A_1119 : memref<1x64xi32, #tpu.memory_space<vmem>> -> memref<64xi32, #tpu.memory_space<vmem>>
        %dma_start3A_1121 = arith.constant 0 : i32
        %dma_start3A_1122 = arith.constant 0 : i32
        %dma_start3A_1123 = tpu.memref_slice %arg2[%add3A, %dma_start3A_1121, %dma_start3A_1122] : memref<32x160x64xi32, #tpu.memory_space<hbm>> -> memref<1x160x64xi32, #tpu.memory_space<hbm>>
        %dma_start3A_1124 = tpu.memref_squeeze %dma_start3A_1123 : memref<1x160x64xi32, #tpu.memory_space<hbm>> -> memref<160x64xi32, #tpu.memory_space<hbm>>
        %dma_start3A_1125 = arith.constant 0 : i32
        %dma_start3A_1126 = tpu.memref_slice %dma_start3A_1124[%add3A_1106, %dma_start3A_1125] : memref<160x64xi32, #tpu.memory_space<hbm>> -> memref<1x64xi32, #tpu.memory_space<hbm>>
        %dma_start3A_1127 = tpu.memref_squeeze %dma_start3A_1126 : memref<1x64xi32, #tpu.memory_space<hbm>> -> memref<64xi32, #tpu.memory_space<hbm>>
        tpu.enqueue_dma source(%dma_start3A_1127 : memref<64xi32, #tpu.memory_space<hbm>>) target(%dma_start3A_1120 : memref<64xi32, #tpu.memory_space<vmem>>) target_semaphore(%arg12 : memref<!tpu.dma_semaphore, #tpu.memory_space<semaphore_mem>>)
        %add3A_1128 = arith.constant 8 : i32
        %add3A_1129 = arith.addi %add3A_576, %add3A_1128 : i32
        %dma_start3A_1130 = arith.constant 1 : i32
        %dma_start3A_1131 = arith.constant 0 : i32
        %dma_start3A_1132 = tpu.memref_slice %arg8[%dma_start3A_1130, %dma_start3A_1131] : memref<8x64xi32, #tpu.memory_space<vmem>> -> memref<1x64xi32, #tpu.memory_space<vmem>>
        %dma_start3A_1133 = tpu.memref_squeeze %dma_start3A_1132 : memref<1x64xi32, #tpu.memory_space<vmem>> -> memref<64xi32, #tpu.memory_space<vmem>>
        %dma_start3A_1134 = arith.constant 0 : i32
        %dma_start3A_1135 = arith.constant 0 : i32
        %dma_start3A_1136 = tpu.memref_slice %arg3[%add3A, %dma_start3A_1134, %dma_start3A_1135] : memref<32x160x64xi32, #tpu.memory_space<hbm>> -> memref<1x160x64xi32, #tpu.memory_space<hbm>>
        %dma_start3A_1137 = tpu.memref_squeeze %dma_start3A_1136 : memref<1x160x64xi32, #tpu.memory_space<hbm>> -> memref<160x64xi32, #tpu.memory_space<hbm>>
        %dma_start3A_1138 = arith.constant 0 : i32
        %dma_start3A_1139 = tpu.memref_slice %dma_start3A_1137[%add3A_1129, %dma_start3A_1138] : memref<160x64xi32, #tpu.memory_space<hbm>> -> memref<1x64xi32, #tpu.memory_space<hbm>>
        %dma_start3A_1140 = tpu.memref_squeeze %dma_start3A_1139 : memref<1x64xi32, #tpu.memory_space<hbm>> -> memref<64xi32, #tpu.memory_space<hbm>>
        %dma_start3A_1141 = arith.constant 0 : i32
        %dma_start3A_1142 = tpu.memref_slice %arg8[%dma_start3A_1130, %dma_start3A_1141] : memref<8x64xi32, #tpu.memory_space<vmem>> -> memref<1x64xi32, #tpu.memory_space<vmem>>
        %dma_start3A_1143 = tpu.memref_squeeze %dma_start3A_1142 : memref<1x64xi32, #tpu.memory_space<vmem>> -> memref<64xi32, #tpu.memory_space<vmem>>
        %dma_start3A_1144 = arith.constant 0 : i32
        %dma_start3A_1145 = arith.constant 0 : i32
        %dma_start3A_1146 = tpu.memref_slice %arg3[%add3A, %dma_start3A_1144, %dma_start3A_1145] : memref<32x160x64xi32, #tpu.memory_space<hbm>> -> memref<1x160x64xi32, #tpu.memory_space<hbm>>
        %dma_start3A_1147 = tpu.memref_squeeze %dma_start3A_1146 : memref<1x160x64xi32, #tpu.memory_space<hbm>> -> memref<160x64xi32, #tpu.memory_space<hbm>>
        %dma_start3A_1148 = arith.constant 0 : i32
        %dma_start3A_1149 = tpu.memref_slice %dma_start3A_1147[%add3A_1129, %dma_start3A_1148] : memref<160x64xi32, #tpu.memory_space<hbm>> -> memref<1x64xi32, #tpu.memory_space<hbm>>
        %dma_start3A_1150 = tpu.memref_squeeze %dma_start3A_1149 : memref<1x64xi32, #tpu.memory_space<hbm>> -> memref<64xi32, #tpu.memory_space<hbm>>
        tpu.enqueue_dma source(%dma_start3A_1150 : memref<64xi32, #tpu.memory_space<hbm>>) target(%dma_start3A_1143 : memref<64xi32, #tpu.memory_space<vmem>>) target_semaphore(%arg20 : memref<!tpu.dma_semaphore, #tpu.memory_space<semaphore_mem>>)
      } else {
      }
      %mul3A_649 = arith.constant 8 : i32
      %mul3A_650 = arith.muli %scan3A_499, %mul3A_649 : i32
      %add3A_651 = arith.constant 2 : i32
      %add3A_652 = arith.addi %mul3A_650, %add3A_651 : i32
      %dma_wait3A_653 = arith.constant 2 : i32
      %dma_wait3A_654 = arith.constant 2 : i32
      %dma_wait3A_655 = arith.constant 0 : i32
      %dma_wait3A_656 = arith.constant 0 : i32
      %dma_wait3A_657 = tpu.memref_slice %arg9[%dma_wait3A_654, %dma_wait3A_655, %dma_wait3A_656] : memref<4x64x128xf32, #tpu.memory_space<vmem>> -> memref<1x64x128xf32, #tpu.memory_space<vmem>>
      %dma_wait3A_658 = tpu.memref_squeeze %dma_wait3A_657 : memref<1x64x128xf32, #tpu.memory_space<vmem>> -> memref<64x128xf32, #tpu.memory_space<vmem>>
      %dma_wait3A_659 = arith.constant 0 : i32
      %dma_wait3A_660 = tpu.memref_slice %arg8[%dma_wait3A_653, %dma_wait3A_659] : memref<8x64xi32, #tpu.memory_space<vmem>> -> memref<1x64xi32, #tpu.memory_space<vmem>>
      %dma_wait3A_661 = tpu.memref_squeeze %dma_wait3A_660 : memref<1x64xi32, #tpu.memory_space<vmem>> -> memref<64xi32, #tpu.memory_space<vmem>>
      %dma_wait3A_662 = arith.constant 0 : i32
      %dma_wait3A_663 = arith.constant 0 : i32
      %dma_wait3A_664 = tpu.memref_slice %arg4[%dma_wait3A_662, %dma_wait3A_663] : memref<10240x128xf32, #tpu.memory_space<hbm>> -> memref<10240x128xf32, #tpu.memory_space<hbm>>
      tpu.wait_indirect_dma semaphore(%arg29 : memref<!tpu.dma_semaphore, #tpu.memory_space<semaphore_mem>>) src(%dma_wait3A_664 : memref<10240x128xf32, #tpu.memory_space<hbm>>) dst(%dma_wait3A_658 : memref<64x128xf32, #tpu.memory_space<vmem>>)
      %dma_wait3A_665 = arith.constant 2 : i32
      %dma_wait3A_666 = arith.constant 2 : i32
      %dma_wait3A_667 = arith.constant 0 : i32
      %dma_wait3A_668 = tpu.memref_slice %arg7[%dma_wait3A_666, %dma_wait3A_667] : memref<8x64xi32, #tpu.memory_space<vmem>> -> memref<1x64xi32, #tpu.memory_space<vmem>>
      %dma_wait3A_669 = tpu.memref_squeeze %dma_wait3A_668 : memref<1x64xi32, #tpu.memory_space<vmem>> -> memref<64xi32, #tpu.memory_space<vmem>>
      %dma_wait3A_670 = arith.constant 0 : i32
      %dma_wait3A_671 = arith.constant 0 : i32
      %dma_wait3A_672 = tpu.memref_slice %arg2[%add3A, %dma_wait3A_670, %dma_wait3A_671] : memref<32x160x64xi32, #tpu.memory_space<hbm>> -> memref<1x160x64xi32, #tpu.memory_space<hbm>>
      %dma_wait3A_673 = tpu.memref_squeeze %dma_wait3A_672 : memref<1x160x64xi32, #tpu.memory_space<hbm>> -> memref<160x64xi32, #tpu.memory_space<hbm>>
      %dma_wait3A_674 = arith.constant 0 : i32
      %dma_wait3A_675 = tpu.memref_slice %dma_wait3A_673[%dma_wait3A_665, %dma_wait3A_674] : memref<160x64xi32, #tpu.memory_space<hbm>> -> memref<1x64xi32, #tpu.memory_space<hbm>>
      %dma_wait3A_676 = tpu.memref_squeeze %dma_wait3A_675 : memref<1x64xi32, #tpu.memory_space<hbm>> -> memref<64xi32, #tpu.memory_space<hbm>>
      %dma_wait3A_677 = arith.constant 0 : i32
      %dma_wait3A_678 = tpu.memref_slice %arg7[%dma_wait3A_666, %dma_wait3A_677] : memref<8x64xi32, #tpu.memory_space<vmem>> -> memref<1x64xi32, #tpu.memory_space<vmem>>
      %dma_wait3A_679 = tpu.memref_squeeze %dma_wait3A_678 : memref<1x64xi32, #tpu.memory_space<vmem>> -> memref<64xi32, #tpu.memory_space<vmem>>
      %dma_wait3A_680 = arith.constant 0 : i32
      %dma_wait3A_681 = arith.constant 0 : i32
      %dma_wait3A_682 = tpu.memref_slice %arg2[%add3A, %dma_wait3A_680, %dma_wait3A_681] : memref<32x160x64xi32, #tpu.memory_space<hbm>> -> memref<1x160x64xi32, #tpu.memory_space<hbm>>
      %dma_wait3A_683 = tpu.memref_squeeze %dma_wait3A_682 : memref<1x160x64xi32, #tpu.memory_space<hbm>> -> memref<160x64xi32, #tpu.memory_space<hbm>>
      %dma_wait3A_684 = arith.constant 0 : i32
      %dma_wait3A_685 = tpu.memref_slice %dma_wait3A_683[%dma_wait3A_665, %dma_wait3A_684] : memref<160x64xi32, #tpu.memory_space<hbm>> -> memref<1x64xi32, #tpu.memory_space<hbm>>
      %dma_wait3A_686 = tpu.memref_squeeze %dma_wait3A_685 : memref<1x64xi32, #tpu.memory_space<hbm>> -> memref<64xi32, #tpu.memory_space<hbm>>
      tpu.wait_dma2 semaphore(%arg13 : memref<!tpu.dma_semaphore, #tpu.memory_space<semaphore_mem>>) src(%dma_wait3A_686 : memref<64xi32, #tpu.memory_space<hbm>>) dst(%dma_wait3A_679 : memref<64xi32, #tpu.memory_space<vmem>>)
      %dma_start3A_687 = arith.constant 2 : i32
      %dma_start3A_688 = arith.constant 2 : i32
      %dma_start3A_689 = arith.constant 0 : i32
      %dma_start3A_690 = arith.constant 0 : i32
      %dma_start3A_691 = tpu.memref_slice %arg9[%dma_start3A_687, %dma_start3A_689, %dma_start3A_690] : memref<4x64x128xf32, #tpu.memory_space<vmem>> -> memref<1x64x128xf32, #tpu.memory_space<vmem>>
      %dma_start3A_692 = tpu.memref_squeeze %dma_start3A_691 : memref<1x64x128xf32, #tpu.memory_space<vmem>> -> memref<64x128xf32, #tpu.memory_space<vmem>>
      %dma_start3A_693 = arith.constant 0 : i32
      %dma_start3A_694 = tpu.memref_slice %arg7[%dma_start3A_688, %dma_start3A_693] : memref<8x64xi32, #tpu.memory_space<vmem>> -> memref<1x64xi32, #tpu.memory_space<vmem>>
      %dma_start3A_695 = tpu.memref_squeeze %dma_start3A_694 : memref<1x64xi32, #tpu.memory_space<vmem>> -> memref<64xi32, #tpu.memory_space<vmem>>
      %dma_start3A_696 = arith.constant 0 : i32
      %dma_start3A_697 = arith.constant 0 : i32
      %dma_start3A_698 = tpu.memref_slice %arg10[%dma_start3A_696, %dma_start3A_697] : memref<10240x128xf32, #tpu.memory_space<vmem_shared>> -> memref<10240x128xf32, #tpu.memory_space<vmem_shared>>
      tpu.enqueue_indirect_dma source(%dma_start3A_692 : memref<64x128xf32, #tpu.memory_space<vmem>>) target(%dma_start3A_698 : memref<10240x128xf32, #tpu.memory_space<vmem_shared>>) offsets(%dma_start3A_695 : memref<64xi32, #tpu.memory_space<vmem>>) semaphore(%arg33 : memref<!tpu.dma_semaphore, #tpu.memory_space<semaphore_mem>>) {add = true}
      %dma_wait3A_699 = arith.constant 2 : i32
      %dma_wait3A_700 = arith.constant 2 : i32
      %dma_wait3A_701 = arith.constant 0 : i32
      %dma_wait3A_702 = arith.constant 0 : i32
      %dma_wait3A_703 = tpu.memref_slice %arg9[%dma_wait3A_699, %dma_wait3A_701, %dma_wait3A_702] : memref<4x64x128xf32, #tpu.memory_space<vmem>> -> memref<1x64x128xf32, #tpu.memory_space<vmem>>
      %dma_wait3A_704 = tpu.memref_squeeze %dma_wait3A_703 : memref<1x64x128xf32, #tpu.memory_space<vmem>> -> memref<64x128xf32, #tpu.memory_space<vmem>>
      %dma_wait3A_705 = arith.constant 0 : i32
      %dma_wait3A_706 = tpu.memref_slice %arg7[%dma_wait3A_700, %dma_wait3A_705] : memref<8x64xi32, #tpu.memory_space<vmem>> -> memref<1x64xi32, #tpu.memory_space<vmem>>
      %dma_wait3A_707 = tpu.memref_squeeze %dma_wait3A_706 : memref<1x64xi32, #tpu.memory_space<vmem>> -> memref<64xi32, #tpu.memory_space<vmem>>
      %dma_wait3A_708 = arith.constant 0 : i32
      %dma_wait3A_709 = arith.constant 0 : i32
      %dma_wait3A_710 = tpu.memref_slice %arg10[%dma_wait3A_708, %dma_wait3A_709] : memref<10240x128xf32, #tpu.memory_space<vmem_shared>> -> memref<10240x128xf32, #tpu.memory_space<vmem_shared>>
      tpu.wait_indirect_dma semaphore(%arg33 : memref<!tpu.dma_semaphore, #tpu.memory_space<semaphore_mem>>) src(%dma_wait3A_704 : memref<64x128xf32, #tpu.memory_space<vmem>>) dst(%dma_wait3A_710 : memref<10240x128xf32, #tpu.memory_space<vmem_shared>>)
      %add3A_711 = arith.constant 4 : i32
      %add3A_712 = arith.addi %add3A_652, %add3A_711 : i32
      %lt3A_713 = arith.constant 160 : i32
      %lt3A_714 = arith.cmpi slt, %add3A_712, %lt3A_713 : i32
      %convert_element_type3A_715 = arith.extui %lt3A_714 : i1 to i32
      %cond3A_716 = arith.constant 0 : i32
      %cond3A_717 = arith.cmpi ne, %convert_element_type3A_715, %cond3A_716 : i32
      scf.if %cond3A_717 {
        %dma_wait3A_1105 = arith.constant 6 : i32
        %dma_wait3A_1106 = arith.constant 6 : i32
        %dma_wait3A_1107 = arith.constant 0 : i32
        %dma_wait3A_1108 = tpu.memref_slice %arg8[%dma_wait3A_1106, %dma_wait3A_1107] : memref<8x64xi32, #tpu.memory_space<vmem>> -> memref<1x64xi32, #tpu.memory_space<vmem>>
        %dma_wait3A_1109 = tpu.memref_squeeze %dma_wait3A_1108 : memref<1x64xi32, #tpu.memory_space<vmem>> -> memref<64xi32, #tpu.memory_space<vmem>>
        %dma_wait3A_1110 = arith.constant 0 : i32
        %dma_wait3A_1111 = arith.constant 0 : i32
        %dma_wait3A_1112 = tpu.memref_slice %arg3[%add3A, %dma_wait3A_1110, %dma_wait3A_1111] : memref<32x160x64xi32, #tpu.memory_space<hbm>> -> memref<1x160x64xi32, #tpu.memory_space<hbm>>
        %dma_wait3A_1113 = tpu.memref_squeeze %dma_wait3A_1112 : memref<1x160x64xi32, #tpu.memory_space<hbm>> -> memref<160x64xi32, #tpu.memory_space<hbm>>
        %dma_wait3A_1114 = arith.constant 0 : i32
        %dma_wait3A_1115 = tpu.memref_slice %dma_wait3A_1113[%dma_wait3A_1105, %dma_wait3A_1114] : memref<160x64xi32, #tpu.memory_space<hbm>> -> memref<1x64xi32, #tpu.memory_space<hbm>>
        %dma_wait3A_1116 = tpu.memref_squeeze %dma_wait3A_1115 : memref<1x64xi32, #tpu.memory_space<hbm>> -> memref<64xi32, #tpu.memory_space<hbm>>
        %dma_wait3A_1117 = arith.constant 0 : i32
        %dma_wait3A_1118 = tpu.memref_slice %arg8[%dma_wait3A_1106, %dma_wait3A_1117] : memref<8x64xi32, #tpu.memory_space<vmem>> -> memref<1x64xi32, #tpu.memory_space<vmem>>
        %dma_wait3A_1119 = tpu.memref_squeeze %dma_wait3A_1118 : memref<1x64xi32, #tpu.memory_space<vmem>> -> memref<64xi32, #tpu.memory_space<vmem>>
        %dma_wait3A_1120 = arith.constant 0 : i32
        %dma_wait3A_1121 = arith.constant 0 : i32
        %dma_wait3A_1122 = tpu.memref_slice %arg3[%add3A, %dma_wait3A_1120, %dma_wait3A_1121] : memref<32x160x64xi32, #tpu.memory_space<hbm>> -> memref<1x160x64xi32, #tpu.memory_space<hbm>>
        %dma_wait3A_1123 = tpu.memref_squeeze %dma_wait3A_1122 : memref<1x160x64xi32, #tpu.memory_space<hbm>> -> memref<160x64xi32, #tpu.memory_space<hbm>>
        %dma_wait3A_1124 = arith.constant 0 : i32
        %dma_wait3A_1125 = tpu.memref_slice %dma_wait3A_1123[%dma_wait3A_1105, %dma_wait3A_1124] : memref<160x64xi32, #tpu.memory_space<hbm>> -> memref<1x64xi32, #tpu.memory_space<hbm>>
        %dma_wait3A_1126 = tpu.memref_squeeze %dma_wait3A_1125 : memref<1x64xi32, #tpu.memory_space<hbm>> -> memref<64xi32, #tpu.memory_space<hbm>>
        tpu.wait_dma2 semaphore(%arg25 : memref<!tpu.dma_semaphore, #tpu.memory_space<semaphore_mem>>) src(%dma_wait3A_1126 : memref<64xi32, #tpu.memory_space<hbm>>) dst(%dma_wait3A_1119 : memref<64xi32, #tpu.memory_space<vmem>>)
        %dma_start3A_1127 = arith.constant 6 : i32
        %dma_start3A_1128 = arith.constant 2 : i32
        %dma_start3A_1129 = arith.constant 0 : i32
        %dma_start3A_1130 = arith.constant 0 : i32
        %dma_start3A_1131 = tpu.memref_slice %arg9[%dma_start3A_1128, %dma_start3A_1129, %dma_start3A_1130] : memref<4x64x128xf32, #tpu.memory_space<vmem>> -> memref<1x64x128xf32, #tpu.memory_space<vmem>>
        %dma_start3A_1132 = tpu.memref_squeeze %dma_start3A_1131 : memref<1x64x128xf32, #tpu.memory_space<vmem>> -> memref<64x128xf32, #tpu.memory_space<vmem>>
        %dma_start3A_1133 = arith.constant 0 : i32
        %dma_start3A_1134 = tpu.memref_slice %arg8[%dma_start3A_1127, %dma_start3A_1133] : memref<8x64xi32, #tpu.memory_space<vmem>> -> memref<1x64xi32, #tpu.memory_space<vmem>>
        %dma_start3A_1135 = tpu.memref_squeeze %dma_start3A_1134 : memref<1x64xi32, #tpu.memory_space<vmem>> -> memref<64xi32, #tpu.memory_space<vmem>>
        %dma_start3A_1136 = arith.constant 0 : i32
        %dma_start3A_1137 = arith.constant 0 : i32
        %dma_start3A_1138 = tpu.memref_slice %arg4[%dma_start3A_1136, %dma_start3A_1137] : memref<10240x128xf32, #tpu.memory_space<hbm>> -> memref<10240x128xf32, #tpu.memory_space<hbm>>
        tpu.enqueue_indirect_dma source(%dma_start3A_1138 : memref<10240x128xf32, #tpu.memory_space<hbm>>) target(%dma_start3A_1132 : memref<64x128xf32, #tpu.memory_space<vmem>>) offsets(%dma_start3A_1135 : memref<64xi32, #tpu.memory_space<vmem>>) semaphore(%arg29 : memref<!tpu.dma_semaphore, #tpu.memory_space<semaphore_mem>>)
      } else {
      }
      %add3A_718 = arith.constant 8 : i32
      %add3A_719 = arith.addi %add3A_652, %add3A_718 : i32
      %lt3A_720 = arith.constant 160 : i32
      %lt3A_721 = arith.cmpi slt, %add3A_719, %lt3A_720 : i32
      %convert_element_type3A_722 = arith.extui %lt3A_721 : i1 to i32
      %cond3A_723 = arith.constant 0 : i32
      %cond3A_724 = arith.cmpi ne, %convert_element_type3A_722, %cond3A_723 : i32
      scf.if %cond3A_724 {
        %add3A_1105 = arith.constant 8 : i32
        %add3A_1106 = arith.addi %add3A_652, %add3A_1105 : i32
        %dma_start3A_1107 = arith.constant 2 : i32
        %dma_start3A_1108 = arith.constant 0 : i32
        %dma_start3A_1109 = tpu.memref_slice %arg7[%dma_start3A_1107, %dma_start3A_1108] : memref<8x64xi32, #tpu.memory_space<vmem>> -> memref<1x64xi32, #tpu.memory_space<vmem>>
        %dma_start3A_1110 = tpu.memref_squeeze %dma_start3A_1109 : memref<1x64xi32, #tpu.memory_space<vmem>> -> memref<64xi32, #tpu.memory_space<vmem>>
        %dma_start3A_1111 = arith.constant 0 : i32
        %dma_start3A_1112 = arith.constant 0 : i32
        %dma_start3A_1113 = tpu.memref_slice %arg2[%add3A, %dma_start3A_1111, %dma_start3A_1112] : memref<32x160x64xi32, #tpu.memory_space<hbm>> -> memref<1x160x64xi32, #tpu.memory_space<hbm>>
        %dma_start3A_1114 = tpu.memref_squeeze %dma_start3A_1113 : memref<1x160x64xi32, #tpu.memory_space<hbm>> -> memref<160x64xi32, #tpu.memory_space<hbm>>
        %dma_start3A_1115 = arith.constant 0 : i32
        %dma_start3A_1116 = tpu.memref_slice %dma_start3A_1114[%add3A_1106, %dma_start3A_1115] : memref<160x64xi32, #tpu.memory_space<hbm>> -> memref<1x64xi32, #tpu.memory_space<hbm>>
        %dma_start3A_1117 = tpu.memref_squeeze %dma_start3A_1116 : memref<1x64xi32, #tpu.memory_space<hbm>> -> memref<64xi32, #tpu.memory_space<hbm>>
        %dma_start3A_1118 = arith.constant 0 : i32
        %dma_start3A_1119 = tpu.memref_slice %arg7[%dma_start3A_1107, %dma_start3A_1118] : memref<8x64xi32, #tpu.memory_space<vmem>> -> memref<1x64xi32, #tpu.memory_space<vmem>>
        %dma_start3A_1120 = tpu.memref_squeeze %dma_start3A_1119 : memref<1x64xi32, #tpu.memory_space<vmem>> -> memref<64xi32, #tpu.memory_space<vmem>>
        %dma_start3A_1121 = arith.constant 0 : i32
        %dma_start3A_1122 = arith.constant 0 : i32
        %dma_start3A_1123 = tpu.memref_slice %arg2[%add3A, %dma_start3A_1121, %dma_start3A_1122] : memref<32x160x64xi32, #tpu.memory_space<hbm>> -> memref<1x160x64xi32, #tpu.memory_space<hbm>>
        %dma_start3A_1124 = tpu.memref_squeeze %dma_start3A_1123 : memref<1x160x64xi32, #tpu.memory_space<hbm>> -> memref<160x64xi32, #tpu.memory_space<hbm>>
        %dma_start3A_1125 = arith.constant 0 : i32
        %dma_start3A_1126 = tpu.memref_slice %dma_start3A_1124[%add3A_1106, %dma_start3A_1125] : memref<160x64xi32, #tpu.memory_space<hbm>> -> memref<1x64xi32, #tpu.memory_space<hbm>>
        %dma_start3A_1127 = tpu.memref_squeeze %dma_start3A_1126 : memref<1x64xi32, #tpu.memory_space<hbm>> -> memref<64xi32, #tpu.memory_space<hbm>>
        tpu.enqueue_dma source(%dma_start3A_1127 : memref<64xi32, #tpu.memory_space<hbm>>) target(%dma_start3A_1120 : memref<64xi32, #tpu.memory_space<vmem>>) target_semaphore(%arg13 : memref<!tpu.dma_semaphore, #tpu.memory_space<semaphore_mem>>)
        %add3A_1128 = arith.constant 8 : i32
        %add3A_1129 = arith.addi %add3A_652, %add3A_1128 : i32
        %dma_start3A_1130 = arith.constant 2 : i32
        %dma_start3A_1131 = arith.constant 0 : i32
        %dma_start3A_1132 = tpu.memref_slice %arg8[%dma_start3A_1130, %dma_start3A_1131] : memref<8x64xi32, #tpu.memory_space<vmem>> -> memref<1x64xi32, #tpu.memory_space<vmem>>
        %dma_start3A_1133 = tpu.memref_squeeze %dma_start3A_1132 : memref<1x64xi32, #tpu.memory_space<vmem>> -> memref<64xi32, #tpu.memory_space<vmem>>
        %dma_start3A_1134 = arith.constant 0 : i32
        %dma_start3A_1135 = arith.constant 0 : i32
        %dma_start3A_1136 = tpu.memref_slice %arg3[%add3A, %dma_start3A_1134, %dma_start3A_1135] : memref<32x160x64xi32, #tpu.memory_space<hbm>> -> memref<1x160x64xi32, #tpu.memory_space<hbm>>
        %dma_start3A_1137 = tpu.memref_squeeze %dma_start3A_1136 : memref<1x160x64xi32, #tpu.memory_space<hbm>> -> memref<160x64xi32, #tpu.memory_space<hbm>>
        %dma_start3A_1138 = arith.constant 0 : i32
        %dma_start3A_1139 = tpu.memref_slice %dma_start3A_1137[%add3A_1129, %dma_start3A_1138] : memref<160x64xi32, #tpu.memory_space<hbm>> -> memref<1x64xi32, #tpu.memory_space<hbm>>
        %dma_start3A_1140 = tpu.memref_squeeze %dma_start3A_1139 : memref<1x64xi32, #tpu.memory_space<hbm>> -> memref<64xi32, #tpu.memory_space<hbm>>
        %dma_start3A_1141 = arith.constant 0 : i32
        %dma_start3A_1142 = tpu.memref_slice %arg8[%dma_start3A_1130, %dma_start3A_1141] : memref<8x64xi32, #tpu.memory_space<vmem>> -> memref<1x64xi32, #tpu.memory_space<vmem>>
        %dma_start3A_1143 = tpu.memref_squeeze %dma_start3A_1142 : memref<1x64xi32, #tpu.memory_space<vmem>> -> memref<64xi32, #tpu.memory_space<vmem>>
        %dma_start3A_1144 = arith.constant 0 : i32
        %dma_start3A_1145 = arith.constant 0 : i32
        %dma_start3A_1146 = tpu.memref_slice %arg3[%add3A, %dma_start3A_1144, %dma_start3A_1145] : memref<32x160x64xi32, #tpu.memory_space<hbm>> -> memref<1x160x64xi32, #tpu.memory_space<hbm>>
        %dma_start3A_1147 = tpu.memref_squeeze %dma_start3A_1146 : memref<1x160x64xi32, #tpu.memory_space<hbm>> -> memref<160x64xi32, #tpu.memory_space<hbm>>
        %dma_start3A_1148 = arith.constant 0 : i32
        %dma_start3A_1149 = tpu.memref_slice %dma_start3A_1147[%add3A_1129, %dma_start3A_1148] : memref<160x64xi32, #tpu.memory_space<hbm>> -> memref<1x64xi32, #tpu.memory_space<hbm>>
        %dma_start3A_1150 = tpu.memref_squeeze %dma_start3A_1149 : memref<1x64xi32, #tpu.memory_space<hbm>> -> memref<64xi32, #tpu.memory_space<hbm>>
        tpu.enqueue_dma source(%dma_start3A_1150 : memref<64xi32, #tpu.memory_space<hbm>>) target(%dma_start3A_1143 : memref<64xi32, #tpu.memory_space<vmem>>) target_semaphore(%arg21 : memref<!tpu.dma_semaphore, #tpu.memory_space<semaphore_mem>>)
      } else {
      }
      %mul3A_725 = arith.constant 8 : i32
      %mul3A_726 = arith.muli %scan3A_499, %mul3A_725 : i32
      %add3A_727 = arith.constant 3 : i32
      %add3A_728 = arith.addi %mul3A_726, %add3A_727 : i32
      %dma_wait3A_729 = arith.constant 3 : i32
      %dma_wait3A_730 = arith.constant 3 : i32
      %dma_wait3A_731 = arith.constant 0 : i32
      %dma_wait3A_732 = arith.constant 0 : i32
      %dma_wait3A_733 = tpu.memref_slice %arg9[%dma_wait3A_730, %dma_wait3A_731, %dma_wait3A_732] : memref<4x64x128xf32, #tpu.memory_space<vmem>> -> memref<1x64x128xf32, #tpu.memory_space<vmem>>
      %dma_wait3A_734 = tpu.memref_squeeze %dma_wait3A_733 : memref<1x64x128xf32, #tpu.memory_space<vmem>> -> memref<64x128xf32, #tpu.memory_space<vmem>>
      %dma_wait3A_735 = arith.constant 0 : i32
      %dma_wait3A_736 = tpu.memref_slice %arg8[%dma_wait3A_729, %dma_wait3A_735] : memref<8x64xi32, #tpu.memory_space<vmem>> -> memref<1x64xi32, #tpu.memory_space<vmem>>
      %dma_wait3A_737 = tpu.memref_squeeze %dma_wait3A_736 : memref<1x64xi32, #tpu.memory_space<vmem>> -> memref<64xi32, #tpu.memory_space<vmem>>
      %dma_wait3A_738 = arith.constant 0 : i32
      %dma_wait3A_739 = arith.constant 0 : i32
      %dma_wait3A_740 = tpu.memref_slice %arg4[%dma_wait3A_738, %dma_wait3A_739] : memref<10240x128xf32, #tpu.memory_space<hbm>> -> memref<10240x128xf32, #tpu.memory_space<hbm>>
      tpu.wait_indirect_dma semaphore(%arg30 : memref<!tpu.dma_semaphore, #tpu.memory_space<semaphore_mem>>) src(%dma_wait3A_740 : memref<10240x128xf32, #tpu.memory_space<hbm>>) dst(%dma_wait3A_734 : memref<64x128xf32, #tpu.memory_space<vmem>>)
      %dma_wait3A_741 = arith.constant 3 : i32
      %dma_wait3A_742 = arith.constant 3 : i32
      %dma_wait3A_743 = arith.constant 0 : i32
      %dma_wait3A_744 = tpu.memref_slice %arg7[%dma_wait3A_742, %dma_wait3A_743] : memref<8x64xi32, #tpu.memory_space<vmem>> -> memref<1x64xi32, #tpu.memory_space<vmem>>
      %dma_wait3A_745 = tpu.memref_squeeze %dma_wait3A_744 : memref<1x64xi32, #tpu.memory_space<vmem>> -> memref<64xi32, #tpu.memory_space<vmem>>
      %dma_wait3A_746 = arith.constant 0 : i32
      %dma_wait3A_747 = arith.constant 0 : i32
      %dma_wait3A_748 = tpu.memref_slice %arg2[%add3A, %dma_wait3A_746, %dma_wait3A_747] : memref<32x160x64xi32, #tpu.memory_space<hbm>> -> memref<1x160x64xi32, #tpu.memory_space<hbm>>
      %dma_wait3A_749 = tpu.memref_squeeze %dma_wait3A_748 : memref<1x160x64xi32, #tpu.memory_space<hbm>> -> memref<160x64xi32, #tpu.memory_space<hbm>>
      %dma_wait3A_750 = arith.constant 0 : i32
      %dma_wait3A_751 = tpu.memref_slice %dma_wait3A_749[%dma_wait3A_741, %dma_wait3A_750] : memref<160x64xi32, #tpu.memory_space<hbm>> -> memref<1x64xi32, #tpu.memory_space<hbm>>
      %dma_wait3A_752 = tpu.memref_squeeze %dma_wait3A_751 : memref<1x64xi32, #tpu.memory_space<hbm>> -> memref<64xi32, #tpu.memory_space<hbm>>
      %dma_wait3A_753 = arith.constant 0 : i32
      %dma_wait3A_754 = tpu.memref_slice %arg7[%dma_wait3A_742, %dma_wait3A_753] : memref<8x64xi32, #tpu.memory_space<vmem>> -> memref<1x64xi32, #tpu.memory_space<vmem>>
      %dma_wait3A_755 = tpu.memref_squeeze %dma_wait3A_754 : memref<1x64xi32, #tpu.memory_space<vmem>> -> memref<64xi32, #tpu.memory_space<vmem>>
      %dma_wait3A_756 = arith.constant 0 : i32
      %dma_wait3A_757 = arith.constant 0 : i32
      %dma_wait3A_758 = tpu.memref_slice %arg2[%add3A, %dma_wait3A_756, %dma_wait3A_757] : memref<32x160x64xi32, #tpu.memory_space<hbm>> -> memref<1x160x64xi32, #tpu.memory_space<hbm>>
      %dma_wait3A_759 = tpu.memref_squeeze %dma_wait3A_758 : memref<1x160x64xi32, #tpu.memory_space<hbm>> -> memref<160x64xi32, #tpu.memory_space<hbm>>
      %dma_wait3A_760 = arith.constant 0 : i32
      %dma_wait3A_761 = tpu.memref_slice %dma_wait3A_759[%dma_wait3A_741, %dma_wait3A_760] : memref<160x64xi32, #tpu.memory_space<hbm>> -> memref<1x64xi32, #tpu.memory_space<hbm>>
      %dma_wait3A_762 = tpu.memref_squeeze %dma_wait3A_761 : memref<1x64xi32, #tpu.memory_space<hbm>> -> memref<64xi32, #tpu.memory_space<hbm>>
      tpu.wait_dma2 semaphore(%arg14 : memref<!tpu.dma_semaphore, #tpu.memory_space<semaphore_mem>>) src(%dma_wait3A_762 : memref<64xi32, #tpu.memory_space<hbm>>) dst(%dma_wait3A_755 : memref<64xi32, #tpu.memory_space<vmem>>)
      %dma_start3A_763 = arith.constant 3 : i32
      %dma_start3A_764 = arith.constant 3 : i32
      %dma_start3A_765 = arith.constant 0 : i32
      %dma_start3A_766 = arith.constant 0 : i32
      %dma_start3A_767 = tpu.memref_slice %arg9[%dma_start3A_763, %dma_start3A_765, %dma_start3A_766] : memref<4x64x128xf32, #tpu.memory_space<vmem>> -> memref<1x64x128xf32, #tpu.memory_space<vmem>>
      %dma_start3A_768 = tpu.memref_squeeze %dma_start3A_767 : memref<1x64x128xf32, #tpu.memory_space<vmem>> -> memref<64x128xf32, #tpu.memory_space<vmem>>
      %dma_start3A_769 = arith.constant 0 : i32
      %dma_start3A_770 = tpu.memref_slice %arg7[%dma_start3A_764, %dma_start3A_769] : memref<8x64xi32, #tpu.memory_space<vmem>> -> memref<1x64xi32, #tpu.memory_space<vmem>>
      %dma_start3A_771 = tpu.memref_squeeze %dma_start3A_770 : memref<1x64xi32, #tpu.memory_space<vmem>> -> memref<64xi32, #tpu.memory_space<vmem>>
      %dma_start3A_772 = arith.constant 0 : i32
      %dma_start3A_773 = arith.constant 0 : i32
      %dma_start3A_774 = tpu.memref_slice %arg10[%dma_start3A_772, %dma_start3A_773] : memref<10240x128xf32, #tpu.memory_space<vmem_shared>> -> memref<10240x128xf32, #tpu.memory_space<vmem_shared>>
      tpu.enqueue_indirect_dma source(%dma_start3A_768 : memref<64x128xf32, #tpu.memory_space<vmem>>) target(%dma_start3A_774 : memref<10240x128xf32, #tpu.memory_space<vmem_shared>>) offsets(%dma_start3A_771 : memref<64xi32, #tpu.memory_space<vmem>>) semaphore(%arg34 : memref<!tpu.dma_semaphore, #tpu.memory_space<semaphore_mem>>) {add = true}
      %dma_wait3A_775 = arith.constant 3 : i32
      %dma_wait3A_776 = arith.constant 3 : i32
      %dma_wait3A_777 = arith.constant 0 : i32
      %dma_wait3A_778 = arith.constant 0 : i32
      %dma_wait3A_779 = tpu.memref_slice %arg9[%dma_wait3A_775, %dma_wait3A_777, %dma_wait3A_778] : memref<4x64x128xf32, #tpu.memory_space<vmem>> -> memref<1x64x128xf32, #tpu.memory_space<vmem>>
      %dma_wait3A_780 = tpu.memref_squeeze %dma_wait3A_779 : memref<1x64x128xf32, #tpu.memory_space<vmem>> -> memref<64x128xf32, #tpu.memory_space<vmem>>
      %dma_wait3A_781 = arith.constant 0 : i32
      %dma_wait3A_782 = tpu.memref_slice %arg7[%dma_wait3A_776, %dma_wait3A_781] : memref<8x64xi32, #tpu.memory_space<vmem>> -> memref<1x64xi32, #tpu.memory_space<vmem>>
      %dma_wait3A_783 = tpu.memref_squeeze %dma_wait3A_782 : memref<1x64xi32, #tpu.memory_space<vmem>> -> memref<64xi32, #tpu.memory_space<vmem>>
      %dma_wait3A_784 = arith.constant 0 : i32
      %dma_wait3A_785 = arith.constant 0 : i32
      %dma_wait3A_786 = tpu.memref_slice %arg10[%dma_wait3A_784, %dma_wait3A_785] : memref<10240x128xf32, #tpu.memory_space<vmem_shared>> -> memref<10240x128xf32, #tpu.memory_space<vmem_shared>>
      tpu.wait_indirect_dma semaphore(%arg34 : memref<!tpu.dma_semaphore, #tpu.memory_space<semaphore_mem>>) src(%dma_wait3A_780 : memref<64x128xf32, #tpu.memory_space<vmem>>) dst(%dma_wait3A_786 : memref<10240x128xf32, #tpu.memory_space<vmem_shared>>)
      %add3A_787 = arith.constant 4 : i32
      %add3A_788 = arith.addi %add3A_728, %add3A_787 : i32
      %lt3A_789 = arith.constant 160 : i32
      %lt3A_790 = arith.cmpi slt, %add3A_788, %lt3A_789 : i32
      %convert_element_type3A_791 = arith.extui %lt3A_790 : i1 to i32
      %cond3A_792 = arith.constant 0 : i32
      %cond3A_793 = arith.cmpi ne, %convert_element_type3A_791, %cond3A_792 : i32
      scf.if %cond3A_793 {
        %dma_wait3A_1105 = arith.constant 7 : i32
        %dma_wait3A_1106 = arith.constant 7 : i32
        %dma_wait3A_1107 = arith.constant 0 : i32
        %dma_wait3A_1108 = tpu.memref_slice %arg8[%dma_wait3A_1106, %dma_wait3A_1107] : memref<8x64xi32, #tpu.memory_space<vmem>> -> memref<1x64xi32, #tpu.memory_space<vmem>>
        %dma_wait3A_1109 = tpu.memref_squeeze %dma_wait3A_1108 : memref<1x64xi32, #tpu.memory_space<vmem>> -> memref<64xi32, #tpu.memory_space<vmem>>
        %dma_wait3A_1110 = arith.constant 0 : i32
        %dma_wait3A_1111 = arith.constant 0 : i32
        %dma_wait3A_1112 = tpu.memref_slice %arg3[%add3A, %dma_wait3A_1110, %dma_wait3A_1111] : memref<32x160x64xi32, #tpu.memory_space<hbm>> -> memref<1x160x64xi32, #tpu.memory_space<hbm>>
        %dma_wait3A_1113 = tpu.memref_squeeze %dma_wait3A_1112 : memref<1x160x64xi32, #tpu.memory_space<hbm>> -> memref<160x64xi32, #tpu.memory_space<hbm>>
        %dma_wait3A_1114 = arith.constant 0 : i32
        %dma_wait3A_1115 = tpu.memref_slice %dma_wait3A_1113[%dma_wait3A_1105, %dma_wait3A_1114] : memref<160x64xi32, #tpu.memory_space<hbm>> -> memref<1x64xi32, #tpu.memory_space<hbm>>
        %dma_wait3A_1116 = tpu.memref_squeeze %dma_wait3A_1115 : memref<1x64xi32, #tpu.memory_space<hbm>> -> memref<64xi32, #tpu.memory_space<hbm>>
        %dma_wait3A_1117 = arith.constant 0 : i32
        %dma_wait3A_1118 = tpu.memref_slice %arg8[%dma_wait3A_1106, %dma_wait3A_1117] : memref<8x64xi32, #tpu.memory_space<vmem>> -> memref<1x64xi32, #tpu.memory_space<vmem>>
        %dma_wait3A_1119 = tpu.memref_squeeze %dma_wait3A_1118 : memref<1x64xi32, #tpu.memory_space<vmem>> -> memref<64xi32, #tpu.memory_space<vmem>>
        %dma_wait3A_1120 = arith.constant 0 : i32
        %dma_wait3A_1121 = arith.constant 0 : i32
        %dma_wait3A_1122 = tpu.memref_slice %arg3[%add3A, %dma_wait3A_1120, %dma_wait3A_1121] : memref<32x160x64xi32, #tpu.memory_space<hbm>> -> memref<1x160x64xi32, #tpu.memory_space<hbm>>
        %dma_wait3A_1123 = tpu.memref_squeeze %dma_wait3A_1122 : memref<1x160x64xi32, #tpu.memory_space<hbm>> -> memref<160x64xi32, #tpu.memory_space<hbm>>
        %dma_wait3A_1124 = arith.constant 0 : i32
        %dma_wait3A_1125 = tpu.memref_slice %dma_wait3A_1123[%dma_wait3A_1105, %dma_wait3A_1124] : memref<160x64xi32, #tpu.memory_space<hbm>> -> memref<1x64xi32, #tpu.memory_space<hbm>>
        %dma_wait3A_1126 = tpu.memref_squeeze %dma_wait3A_1125 : memref<1x64xi32, #tpu.memory_space<hbm>> -> memref<64xi32, #tpu.memory_space<hbm>>
        tpu.wait_dma2 semaphore(%arg26 : memref<!tpu.dma_semaphore, #tpu.memory_space<semaphore_mem>>) src(%dma_wait3A_1126 : memref<64xi32, #tpu.memory_space<hbm>>) dst(%dma_wait3A_1119 : memref<64xi32, #tpu.memory_space<vmem>>)
        %dma_start3A_1127 = arith.constant 7 : i32
        %dma_start3A_1128 = arith.constant 3 : i32
        %dma_start3A_1129 = arith.constant 0 : i32
        %dma_start3A_1130 = arith.constant 0 : i32
        %dma_start3A_1131 = tpu.memref_slice %arg9[%dma_start3A_1128, %dma_start3A_1129, %dma_start3A_1130] : memref<4x64x128xf32, #tpu.memory_space<vmem>> -> memref<1x64x128xf32, #tpu.memory_space<vmem>>
        %dma_start3A_1132 = tpu.memref_squeeze %dma_start3A_1131 : memref<1x64x128xf32, #tpu.memory_space<vmem>> -> memref<64x128xf32, #tpu.memory_space<vmem>>
        %dma_start3A_1133 = arith.constant 0 : i32
        %dma_start3A_1134 = tpu.memref_slice %arg8[%dma_start3A_1127, %dma_start3A_1133] : memref<8x64xi32, #tpu.memory_space<vmem>> -> memref<1x64xi32, #tpu.memory_space<vmem>>
        %dma_start3A_1135 = tpu.memref_squeeze %dma_start3A_1134 : memref<1x64xi32, #tpu.memory_space<vmem>> -> memref<64xi32, #tpu.memory_space<vmem>>
        %dma_start3A_1136 = arith.constant 0 : i32
        %dma_start3A_1137 = arith.constant 0 : i32
        %dma_start3A_1138 = tpu.memref_slice %arg4[%dma_start3A_1136, %dma_start3A_1137] : memref<10240x128xf32, #tpu.memory_space<hbm>> -> memref<10240x128xf32, #tpu.memory_space<hbm>>
        tpu.enqueue_indirect_dma source(%dma_start3A_1138 : memref<10240x128xf32, #tpu.memory_space<hbm>>) target(%dma_start3A_1132 : memref<64x128xf32, #tpu.memory_space<vmem>>) offsets(%dma_start3A_1135 : memref<64xi32, #tpu.memory_space<vmem>>) semaphore(%arg30 : memref<!tpu.dma_semaphore, #tpu.memory_space<semaphore_mem>>)
      } else {
      }
      %add3A_794 = arith.constant 8 : i32
      %add3A_795 = arith.addi %add3A_728, %add3A_794 : i32
      %lt3A_796 = arith.constant 160 : i32
      %lt3A_797 = arith.cmpi slt, %add3A_795, %lt3A_796 : i32
      %convert_element_type3A_798 = arith.extui %lt3A_797 : i1 to i32
      %cond3A_799 = arith.constant 0 : i32
      %cond3A_800 = arith.cmpi ne, %convert_element_type3A_798, %cond3A_799 : i32
      scf.if %cond3A_800 {
        %add3A_1105 = arith.constant 8 : i32
        %add3A_1106 = arith.addi %add3A_728, %add3A_1105 : i32
        %dma_start3A_1107 = arith.constant 3 : i32
        %dma_start3A_1108 = arith.constant 0 : i32
        %dma_start3A_1109 = tpu.memref_slice %arg7[%dma_start3A_1107, %dma_start3A_1108] : memref<8x64xi32, #tpu.memory_space<vmem>> -> memref<1x64xi32, #tpu.memory_space<vmem>>
        %dma_start3A_1110 = tpu.memref_squeeze %dma_start3A_1109 : memref<1x64xi32, #tpu.memory_space<vmem>> -> memref<64xi32, #tpu.memory_space<vmem>>
        %dma_start3A_1111 = arith.constant 0 : i32
        %dma_start3A_1112 = arith.constant 0 : i32
        %dma_start3A_1113 = tpu.memref_slice %arg2[%add3A, %dma_start3A_1111, %dma_start3A_1112] : memref<32x160x64xi32, #tpu.memory_space<hbm>> -> memref<1x160x64xi32, #tpu.memory_space<hbm>>
        %dma_start3A_1114 = tpu.memref_squeeze %dma_start3A_1113 : memref<1x160x64xi32, #tpu.memory_space<hbm>> -> memref<160x64xi32, #tpu.memory_space<hbm>>
        %dma_start3A_1115 = arith.constant 0 : i32
        %dma_start3A_1116 = tpu.memref_slice %dma_start3A_1114[%add3A_1106, %dma_start3A_1115] : memref<160x64xi32, #tpu.memory_space<hbm>> -> memref<1x64xi32, #tpu.memory_space<hbm>>
        %dma_start3A_1117 = tpu.memref_squeeze %dma_start3A_1116 : memref<1x64xi32, #tpu.memory_space<hbm>> -> memref<64xi32, #tpu.memory_space<hbm>>
        %dma_start3A_1118 = arith.constant 0 : i32
        %dma_start3A_1119 = tpu.memref_slice %arg7[%dma_start3A_1107, %dma_start3A_1118] : memref<8x64xi32, #tpu.memory_space<vmem>> -> memref<1x64xi32, #tpu.memory_space<vmem>>
        %dma_start3A_1120 = tpu.memref_squeeze %dma_start3A_1119 : memref<1x64xi32, #tpu.memory_space<vmem>> -> memref<64xi32, #tpu.memory_space<vmem>>
        %dma_start3A_1121 = arith.constant 0 : i32
        %dma_start3A_1122 = arith.constant 0 : i32
        %dma_start3A_1123 = tpu.memref_slice %arg2[%add3A, %dma_start3A_1121, %dma_start3A_1122] : memref<32x160x64xi32, #tpu.memory_space<hbm>> -> memref<1x160x64xi32, #tpu.memory_space<hbm>>
        %dma_start3A_1124 = tpu.memref_squeeze %dma_start3A_1123 : memref<1x160x64xi32, #tpu.memory_space<hbm>> -> memref<160x64xi32, #tpu.memory_space<hbm>>
        %dma_start3A_1125 = arith.constant 0 : i32
        %dma_start3A_1126 = tpu.memref_slice %dma_start3A_1124[%add3A_1106, %dma_start3A_1125] : memref<160x64xi32, #tpu.memory_space<hbm>> -> memref<1x64xi32, #tpu.memory_space<hbm>>
        %dma_start3A_1127 = tpu.memref_squeeze %dma_start3A_1126 : memref<1x64xi32, #tpu.memory_space<hbm>> -> memref<64xi32, #tpu.memory_space<hbm>>
        tpu.enqueue_dma source(%dma_start3A_1127 : memref<64xi32, #tpu.memory_space<hbm>>) target(%dma_start3A_1120 : memref<64xi32, #tpu.memory_space<vmem>>) target_semaphore(%arg14 : memref<!tpu.dma_semaphore, #tpu.memory_space<semaphore_mem>>)
        %add3A_1128 = arith.constant 8 : i32
        %add3A_1129 = arith.addi %add3A_728, %add3A_1128 : i32
        %dma_start3A_1130 = arith.constant 3 : i32
        %dma_start3A_1131 = arith.constant 0 : i32
        %dma_start3A_1132 = tpu.memref_slice %arg8[%dma_start3A_1130, %dma_start3A_1131] : memref<8x64xi32, #tpu.memory_space<vmem>> -> memref<1x64xi32, #tpu.memory_space<vmem>>
        %dma_start3A_1133 = tpu.memref_squeeze %dma_start3A_1132 : memref<1x64xi32, #tpu.memory_space<vmem>> -> memref<64xi32, #tpu.memory_space<vmem>>
        %dma_start3A_1134 = arith.constant 0 : i32
        %dma_start3A_1135 = arith.constant 0 : i32
        %dma_start3A_1136 = tpu.memref_slice %arg3[%add3A, %dma_start3A_1134, %dma_start3A_1135] : memref<32x160x64xi32, #tpu.memory_space<hbm>> -> memref<1x160x64xi32, #tpu.memory_space<hbm>>
        %dma_start3A_1137 = tpu.memref_squeeze %dma_start3A_1136 : memref<1x160x64xi32, #tpu.memory_space<hbm>> -> memref<160x64xi32, #tpu.memory_space<hbm>>
        %dma_start3A_1138 = arith.constant 0 : i32
        %dma_start3A_1139 = tpu.memref_slice %dma_start3A_1137[%add3A_1129, %dma_start3A_1138] : memref<160x64xi32, #tpu.memory_space<hbm>> -> memref<1x64xi32, #tpu.memory_space<hbm>>
        %dma_start3A_1140 = tpu.memref_squeeze %dma_start3A_1139 : memref<1x64xi32, #tpu.memory_space<hbm>> -> memref<64xi32, #tpu.memory_space<hbm>>
        %dma_start3A_1141 = arith.constant 0 : i32
        %dma_start3A_1142 = tpu.memref_slice %arg8[%dma_start3A_1130, %dma_start3A_1141] : memref<8x64xi32, #tpu.memory_space<vmem>> -> memref<1x64xi32, #tpu.memory_space<vmem>>
        %dma_start3A_1143 = tpu.memref_squeeze %dma_start3A_1142 : memref<1x64xi32, #tpu.memory_space<vmem>> -> memref<64xi32, #tpu.memory_space<vmem>>
        %dma_start3A_1144 = arith.constant 0 : i32
        %dma_start3A_1145 = arith.constant 0 : i32
        %dma_start3A_1146 = tpu.memref_slice %arg3[%add3A, %dma_start3A_1144, %dma_start3A_1145] : memref<32x160x64xi32, #tpu.memory_space<hbm>> -> memref<1x160x64xi32, #tpu.memory_space<hbm>>
        %dma_start3A_1147 = tpu.memref_squeeze %dma_start3A_1146 : memref<1x160x64xi32, #tpu.memory_space<hbm>> -> memref<160x64xi32, #tpu.memory_space<hbm>>
        %dma_start3A_1148 = arith.constant 0 : i32
        %dma_start3A_1149 = tpu.memref_slice %dma_start3A_1147[%add3A_1129, %dma_start3A_1148] : memref<160x64xi32, #tpu.memory_space<hbm>> -> memref<1x64xi32, #tpu.memory_space<hbm>>
        %dma_start3A_1150 = tpu.memref_squeeze %dma_start3A_1149 : memref<1x64xi32, #tpu.memory_space<hbm>> -> memref<64xi32, #tpu.memory_space<hbm>>
        tpu.enqueue_dma source(%dma_start3A_1150 : memref<64xi32, #tpu.memory_space<hbm>>) target(%dma_start3A_1143 : memref<64xi32, #tpu.memory_space<vmem>>) target_semaphore(%arg22 : memref<!tpu.dma_semaphore, #tpu.memory_space<semaphore_mem>>)
      } else {
      }
      %mul3A_801 = arith.constant 8 : i32
      %mul3A_802 = arith.muli %scan3A_499, %mul3A_801 : i32
      %add3A_803 = arith.constant 4 : i32
      %add3A_804 = arith.addi %mul3A_802, %add3A_803 : i32
      %dma_wait3A_805 = arith.constant 4 : i32
      %dma_wait3A_806 = arith.constant 0 : i32
      %dma_wait3A_807 = arith.constant 0 : i32
      %dma_wait3A_808 = arith.constant 0 : i32
      %dma_wait3A_809 = tpu.memref_slice %arg9[%dma_wait3A_806, %dma_wait3A_807, %dma_wait3A_808] : memref<4x64x128xf32, #tpu.memory_space<vmem>> -> memref<1x64x128xf32, #tpu.memory_space<vmem>>
      %dma_wait3A_810 = tpu.memref_squeeze %dma_wait3A_809 : memref<1x64x128xf32, #tpu.memory_space<vmem>> -> memref<64x128xf32, #tpu.memory_space<vmem>>
      %dma_wait3A_811 = arith.constant 0 : i32
      %dma_wait3A_812 = tpu.memref_slice %arg8[%dma_wait3A_805, %dma_wait3A_811] : memref<8x64xi32, #tpu.memory_space<vmem>> -> memref<1x64xi32, #tpu.memory_space<vmem>>
      %dma_wait3A_813 = tpu.memref_squeeze %dma_wait3A_812 : memref<1x64xi32, #tpu.memory_space<vmem>> -> memref<64xi32, #tpu.memory_space<vmem>>
      %dma_wait3A_814 = arith.constant 0 : i32
      %dma_wait3A_815 = arith.constant 0 : i32
      %dma_wait3A_816 = tpu.memref_slice %arg4[%dma_wait3A_814, %dma_wait3A_815] : memref<10240x128xf32, #tpu.memory_space<hbm>> -> memref<10240x128xf32, #tpu.memory_space<hbm>>
      tpu.wait_indirect_dma semaphore(%arg27 : memref<!tpu.dma_semaphore, #tpu.memory_space<semaphore_mem>>) src(%dma_wait3A_816 : memref<10240x128xf32, #tpu.memory_space<hbm>>) dst(%dma_wait3A_810 : memref<64x128xf32, #tpu.memory_space<vmem>>)
      %dma_wait3A_817 = arith.constant 4 : i32
      %dma_wait3A_818 = arith.constant 4 : i32
      %dma_wait3A_819 = arith.constant 0 : i32
      %dma_wait3A_820 = tpu.memref_slice %arg7[%dma_wait3A_818, %dma_wait3A_819] : memref<8x64xi32, #tpu.memory_space<vmem>> -> memref<1x64xi32, #tpu.memory_space<vmem>>
      %dma_wait3A_821 = tpu.memref_squeeze %dma_wait3A_820 : memref<1x64xi32, #tpu.memory_space<vmem>> -> memref<64xi32, #tpu.memory_space<vmem>>
      %dma_wait3A_822 = arith.constant 0 : i32
      %dma_wait3A_823 = arith.constant 0 : i32
      %dma_wait3A_824 = tpu.memref_slice %arg2[%add3A, %dma_wait3A_822, %dma_wait3A_823] : memref<32x160x64xi32, #tpu.memory_space<hbm>> -> memref<1x160x64xi32, #tpu.memory_space<hbm>>
      %dma_wait3A_825 = tpu.memref_squeeze %dma_wait3A_824 : memref<1x160x64xi32, #tpu.memory_space<hbm>> -> memref<160x64xi32, #tpu.memory_space<hbm>>
      %dma_wait3A_826 = arith.constant 0 : i32
      %dma_wait3A_827 = tpu.memref_slice %dma_wait3A_825[%dma_wait3A_817, %dma_wait3A_826] : memref<160x64xi32, #tpu.memory_space<hbm>> -> memref<1x64xi32, #tpu.memory_space<hbm>>
      %dma_wait3A_828 = tpu.memref_squeeze %dma_wait3A_827 : memref<1x64xi32, #tpu.memory_space<hbm>> -> memref<64xi32, #tpu.memory_space<hbm>>
      %dma_wait3A_829 = arith.constant 0 : i32
      %dma_wait3A_830 = tpu.memref_slice %arg7[%dma_wait3A_818, %dma_wait3A_829] : memref<8x64xi32, #tpu.memory_space<vmem>> -> memref<1x64xi32, #tpu.memory_space<vmem>>
      %dma_wait3A_831 = tpu.memref_squeeze %dma_wait3A_830 : memref<1x64xi32, #tpu.memory_space<vmem>> -> memref<64xi32, #tpu.memory_space<vmem>>
      %dma_wait3A_832 = arith.constant 0 : i32
      %dma_wait3A_833 = arith.constant 0 : i32
      %dma_wait3A_834 = tpu.memref_slice %arg2[%add3A, %dma_wait3A_832, %dma_wait3A_833] : memref<32x160x64xi32, #tpu.memory_space<hbm>> -> memref<1x160x64xi32, #tpu.memory_space<hbm>>
      %dma_wait3A_835 = tpu.memref_squeeze %dma_wait3A_834 : memref<1x160x64xi32, #tpu.memory_space<hbm>> -> memref<160x64xi32, #tpu.memory_space<hbm>>
      %dma_wait3A_836 = arith.constant 0 : i32
      %dma_wait3A_837 = tpu.memref_slice %dma_wait3A_835[%dma_wait3A_817, %dma_wait3A_836] : memref<160x64xi32, #tpu.memory_space<hbm>> -> memref<1x64xi32, #tpu.memory_space<hbm>>
      %dma_wait3A_838 = tpu.memref_squeeze %dma_wait3A_837 : memref<1x64xi32, #tpu.memory_space<hbm>> -> memref<64xi32, #tpu.memory_space<hbm>>
      tpu.wait_dma2 semaphore(%arg15 : memref<!tpu.dma_semaphore, #tpu.memory_space<semaphore_mem>>) src(%dma_wait3A_838 : memref<64xi32, #tpu.memory_space<hbm>>) dst(%dma_wait3A_831 : memref<64xi32, #tpu.memory_space<vmem>>)
      %dma_start3A_839 = arith.constant 0 : i32
      %dma_start3A_840 = arith.constant 4 : i32
      %dma_start3A_841 = arith.constant 0 : i32
      %dma_start3A_842 = arith.constant 0 : i32
      %dma_start3A_843 = tpu.memref_slice %arg9[%dma_start3A_839, %dma_start3A_841, %dma_start3A_842] : memref<4x64x128xf32, #tpu.memory_space<vmem>> -> memref<1x64x128xf32, #tpu.memory_space<vmem>>
      %dma_start3A_844 = tpu.memref_squeeze %dma_start3A_843 : memref<1x64x128xf32, #tpu.memory_space<vmem>> -> memref<64x128xf32, #tpu.memory_space<vmem>>
      %dma_start3A_845 = arith.constant 0 : i32
      %dma_start3A_846 = tpu.memref_slice %arg7[%dma_start3A_840, %dma_start3A_845] : memref<8x64xi32, #tpu.memory_space<vmem>> -> memref<1x64xi32, #tpu.memory_space<vmem>>
      %dma_start3A_847 = tpu.memref_squeeze %dma_start3A_846 : memref<1x64xi32, #tpu.memory_space<vmem>> -> memref<64xi32, #tpu.memory_space<vmem>>
      %dma_start3A_848 = arith.constant 0 : i32
      %dma_start3A_849 = arith.constant 0 : i32
      %dma_start3A_850 = tpu.memref_slice %arg10[%dma_start3A_848, %dma_start3A_849] : memref<10240x128xf32, #tpu.memory_space<vmem_shared>> -> memref<10240x128xf32, #tpu.memory_space<vmem_shared>>
      tpu.enqueue_indirect_dma source(%dma_start3A_844 : memref<64x128xf32, #tpu.memory_space<vmem>>) target(%dma_start3A_850 : memref<10240x128xf32, #tpu.memory_space<vmem_shared>>) offsets(%dma_start3A_847 : memref<64xi32, #tpu.memory_space<vmem>>) semaphore(%arg31 : memref<!tpu.dma_semaphore, #tpu.memory_space<semaphore_mem>>) {add = true}
      %dma_wait3A_851 = arith.constant 0 : i32
      %dma_wait3A_852 = arith.constant 4 : i32
      %dma_wait3A_853 = arith.constant 0 : i32
      %dma_wait3A_854 = arith.constant 0 : i32
      %dma_wait3A_855 = tpu.memref_slice %arg9[%dma_wait3A_851, %dma_wait3A_853, %dma_wait3A_854] : memref<4x64x128xf32, #tpu.memory_space<vmem>> -> memref<1x64x128xf32, #tpu.memory_space<vmem>>
      %dma_wait3A_856 = tpu.memref_squeeze %dma_wait3A_855 : memref<1x64x128xf32, #tpu.memory_space<vmem>> -> memref<64x128xf32, #tpu.memory_space<vmem>>
      %dma_wait3A_857 = arith.constant 0 : i32
      %dma_wait3A_858 = tpu.memref_slice %arg7[%dma_wait3A_852, %dma_wait3A_857] : memref<8x64xi32, #tpu.memory_space<vmem>> -> memref<1x64xi32, #tpu.memory_space<vmem>>
      %dma_wait3A_859 = tpu.memref_squeeze %dma_wait3A_858 : memref<1x64xi32, #tpu.memory_space<vmem>> -> memref<64xi32, #tpu.memory_space<vmem>>
      %dma_wait3A_860 = arith.constant 0 : i32
      %dma_wait3A_861 = arith.constant 0 : i32
      %dma_wait3A_862 = tpu.memref_slice %arg10[%dma_wait3A_860, %dma_wait3A_861] : memref<10240x128xf32, #tpu.memory_space<vmem_shared>> -> memref<10240x128xf32, #tpu.memory_space<vmem_shared>>
      tpu.wait_indirect_dma semaphore(%arg31 : memref<!tpu.dma_semaphore, #tpu.memory_space<semaphore_mem>>) src(%dma_wait3A_856 : memref<64x128xf32, #tpu.memory_space<vmem>>) dst(%dma_wait3A_862 : memref<10240x128xf32, #tpu.memory_space<vmem_shared>>)
      %add3A_863 = arith.constant 4 : i32
      %add3A_864 = arith.addi %add3A_804, %add3A_863 : i32
      %lt3A_865 = arith.constant 160 : i32
      %lt3A_866 = arith.cmpi slt, %add3A_864, %lt3A_865 : i32
      %convert_element_type3A_867 = arith.extui %lt3A_866 : i1 to i32
      %cond3A_868 = arith.constant 0 : i32
      %cond3A_869 = arith.cmpi ne, %convert_element_type3A_867, %cond3A_868 : i32
      scf.if %cond3A_869 {
        %dma_wait3A_1105 = arith.constant 0 : i32
        %dma_wait3A_1106 = arith.constant 0 : i32
        %dma_wait3A_1107 = arith.constant 0 : i32
        %dma_wait3A_1108 = tpu.memref_slice %arg8[%dma_wait3A_1106, %dma_wait3A_1107] : memref<8x64xi32, #tpu.memory_space<vmem>> -> memref<1x64xi32, #tpu.memory_space<vmem>>
        %dma_wait3A_1109 = tpu.memref_squeeze %dma_wait3A_1108 : memref<1x64xi32, #tpu.memory_space<vmem>> -> memref<64xi32, #tpu.memory_space<vmem>>
        %dma_wait3A_1110 = arith.constant 0 : i32
        %dma_wait3A_1111 = arith.constant 0 : i32
        %dma_wait3A_1112 = tpu.memref_slice %arg3[%add3A, %dma_wait3A_1110, %dma_wait3A_1111] : memref<32x160x64xi32, #tpu.memory_space<hbm>> -> memref<1x160x64xi32, #tpu.memory_space<hbm>>
        %dma_wait3A_1113 = tpu.memref_squeeze %dma_wait3A_1112 : memref<1x160x64xi32, #tpu.memory_space<hbm>> -> memref<160x64xi32, #tpu.memory_space<hbm>>
        %dma_wait3A_1114 = arith.constant 0 : i32
        %dma_wait3A_1115 = tpu.memref_slice %dma_wait3A_1113[%dma_wait3A_1105, %dma_wait3A_1114] : memref<160x64xi32, #tpu.memory_space<hbm>> -> memref<1x64xi32, #tpu.memory_space<hbm>>
        %dma_wait3A_1116 = tpu.memref_squeeze %dma_wait3A_1115 : memref<1x64xi32, #tpu.memory_space<hbm>> -> memref<64xi32, #tpu.memory_space<hbm>>
        %dma_wait3A_1117 = arith.constant 0 : i32
        %dma_wait3A_1118 = tpu.memref_slice %arg8[%dma_wait3A_1106, %dma_wait3A_1117] : memref<8x64xi32, #tpu.memory_space<vmem>> -> memref<1x64xi32, #tpu.memory_space<vmem>>
        %dma_wait3A_1119 = tpu.memref_squeeze %dma_wait3A_1118 : memref<1x64xi32, #tpu.memory_space<vmem>> -> memref<64xi32, #tpu.memory_space<vmem>>
        %dma_wait3A_1120 = arith.constant 0 : i32
        %dma_wait3A_1121 = arith.constant 0 : i32
        %dma_wait3A_1122 = tpu.memref_slice %arg3[%add3A, %dma_wait3A_1120, %dma_wait3A_1121] : memref<32x160x64xi32, #tpu.memory_space<hbm>> -> memref<1x160x64xi32, #tpu.memory_space<hbm>>
        %dma_wait3A_1123 = tpu.memref_squeeze %dma_wait3A_1122 : memref<1x160x64xi32, #tpu.memory_space<hbm>> -> memref<160x64xi32, #tpu.memory_space<hbm>>
        %dma_wait3A_1124 = arith.constant 0 : i32
        %dma_wait3A_1125 = tpu.memref_slice %dma_wait3A_1123[%dma_wait3A_1105, %dma_wait3A_1124] : memref<160x64xi32, #tpu.memory_space<hbm>> -> memref<1x64xi32, #tpu.memory_space<hbm>>
        %dma_wait3A_1126 = tpu.memref_squeeze %dma_wait3A_1125 : memref<1x64xi32, #tpu.memory_space<hbm>> -> memref<64xi32, #tpu.memory_space<hbm>>
        tpu.wait_dma2 semaphore(%arg19 : memref<!tpu.dma_semaphore, #tpu.memory_space<semaphore_mem>>) src(%dma_wait3A_1126 : memref<64xi32, #tpu.memory_space<hbm>>) dst(%dma_wait3A_1119 : memref<64xi32, #tpu.memory_space<vmem>>)
        %dma_start3A_1127 = arith.constant 0 : i32
        %dma_start3A_1128 = arith.constant 0 : i32
        %dma_start3A_1129 = arith.constant 0 : i32
        %dma_start3A_1130 = arith.constant 0 : i32
        %dma_start3A_1131 = tpu.memref_slice %arg9[%dma_start3A_1128, %dma_start3A_1129, %dma_start3A_1130] : memref<4x64x128xf32, #tpu.memory_space<vmem>> -> memref<1x64x128xf32, #tpu.memory_space<vmem>>
        %dma_start3A_1132 = tpu.memref_squeeze %dma_start3A_1131 : memref<1x64x128xf32, #tpu.memory_space<vmem>> -> memref<64x128xf32, #tpu.memory_space<vmem>>
        %dma_start3A_1133 = arith.constant 0 : i32
        %dma_start3A_1134 = tpu.memref_slice %arg8[%dma_start3A_1127, %dma_start3A_1133] : memref<8x64xi32, #tpu.memory_space<vmem>> -> memref<1x64xi32, #tpu.memory_space<vmem>>
        %dma_start3A_1135 = tpu.memref_squeeze %dma_start3A_1134 : memref<1x64xi32, #tpu.memory_space<vmem>> -> memref<64xi32, #tpu.memory_space<vmem>>
        %dma_start3A_1136 = arith.constant 0 : i32
        %dma_start3A_1137 = arith.constant 0 : i32
        %dma_start3A_1138 = tpu.memref_slice %arg4[%dma_start3A_1136, %dma_start3A_1137] : memref<10240x128xf32, #tpu.memory_space<hbm>> -> memref<10240x128xf32, #tpu.memory_space<hbm>>
        tpu.enqueue_indirect_dma source(%dma_start3A_1138 : memref<10240x128xf32, #tpu.memory_space<hbm>>) target(%dma_start3A_1132 : memref<64x128xf32, #tpu.memory_space<vmem>>) offsets(%dma_start3A_1135 : memref<64xi32, #tpu.memory_space<vmem>>) semaphore(%arg27 : memref<!tpu.dma_semaphore, #tpu.memory_space<semaphore_mem>>)
      } else {
      }
      %add3A_870 = arith.constant 8 : i32
      %add3A_871 = arith.addi %add3A_804, %add3A_870 : i32
      %lt3A_872 = arith.constant 160 : i32
      %lt3A_873 = arith.cmpi slt, %add3A_871, %lt3A_872 : i32
      %convert_element_type3A_874 = arith.extui %lt3A_873 : i1 to i32
      %cond3A_875 = arith.constant 0 : i32
      %cond3A_876 = arith.cmpi ne, %convert_element_type3A_874, %cond3A_875 : i32
      scf.if %cond3A_876 {
        %add3A_1105 = arith.constant 8 : i32
        %add3A_1106 = arith.addi %add3A_804, %add3A_1105 : i32
        %dma_start3A_1107 = arith.constant 4 : i32
        %dma_start3A_1108 = arith.constant 0 : i32
        %dma_start3A_1109 = tpu.memref_slice %arg7[%dma_start3A_1107, %dma_start3A_1108] : memref<8x64xi32, #tpu.memory_space<vmem>> -> memref<1x64xi32, #tpu.memory_space<vmem>>
        %dma_start3A_1110 = tpu.memref_squeeze %dma_start3A_1109 : memref<1x64xi32, #tpu.memory_space<vmem>> -> memref<64xi32, #tpu.memory_space<vmem>>
        %dma_start3A_1111 = arith.constant 0 : i32
        %dma_start3A_1112 = arith.constant 0 : i32
        %dma_start3A_1113 = tpu.memref_slice %arg2[%add3A, %dma_start3A_1111, %dma_start3A_1112] : memref<32x160x64xi32, #tpu.memory_space<hbm>> -> memref<1x160x64xi32, #tpu.memory_space<hbm>>
        %dma_start3A_1114 = tpu.memref_squeeze %dma_start3A_1113 : memref<1x160x64xi32, #tpu.memory_space<hbm>> -> memref<160x64xi32, #tpu.memory_space<hbm>>
        %dma_start3A_1115 = arith.constant 0 : i32
        %dma_start3A_1116 = tpu.memref_slice %dma_start3A_1114[%add3A_1106, %dma_start3A_1115] : memref<160x64xi32, #tpu.memory_space<hbm>> -> memref<1x64xi32, #tpu.memory_space<hbm>>
        %dma_start3A_1117 = tpu.memref_squeeze %dma_start3A_1116 : memref<1x64xi32, #tpu.memory_space<hbm>> -> memref<64xi32, #tpu.memory_space<hbm>>
        %dma_start3A_1118 = arith.constant 0 : i32
        %dma_start3A_1119 = tpu.memref_slice %arg7[%dma_start3A_1107, %dma_start3A_1118] : memref<8x64xi32, #tpu.memory_space<vmem>> -> memref<1x64xi32, #tpu.memory_space<vmem>>
        %dma_start3A_1120 = tpu.memref_squeeze %dma_start3A_1119 : memref<1x64xi32, #tpu.memory_space<vmem>> -> memref<64xi32, #tpu.memory_space<vmem>>
        %dma_start3A_1121 = arith.constant 0 : i32
        %dma_start3A_1122 = arith.constant 0 : i32
        %dma_start3A_1123 = tpu.memref_slice %arg2[%add3A, %dma_start3A_1121, %dma_start3A_1122] : memref<32x160x64xi32, #tpu.memory_space<hbm>> -> memref<1x160x64xi32, #tpu.memory_space<hbm>>
        %dma_start3A_1124 = tpu.memref_squeeze %dma_start3A_1123 : memref<1x160x64xi32, #tpu.memory_space<hbm>> -> memref<160x64xi32, #tpu.memory_space<hbm>>
        %dma_start3A_1125 = arith.constant 0 : i32
        %dma_start3A_1126 = tpu.memref_slice %dma_start3A_1124[%add3A_1106, %dma_start3A_1125] : memref<160x64xi32, #tpu.memory_space<hbm>> -> memref<1x64xi32, #tpu.memory_space<hbm>>
        %dma_start3A_1127 = tpu.memref_squeeze %dma_start3A_1126 : memref<1x64xi32, #tpu.memory_space<hbm>> -> memref<64xi32, #tpu.memory_space<hbm>>
        tpu.enqueue_dma source(%dma_start3A_1127 : memref<64xi32, #tpu.memory_space<hbm>>) target(%dma_start3A_1120 : memref<64xi32, #tpu.memory_space<vmem>>) target_semaphore(%arg15 : memref<!tpu.dma_semaphore, #tpu.memory_space<semaphore_mem>>)
        %add3A_1128 = arith.constant 8 : i32
        %add3A_1129 = arith.addi %add3A_804, %add3A_1128 : i32
        %dma_start3A_1130 = arith.constant 4 : i32
        %dma_start3A_1131 = arith.constant 0 : i32
        %dma_start3A_1132 = tpu.memref_slice %arg8[%dma_start3A_1130, %dma_start3A_1131] : memref<8x64xi32, #tpu.memory_space<vmem>> -> memref<1x64xi32, #tpu.memory_space<vmem>>
        %dma_start3A_1133 = tpu.memref_squeeze %dma_start3A_1132 : memref<1x64xi32, #tpu.memory_space<vmem>> -> memref<64xi32, #tpu.memory_space<vmem>>
        %dma_start3A_1134 = arith.constant 0 : i32
        %dma_start3A_1135 = arith.constant 0 : i32
        %dma_start3A_1136 = tpu.memref_slice %arg3[%add3A, %dma_start3A_1134, %dma_start3A_1135] : memref<32x160x64xi32, #tpu.memory_space<hbm>> -> memref<1x160x64xi32, #tpu.memory_space<hbm>>
        %dma_start3A_1137 = tpu.memref_squeeze %dma_start3A_1136 : memref<1x160x64xi32, #tpu.memory_space<hbm>> -> memref<160x64xi32, #tpu.memory_space<hbm>>
        %dma_start3A_1138 = arith.constant 0 : i32
        %dma_start3A_1139 = tpu.memref_slice %dma_start3A_1137[%add3A_1129, %dma_start3A_1138] : memref<160x64xi32, #tpu.memory_space<hbm>> -> memref<1x64xi32, #tpu.memory_space<hbm>>
        %dma_start3A_1140 = tpu.memref_squeeze %dma_start3A_1139 : memref<1x64xi32, #tpu.memory_space<hbm>> -> memref<64xi32, #tpu.memory_space<hbm>>
        %dma_start3A_1141 = arith.constant 0 : i32
        %dma_start3A_1142 = tpu.memref_slice %arg8[%dma_start3A_1130, %dma_start3A_1141] : memref<8x64xi32, #tpu.memory_space<vmem>> -> memref<1x64xi32, #tpu.memory_space<vmem>>
        %dma_start3A_1143 = tpu.memref_squeeze %dma_start3A_1142 : memref<1x64xi32, #tpu.memory_space<vmem>> -> memref<64xi32, #tpu.memory_space<vmem>>
        %dma_start3A_1144 = arith.constant 0 : i32
        %dma_start3A_1145 = arith.constant 0 : i32
        %dma_start3A_1146 = tpu.memref_slice %arg3[%add3A, %dma_start3A_1144, %dma_start3A_1145] : memref<32x160x64xi32, #tpu.memory_space<hbm>> -> memref<1x160x64xi32, #tpu.memory_space<hbm>>
        %dma_start3A_1147 = tpu.memref_squeeze %dma_start3A_1146 : memref<1x160x64xi32, #tpu.memory_space<hbm>> -> memref<160x64xi32, #tpu.memory_space<hbm>>
        %dma_start3A_1148 = arith.constant 0 : i32
        %dma_start3A_1149 = tpu.memref_slice %dma_start3A_1147[%add3A_1129, %dma_start3A_1148] : memref<160x64xi32, #tpu.memory_space<hbm>> -> memref<1x64xi32, #tpu.memory_space<hbm>>
        %dma_start3A_1150 = tpu.memref_squeeze %dma_start3A_1149 : memref<1x64xi32, #tpu.memory_space<hbm>> -> memref<64xi32, #tpu.memory_space<hbm>>
        tpu.enqueue_dma source(%dma_start3A_1150 : memref<64xi32, #tpu.memory_space<hbm>>) target(%dma_start3A_1143 : memref<64xi32, #tpu.memory_space<vmem>>) target_semaphore(%arg23 : memref<!tpu.dma_semaphore, #tpu.memory_space<semaphore_mem>>)
      } else {
      }
      %mul3A_877 = arith.constant 8 : i32
      %mul3A_878 = arith.muli %scan3A_499, %mul3A_877 : i32
      %add3A_879 = arith.constant 5 : i32
      %add3A_880 = arith.addi %mul3A_878, %add3A_879 : i32
      %dma_wait3A_881 = arith.constant 5 : i32
      %dma_wait3A_882 = arith.constant 1 : i32
      %dma_wait3A_883 = arith.constant 0 : i32
      %dma_wait3A_884 = arith.constant 0 : i32
      %dma_wait3A_885 = tpu.memref_slice %arg9[%dma_wait3A_882, %dma_wait3A_883, %dma_wait3A_884] : memref<4x64x128xf32, #tpu.memory_space<vmem>> -> memref<1x64x128xf32, #tpu.memory_space<vmem>>
      %dma_wait3A_886 = tpu.memref_squeeze %dma_wait3A_885 : memref<1x64x128xf32, #tpu.memory_space<vmem>> -> memref<64x128xf32, #tpu.memory_space<vmem>>
      %dma_wait3A_887 = arith.constant 0 : i32
      %dma_wait3A_888 = tpu.memref_slice %arg8[%dma_wait3A_881, %dma_wait3A_887] : memref<8x64xi32, #tpu.memory_space<vmem>> -> memref<1x64xi32, #tpu.memory_space<vmem>>
      %dma_wait3A_889 = tpu.memref_squeeze %dma_wait3A_888 : memref<1x64xi32, #tpu.memory_space<vmem>> -> memref<64xi32, #tpu.memory_space<vmem>>
      %dma_wait3A_890 = arith.constant 0 : i32
      %dma_wait3A_891 = arith.constant 0 : i32
      %dma_wait3A_892 = tpu.memref_slice %arg4[%dma_wait3A_890, %dma_wait3A_891] : memref<10240x128xf32, #tpu.memory_space<hbm>> -> memref<10240x128xf32, #tpu.memory_space<hbm>>
      tpu.wait_indirect_dma semaphore(%arg28 : memref<!tpu.dma_semaphore, #tpu.memory_space<semaphore_mem>>) src(%dma_wait3A_892 : memref<10240x128xf32, #tpu.memory_space<hbm>>) dst(%dma_wait3A_886 : memref<64x128xf32, #tpu.memory_space<vmem>>)
      %dma_wait3A_893 = arith.constant 5 : i32
      %dma_wait3A_894 = arith.constant 5 : i32
      %dma_wait3A_895 = arith.constant 0 : i32
      %dma_wait3A_896 = tpu.memref_slice %arg7[%dma_wait3A_894, %dma_wait3A_895] : memref<8x64xi32, #tpu.memory_space<vmem>> -> memref<1x64xi32, #tpu.memory_space<vmem>>
      %dma_wait3A_897 = tpu.memref_squeeze %dma_wait3A_896 : memref<1x64xi32, #tpu.memory_space<vmem>> -> memref<64xi32, #tpu.memory_space<vmem>>
      %dma_wait3A_898 = arith.constant 0 : i32
      %dma_wait3A_899 = arith.constant 0 : i32
      %dma_wait3A_900 = tpu.memref_slice %arg2[%add3A, %dma_wait3A_898, %dma_wait3A_899] : memref<32x160x64xi32, #tpu.memory_space<hbm>> -> memref<1x160x64xi32, #tpu.memory_space<hbm>>
      %dma_wait3A_901 = tpu.memref_squeeze %dma_wait3A_900 : memref<1x160x64xi32, #tpu.memory_space<hbm>> -> memref<160x64xi32, #tpu.memory_space<hbm>>
      %dma_wait3A_902 = arith.constant 0 : i32
      %dma_wait3A_903 = tpu.memref_slice %dma_wait3A_901[%dma_wait3A_893, %dma_wait3A_902] : memref<160x64xi32, #tpu.memory_space<hbm>> -> memref<1x64xi32, #tpu.memory_space<hbm>>
      %dma_wait3A_904 = tpu.memref_squeeze %dma_wait3A_903 : memref<1x64xi32, #tpu.memory_space<hbm>> -> memref<64xi32, #tpu.memory_space<hbm>>
      %dma_wait3A_905 = arith.constant 0 : i32
      %dma_wait3A_906 = tpu.memref_slice %arg7[%dma_wait3A_894, %dma_wait3A_905] : memref<8x64xi32, #tpu.memory_space<vmem>> -> memref<1x64xi32, #tpu.memory_space<vmem>>
      %dma_wait3A_907 = tpu.memref_squeeze %dma_wait3A_906 : memref<1x64xi32, #tpu.memory_space<vmem>> -> memref<64xi32, #tpu.memory_space<vmem>>
      %dma_wait3A_908 = arith.constant 0 : i32
      %dma_wait3A_909 = arith.constant 0 : i32
      %dma_wait3A_910 = tpu.memref_slice %arg2[%add3A, %dma_wait3A_908, %dma_wait3A_909] : memref<32x160x64xi32, #tpu.memory_space<hbm>> -> memref<1x160x64xi32, #tpu.memory_space<hbm>>
      %dma_wait3A_911 = tpu.memref_squeeze %dma_wait3A_910 : memref<1x160x64xi32, #tpu.memory_space<hbm>> -> memref<160x64xi32, #tpu.memory_space<hbm>>
      %dma_wait3A_912 = arith.constant 0 : i32
      %dma_wait3A_913 = tpu.memref_slice %dma_wait3A_911[%dma_wait3A_893, %dma_wait3A_912] : memref<160x64xi32, #tpu.memory_space<hbm>> -> memref<1x64xi32, #tpu.memory_space<hbm>>
      %dma_wait3A_914 = tpu.memref_squeeze %dma_wait3A_913 : memref<1x64xi32, #tpu.memory_space<hbm>> -> memref<64xi32, #tpu.memory_space<hbm>>
      tpu.wait_dma2 semaphore(%arg16 : memref<!tpu.dma_semaphore, #tpu.memory_space<semaphore_mem>>) src(%dma_wait3A_914 : memref<64xi32, #tpu.memory_space<hbm>>) dst(%dma_wait3A_907 : memref<64xi32, #tpu.memory_space<vmem>>)
      %dma_start3A_915 = arith.constant 1 : i32
      %dma_start3A_916 = arith.constant 5 : i32
      %dma_start3A_917 = arith.constant 0 : i32
      %dma_start3A_918 = arith.constant 0 : i32
      %dma_start3A_919 = tpu.memref_slice %arg9[%dma_start3A_915, %dma_start3A_917, %dma_start3A_918] : memref<4x64x128xf32, #tpu.memory_space<vmem>> -> memref<1x64x128xf32, #tpu.memory_space<vmem>>
      %dma_start3A_920 = tpu.memref_squeeze %dma_start3A_919 : memref<1x64x128xf32, #tpu.memory_space<vmem>> -> memref<64x128xf32, #tpu.memory_space<vmem>>
      %dma_start3A_921 = arith.constant 0 : i32
      %dma_start3A_922 = tpu.memref_slice %arg7[%dma_start3A_916, %dma_start3A_921] : memref<8x64xi32, #tpu.memory_space<vmem>> -> memref<1x64xi32, #tpu.memory_space<vmem>>
      %dma_start3A_923 = tpu.memref_squeeze %dma_start3A_922 : memref<1x64xi32, #tpu.memory_space<vmem>> -> memref<64xi32, #tpu.memory_space<vmem>>
      %dma_start3A_924 = arith.constant 0 : i32
      %dma_start3A_925 = arith.constant 0 : i32
      %dma_start3A_926 = tpu.memref_slice %arg10[%dma_start3A_924, %dma_start3A_925] : memref<10240x128xf32, #tpu.memory_space<vmem_shared>> -> memref<10240x128xf32, #tpu.memory_space<vmem_shared>>
      tpu.enqueue_indirect_dma source(%dma_start3A_920 : memref<64x128xf32, #tpu.memory_space<vmem>>) target(%dma_start3A_926 : memref<10240x128xf32, #tpu.memory_space<vmem_shared>>) offsets(%dma_start3A_923 : memref<64xi32, #tpu.memory_space<vmem>>) semaphore(%arg32 : memref<!tpu.dma_semaphore, #tpu.memory_space<semaphore_mem>>) {add = true}
      %dma_wait3A_927 = arith.constant 1 : i32
      %dma_wait3A_928 = arith.constant 5 : i32
      %dma_wait3A_929 = arith.constant 0 : i32
      %dma_wait3A_930 = arith.constant 0 : i32
      %dma_wait3A_931 = tpu.memref_slice %arg9[%dma_wait3A_927, %dma_wait3A_929, %dma_wait3A_930] : memref<4x64x128xf32, #tpu.memory_space<vmem>> -> memref<1x64x128xf32, #tpu.memory_space<vmem>>
      %dma_wait3A_932 = tpu.memref_squeeze %dma_wait3A_931 : memref<1x64x128xf32, #tpu.memory_space<vmem>> -> memref<64x128xf32, #tpu.memory_space<vmem>>
      %dma_wait3A_933 = arith.constant 0 : i32
      %dma_wait3A_934 = tpu.memref_slice %arg7[%dma_wait3A_928, %dma_wait3A_933] : memref<8x64xi32, #tpu.memory_space<vmem>> -> memref<1x64xi32, #tpu.memory_space<vmem>>
      %dma_wait3A_935 = tpu.memref_squeeze %dma_wait3A_934 : memref<1x64xi32, #tpu.memory_space<vmem>> -> memref<64xi32, #tpu.memory_space<vmem>>
      %dma_wait3A_936 = arith.constant 0 : i32
      %dma_wait3A_937 = arith.constant 0 : i32
      %dma_wait3A_938 = tpu.memref_slice %arg10[%dma_wait3A_936, %dma_wait3A_937] : memref<10240x128xf32, #tpu.memory_space<vmem_shared>> -> memref<10240x128xf32, #tpu.memory_space<vmem_shared>>
      tpu.wait_indirect_dma semaphore(%arg32 : memref<!tpu.dma_semaphore, #tpu.memory_space<semaphore_mem>>) src(%dma_wait3A_932 : memref<64x128xf32, #tpu.memory_space<vmem>>) dst(%dma_wait3A_938 : memref<10240x128xf32, #tpu.memory_space<vmem_shared>>)
      %add3A_939 = arith.constant 4 : i32
      %add3A_940 = arith.addi %add3A_880, %add3A_939 : i32
      %lt3A_941 = arith.constant 160 : i32
      %lt3A_942 = arith.cmpi slt, %add3A_940, %lt3A_941 : i32
      %convert_element_type3A_943 = arith.extui %lt3A_942 : i1 to i32
      %cond3A_944 = arith.constant 0 : i32
      %cond3A_945 = arith.cmpi ne, %convert_element_type3A_943, %cond3A_944 : i32
      scf.if %cond3A_945 {
        %dma_wait3A_1105 = arith.constant 1 : i32
        %dma_wait3A_1106 = arith.constant 1 : i32
        %dma_wait3A_1107 = arith.constant 0 : i32
        %dma_wait3A_1108 = tpu.memref_slice %arg8[%dma_wait3A_1106, %dma_wait3A_1107] : memref<8x64xi32, #tpu.memory_space<vmem>> -> memref<1x64xi32, #tpu.memory_space<vmem>>
        %dma_wait3A_1109 = tpu.memref_squeeze %dma_wait3A_1108 : memref<1x64xi32, #tpu.memory_space<vmem>> -> memref<64xi32, #tpu.memory_space<vmem>>
        %dma_wait3A_1110 = arith.constant 0 : i32
        %dma_wait3A_1111 = arith.constant 0 : i32
        %dma_wait3A_1112 = tpu.memref_slice %arg3[%add3A, %dma_wait3A_1110, %dma_wait3A_1111] : memref<32x160x64xi32, #tpu.memory_space<hbm>> -> memref<1x160x64xi32, #tpu.memory_space<hbm>>
        %dma_wait3A_1113 = tpu.memref_squeeze %dma_wait3A_1112 : memref<1x160x64xi32, #tpu.memory_space<hbm>> -> memref<160x64xi32, #tpu.memory_space<hbm>>
        %dma_wait3A_1114 = arith.constant 0 : i32
        %dma_wait3A_1115 = tpu.memref_slice %dma_wait3A_1113[%dma_wait3A_1105, %dma_wait3A_1114] : memref<160x64xi32, #tpu.memory_space<hbm>> -> memref<1x64xi32, #tpu.memory_space<hbm>>
        %dma_wait3A_1116 = tpu.memref_squeeze %dma_wait3A_1115 : memref<1x64xi32, #tpu.memory_space<hbm>> -> memref<64xi32, #tpu.memory_space<hbm>>
        %dma_wait3A_1117 = arith.constant 0 : i32
        %dma_wait3A_1118 = tpu.memref_slice %arg8[%dma_wait3A_1106, %dma_wait3A_1117] : memref<8x64xi32, #tpu.memory_space<vmem>> -> memref<1x64xi32, #tpu.memory_space<vmem>>
        %dma_wait3A_1119 = tpu.memref_squeeze %dma_wait3A_1118 : memref<1x64xi32, #tpu.memory_space<vmem>> -> memref<64xi32, #tpu.memory_space<vmem>>
        %dma_wait3A_1120 = arith.constant 0 : i32
        %dma_wait3A_1121 = arith.constant 0 : i32
        %dma_wait3A_1122 = tpu.memref_slice %arg3[%add3A, %dma_wait3A_1120, %dma_wait3A_1121] : memref<32x160x64xi32, #tpu.memory_space<hbm>> -> memref<1x160x64xi32, #tpu.memory_space<hbm>>
        %dma_wait3A_1123 = tpu.memref_squeeze %dma_wait3A_1122 : memref<1x160x64xi32, #tpu.memory_space<hbm>> -> memref<160x64xi32, #tpu.memory_space<hbm>>
        %dma_wait3A_1124 = arith.constant 0 : i32
        %dma_wait3A_1125 = tpu.memref_slice %dma_wait3A_1123[%dma_wait3A_1105, %dma_wait3A_1124] : memref<160x64xi32, #tpu.memory_space<hbm>> -> memref<1x64xi32, #tpu.memory_space<hbm>>
        %dma_wait3A_1126 = tpu.memref_squeeze %dma_wait3A_1125 : memref<1x64xi32, #tpu.memory_space<hbm>> -> memref<64xi32, #tpu.memory_space<hbm>>
        tpu.wait_dma2 semaphore(%arg20 : memref<!tpu.dma_semaphore, #tpu.memory_space<semaphore_mem>>) src(%dma_wait3A_1126 : memref<64xi32, #tpu.memory_space<hbm>>) dst(%dma_wait3A_1119 : memref<64xi32, #tpu.memory_space<vmem>>)
        %dma_start3A_1127 = arith.constant 1 : i32
        %dma_start3A_1128 = arith.constant 1 : i32
        %dma_start3A_1129 = arith.constant 0 : i32
        %dma_start3A_1130 = arith.constant 0 : i32
        %dma_start3A_1131 = tpu.memref_slice %arg9[%dma_start3A_1128, %dma_start3A_1129, %dma_start3A_1130] : memref<4x64x128xf32, #tpu.memory_space<vmem>> -> memref<1x64x128xf32, #tpu.memory_space<vmem>>
        %dma_start3A_1132 = tpu.memref_squeeze %dma_start3A_1131 : memref<1x64x128xf32, #tpu.memory_space<vmem>> -> memref<64x128xf32, #tpu.memory_space<vmem>>
        %dma_start3A_1133 = arith.constant 0 : i32
        %dma_start3A_1134 = tpu.memref_slice %arg8[%dma_start3A_1127, %dma_start3A_1133] : memref<8x64xi32, #tpu.memory_space<vmem>> -> memref<1x64xi32, #tpu.memory_space<vmem>>
        %dma_start3A_1135 = tpu.memref_squeeze %dma_start3A_1134 : memref<1x64xi32, #tpu.memory_space<vmem>> -> memref<64xi32, #tpu.memory_space<vmem>>
        %dma_start3A_1136 = arith.constant 0 : i32
        %dma_start3A_1137 = arith.constant 0 : i32
        %dma_start3A_1138 = tpu.memref_slice %arg4[%dma_start3A_1136, %dma_start3A_1137] : memref<10240x128xf32, #tpu.memory_space<hbm>> -> memref<10240x128xf32, #tpu.memory_space<hbm>>
        tpu.enqueue_indirect_dma source(%dma_start3A_1138 : memref<10240x128xf32, #tpu.memory_space<hbm>>) target(%dma_start3A_1132 : memref<64x128xf32, #tpu.memory_space<vmem>>) offsets(%dma_start3A_1135 : memref<64xi32, #tpu.memory_space<vmem>>) semaphore(%arg28 : memref<!tpu.dma_semaphore, #tpu.memory_space<semaphore_mem>>)
      } else {
      }
      %add3A_946 = arith.constant 8 : i32
      %add3A_947 = arith.addi %add3A_880, %add3A_946 : i32
      %lt3A_948 = arith.constant 160 : i32
      %lt3A_949 = arith.cmpi slt, %add3A_947, %lt3A_948 : i32
      %convert_element_type3A_950 = arith.extui %lt3A_949 : i1 to i32
      %cond3A_951 = arith.constant 0 : i32
      %cond3A_952 = arith.cmpi ne, %convert_element_type3A_950, %cond3A_951 : i32
      scf.if %cond3A_952 {
        %add3A_1105 = arith.constant 8 : i32
        %add3A_1106 = arith.addi %add3A_880, %add3A_1105 : i32
        %dma_start3A_1107 = arith.constant 5 : i32
        %dma_start3A_1108 = arith.constant 0 : i32
        %dma_start3A_1109 = tpu.memref_slice %arg7[%dma_start3A_1107, %dma_start3A_1108] : memref<8x64xi32, #tpu.memory_space<vmem>> -> memref<1x64xi32, #tpu.memory_space<vmem>>
        %dma_start3A_1110 = tpu.memref_squeeze %dma_start3A_1109 : memref<1x64xi32, #tpu.memory_space<vmem>> -> memref<64xi32, #tpu.memory_space<vmem>>
        %dma_start3A_1111 = arith.constant 0 : i32
        %dma_start3A_1112 = arith.constant 0 : i32
        %dma_start3A_1113 = tpu.memref_slice %arg2[%add3A, %dma_start3A_1111, %dma_start3A_1112] : memref<32x160x64xi32, #tpu.memory_space<hbm>> -> memref<1x160x64xi32, #tpu.memory_space<hbm>>
        %dma_start3A_1114 = tpu.memref_squeeze %dma_start3A_1113 : memref<1x160x64xi32, #tpu.memory_space<hbm>> -> memref<160x64xi32, #tpu.memory_space<hbm>>
        %dma_start3A_1115 = arith.constant 0 : i32
        %dma_start3A_1116 = tpu.memref_slice %dma_start3A_1114[%add3A_1106, %dma_start3A_1115] : memref<160x64xi32, #tpu.memory_space<hbm>> -> memref<1x64xi32, #tpu.memory_space<hbm>>
        %dma_start3A_1117 = tpu.memref_squeeze %dma_start3A_1116 : memref<1x64xi32, #tpu.memory_space<hbm>> -> memref<64xi32, #tpu.memory_space<hbm>>
        %dma_start3A_1118 = arith.constant 0 : i32
        %dma_start3A_1119 = tpu.memref_slice %arg7[%dma_start3A_1107, %dma_start3A_1118] : memref<8x64xi32, #tpu.memory_space<vmem>> -> memref<1x64xi32, #tpu.memory_space<vmem>>
        %dma_start3A_1120 = tpu.memref_squeeze %dma_start3A_1119 : memref<1x64xi32, #tpu.memory_space<vmem>> -> memref<64xi32, #tpu.memory_space<vmem>>
        %dma_start3A_1121 = arith.constant 0 : i32
        %dma_start3A_1122 = arith.constant 0 : i32
        %dma_start3A_1123 = tpu.memref_slice %arg2[%add3A, %dma_start3A_1121, %dma_start3A_1122] : memref<32x160x64xi32, #tpu.memory_space<hbm>> -> memref<1x160x64xi32, #tpu.memory_space<hbm>>
        %dma_start3A_1124 = tpu.memref_squeeze %dma_start3A_1123 : memref<1x160x64xi32, #tpu.memory_space<hbm>> -> memref<160x64xi32, #tpu.memory_space<hbm>>
        %dma_start3A_1125 = arith.constant 0 : i32
        %dma_start3A_1126 = tpu.memref_slice %dma_start3A_1124[%add3A_1106, %dma_start3A_1125] : memref<160x64xi32, #tpu.memory_space<hbm>> -> memref<1x64xi32, #tpu.memory_space<hbm>>
        %dma_start3A_1127 = tpu.memref_squeeze %dma_start3A_1126 : memref<1x64xi32, #tpu.memory_space<hbm>> -> memref<64xi32, #tpu.memory_space<hbm>>
        tpu.enqueue_dma source(%dma_start3A_1127 : memref<64xi32, #tpu.memory_space<hbm>>) target(%dma_start3A_1120 : memref<64xi32, #tpu.memory_space<vmem>>) target_semaphore(%arg16 : memref<!tpu.dma_semaphore, #tpu.memory_space<semaphore_mem>>)
        %add3A_1128 = arith.constant 8 : i32
        %add3A_1129 = arith.addi %add3A_880, %add3A_1128 : i32
        %dma_start3A_1130 = arith.constant 5 : i32
        %dma_start3A_1131 = arith.constant 0 : i32
        %dma_start3A_1132 = tpu.memref_slice %arg8[%dma_start3A_1130, %dma_start3A_1131] : memref<8x64xi32, #tpu.memory_space<vmem>> -> memref<1x64xi32, #tpu.memory_space<vmem>>
        %dma_start3A_1133 = tpu.memref_squeeze %dma_start3A_1132 : memref<1x64xi32, #tpu.memory_space<vmem>> -> memref<64xi32, #tpu.memory_space<vmem>>
        %dma_start3A_1134 = arith.constant 0 : i32
        %dma_start3A_1135 = arith.constant 0 : i32
        %dma_start3A_1136 = tpu.memref_slice %arg3[%add3A, %dma_start3A_1134, %dma_start3A_1135] : memref<32x160x64xi32, #tpu.memory_space<hbm>> -> memref<1x160x64xi32, #tpu.memory_space<hbm>>
        %dma_start3A_1137 = tpu.memref_squeeze %dma_start3A_1136 : memref<1x160x64xi32, #tpu.memory_space<hbm>> -> memref<160x64xi32, #tpu.memory_space<hbm>>
        %dma_start3A_1138 = arith.constant 0 : i32
        %dma_start3A_1139 = tpu.memref_slice %dma_start3A_1137[%add3A_1129, %dma_start3A_1138] : memref<160x64xi32, #tpu.memory_space<hbm>> -> memref<1x64xi32, #tpu.memory_space<hbm>>
        %dma_start3A_1140 = tpu.memref_squeeze %dma_start3A_1139 : memref<1x64xi32, #tpu.memory_space<hbm>> -> memref<64xi32, #tpu.memory_space<hbm>>
        %dma_start3A_1141 = arith.constant 0 : i32
        %dma_start3A_1142 = tpu.memref_slice %arg8[%dma_start3A_1130, %dma_start3A_1141] : memref<8x64xi32, #tpu.memory_space<vmem>> -> memref<1x64xi32, #tpu.memory_space<vmem>>
        %dma_start3A_1143 = tpu.memref_squeeze %dma_start3A_1142 : memref<1x64xi32, #tpu.memory_space<vmem>> -> memref<64xi32, #tpu.memory_space<vmem>>
        %dma_start3A_1144 = arith.constant 0 : i32
        %dma_start3A_1145 = arith.constant 0 : i32
        %dma_start3A_1146 = tpu.memref_slice %arg3[%add3A, %dma_start3A_1144, %dma_start3A_1145] : memref<32x160x64xi32, #tpu.memory_space<hbm>> -> memref<1x160x64xi32, #tpu.memory_space<hbm>>
        %dma_start3A_1147 = tpu.memref_squeeze %dma_start3A_1146 : memref<1x160x64xi32, #tpu.memory_space<hbm>> -> memref<160x64xi32, #tpu.memory_space<hbm>>
        %dma_start3A_1148 = arith.constant 0 : i32
        %dma_start3A_1149 = tpu.memref_slice %dma_start3A_1147[%add3A_1129, %dma_start3A_1148] : memref<160x64xi32, #tpu.memory_space<hbm>> -> memref<1x64xi32, #tpu.memory_space<hbm>>
        %dma_start3A_1150 = tpu.memref_squeeze %dma_start3A_1149 : memref<1x64xi32, #tpu.memory_space<hbm>> -> memref<64xi32, #tpu.memory_space<hbm>>
        tpu.enqueue_dma source(%dma_start3A_1150 : memref<64xi32, #tpu.memory_space<hbm>>) target(%dma_start3A_1143 : memref<64xi32, #tpu.memory_space<vmem>>) target_semaphore(%arg24 : memref<!tpu.dma_semaphore, #tpu.memory_space<semaphore_mem>>)
      } else {
      }
      %mul3A_953 = arith.constant 8 : i32
      %mul3A_954 = arith.muli %scan3A_499, %mul3A_953 : i32
      %add3A_955 = arith.constant 6 : i32
      %add3A_956 = arith.addi %mul3A_954, %add3A_955 : i32
      %dma_wait3A_957 = arith.constant 6 : i32
      %dma_wait3A_958 = arith.constant 2 : i32
      %dma_wait3A_959 = arith.constant 0 : i32
      %dma_wait3A_960 = arith.constant 0 : i32
      %dma_wait3A_961 = tpu.memref_slice %arg9[%dma_wait3A_958, %dma_wait3A_959, %dma_wait3A_960] : memref<4x64x128xf32, #tpu.memory_space<vmem>> -> memref<1x64x128xf32, #tpu.memory_space<vmem>>
      %dma_wait3A_962 = tpu.memref_squeeze %dma_wait3A_961 : memref<1x64x128xf32, #tpu.memory_space<vmem>> -> memref<64x128xf32, #tpu.memory_space<vmem>>
      %dma_wait3A_963 = arith.constant 0 : i32
      %dma_wait3A_964 = tpu.memref_slice %arg8[%dma_wait3A_957, %dma_wait3A_963] : memref<8x64xi32, #tpu.memory_space<vmem>> -> memref<1x64xi32, #tpu.memory_space<vmem>>
      %dma_wait3A_965 = tpu.memref_squeeze %dma_wait3A_964 : memref<1x64xi32, #tpu.memory_space<vmem>> -> memref<64xi32, #tpu.memory_space<vmem>>
      %dma_wait3A_966 = arith.constant 0 : i32
      %dma_wait3A_967 = arith.constant 0 : i32
      %dma_wait3A_968 = tpu.memref_slice %arg4[%dma_wait3A_966, %dma_wait3A_967] : memref<10240x128xf32, #tpu.memory_space<hbm>> -> memref<10240x128xf32, #tpu.memory_space<hbm>>
      tpu.wait_indirect_dma semaphore(%arg29 : memref<!tpu.dma_semaphore, #tpu.memory_space<semaphore_mem>>) src(%dma_wait3A_968 : memref<10240x128xf32, #tpu.memory_space<hbm>>) dst(%dma_wait3A_962 : memref<64x128xf32, #tpu.memory_space<vmem>>)
      %dma_wait3A_969 = arith.constant 6 : i32
      %dma_wait3A_970 = arith.constant 6 : i32
      %dma_wait3A_971 = arith.constant 0 : i32
      %dma_wait3A_972 = tpu.memref_slice %arg7[%dma_wait3A_970, %dma_wait3A_971] : memref<8x64xi32, #tpu.memory_space<vmem>> -> memref<1x64xi32, #tpu.memory_space<vmem>>
      %dma_wait3A_973 = tpu.memref_squeeze %dma_wait3A_972 : memref<1x64xi32, #tpu.memory_space<vmem>> -> memref<64xi32, #tpu.memory_space<vmem>>
      %dma_wait3A_974 = arith.constant 0 : i32
      %dma_wait3A_975 = arith.constant 0 : i32
      %dma_wait3A_976 = tpu.memref_slice %arg2[%add3A, %dma_wait3A_974, %dma_wait3A_975] : memref<32x160x64xi32, #tpu.memory_space<hbm>> -> memref<1x160x64xi32, #tpu.memory_space<hbm>>
      %dma_wait3A_977 = tpu.memref_squeeze %dma_wait3A_976 : memref<1x160x64xi32, #tpu.memory_space<hbm>> -> memref<160x64xi32, #tpu.memory_space<hbm>>
      %dma_wait3A_978 = arith.constant 0 : i32
      %dma_wait3A_979 = tpu.memref_slice %dma_wait3A_977[%dma_wait3A_969, %dma_wait3A_978] : memref<160x64xi32, #tpu.memory_space<hbm>> -> memref<1x64xi32, #tpu.memory_space<hbm>>
      %dma_wait3A_980 = tpu.memref_squeeze %dma_wait3A_979 : memref<1x64xi32, #tpu.memory_space<hbm>> -> memref<64xi32, #tpu.memory_space<hbm>>
      %dma_wait3A_981 = arith.constant 0 : i32
      %dma_wait3A_982 = tpu.memref_slice %arg7[%dma_wait3A_970, %dma_wait3A_981] : memref<8x64xi32, #tpu.memory_space<vmem>> -> memref<1x64xi32, #tpu.memory_space<vmem>>
      %dma_wait3A_983 = tpu.memref_squeeze %dma_wait3A_982 : memref<1x64xi32, #tpu.memory_space<vmem>> -> memref<64xi32, #tpu.memory_space<vmem>>
      %dma_wait3A_984 = arith.constant 0 : i32
      %dma_wait3A_985 = arith.constant 0 : i32
      %dma_wait3A_986 = tpu.memref_slice %arg2[%add3A, %dma_wait3A_984, %dma_wait3A_985] : memref<32x160x64xi32, #tpu.memory_space<hbm>> -> memref<1x160x64xi32, #tpu.memory_space<hbm>>
      %dma_wait3A_987 = tpu.memref_squeeze %dma_wait3A_986 : memref<1x160x64xi32, #tpu.memory_space<hbm>> -> memref<160x64xi32, #tpu.memory_space<hbm>>
      %dma_wait3A_988 = arith.constant 0 : i32
      %dma_wait3A_989 = tpu.memref_slice %dma_wait3A_987[%dma_wait3A_969, %dma_wait3A_988] : memref<160x64xi32, #tpu.memory_space<hbm>> -> memref<1x64xi32, #tpu.memory_space<hbm>>
      %dma_wait3A_990 = tpu.memref_squeeze %dma_wait3A_989 : memref<1x64xi32, #tpu.memory_space<hbm>> -> memref<64xi32, #tpu.memory_space<hbm>>
      tpu.wait_dma2 semaphore(%arg17 : memref<!tpu.dma_semaphore, #tpu.memory_space<semaphore_mem>>) src(%dma_wait3A_990 : memref<64xi32, #tpu.memory_space<hbm>>) dst(%dma_wait3A_983 : memref<64xi32, #tpu.memory_space<vmem>>)
      %dma_start3A_991 = arith.constant 2 : i32
      %dma_start3A_992 = arith.constant 6 : i32
      %dma_start3A_993 = arith.constant 0 : i32
      %dma_start3A_994 = arith.constant 0 : i32
      %dma_start3A_995 = tpu.memref_slice %arg9[%dma_start3A_991, %dma_start3A_993, %dma_start3A_994] : memref<4x64x128xf32, #tpu.memory_space<vmem>> -> memref<1x64x128xf32, #tpu.memory_space<vmem>>
      %dma_start3A_996 = tpu.memref_squeeze %dma_start3A_995 : memref<1x64x128xf32, #tpu.memory_space<vmem>> -> memref<64x128xf32, #tpu.memory_space<vmem>>
      %dma_start3A_997 = arith.constant 0 : i32
      %dma_start3A_998 = tpu.memref_slice %arg7[%dma_start3A_992, %dma_start3A_997] : memref<8x64xi32, #tpu.memory_space<vmem>> -> memref<1x64xi32, #tpu.memory_space<vmem>>
      %dma_start3A_999 = tpu.memref_squeeze %dma_start3A_998 : memref<1x64xi32, #tpu.memory_space<vmem>> -> memref<64xi32, #tpu.memory_space<vmem>>
      %dma_start3A_1000 = arith.constant 0 : i32
      %dma_start3A_1001 = arith.constant 0 : i32
      %dma_start3A_1002 = tpu.memref_slice %arg10[%dma_start3A_1000, %dma_start3A_1001] : memref<10240x128xf32, #tpu.memory_space<vmem_shared>> -> memref<10240x128xf32, #tpu.memory_space<vmem_shared>>
      tpu.enqueue_indirect_dma source(%dma_start3A_996 : memref<64x128xf32, #tpu.memory_space<vmem>>) target(%dma_start3A_1002 : memref<10240x128xf32, #tpu.memory_space<vmem_shared>>) offsets(%dma_start3A_999 : memref<64xi32, #tpu.memory_space<vmem>>) semaphore(%arg33 : memref<!tpu.dma_semaphore, #tpu.memory_space<semaphore_mem>>) {add = true}
      %dma_wait3A_1003 = arith.constant 2 : i32
      %dma_wait3A_1004 = arith.constant 6 : i32
      %dma_wait3A_1005 = arith.constant 0 : i32
      %dma_wait3A_1006 = arith.constant 0 : i32
      %dma_wait3A_1007 = tpu.memref_slice %arg9[%dma_wait3A_1003, %dma_wait3A_1005, %dma_wait3A_1006] : memref<4x64x128xf32, #tpu.memory_space<vmem>> -> memref<1x64x128xf32, #tpu.memory_space<vmem>>
      %dma_wait3A_1008 = tpu.memref_squeeze %dma_wait3A_1007 : memref<1x64x128xf32, #tpu.memory_space<vmem>> -> memref<64x128xf32, #tpu.memory_space<vmem>>
      %dma_wait3A_1009 = arith.constant 0 : i32
      %dma_wait3A_1010 = tpu.memref_slice %arg7[%dma_wait3A_1004, %dma_wait3A_1009] : memref<8x64xi32, #tpu.memory_space<vmem>> -> memref<1x64xi32, #tpu.memory_space<vmem>>
      %dma_wait3A_1011 = tpu.memref_squeeze %dma_wait3A_1010 : memref<1x64xi32, #tpu.memory_space<vmem>> -> memref<64xi32, #tpu.memory_space<vmem>>
      %dma_wait3A_1012 = arith.constant 0 : i32
      %dma_wait3A_1013 = arith.constant 0 : i32
      %dma_wait3A_1014 = tpu.memref_slice %arg10[%dma_wait3A_1012, %dma_wait3A_1013] : memref<10240x128xf32, #tpu.memory_space<vmem_shared>> -> memref<10240x128xf32, #tpu.memory_space<vmem_shared>>
      tpu.wait_indirect_dma semaphore(%arg33 : memref<!tpu.dma_semaphore, #tpu.memory_space<semaphore_mem>>) src(%dma_wait3A_1008 : memref<64x128xf32, #tpu.memory_space<vmem>>) dst(%dma_wait3A_1014 : memref<10240x128xf32, #tpu.memory_space<vmem_shared>>)
      %add3A_1015 = arith.constant 4 : i32
      %add3A_1016 = arith.addi %add3A_956, %add3A_1015 : i32
      %lt3A_1017 = arith.constant 160 : i32
      %lt3A_1018 = arith.cmpi slt, %add3A_1016, %lt3A_1017 : i32
      %convert_element_type3A_1019 = arith.extui %lt3A_1018 : i1 to i32
      %cond3A_1020 = arith.constant 0 : i32
      %cond3A_1021 = arith.cmpi ne, %convert_element_type3A_1019, %cond3A_1020 : i32
      scf.if %cond3A_1021 {
        %dma_wait3A_1105 = arith.constant 2 : i32
        %dma_wait3A_1106 = arith.constant 2 : i32
        %dma_wait3A_1107 = arith.constant 0 : i32
        %dma_wait3A_1108 = tpu.memref_slice %arg8[%dma_wait3A_1106, %dma_wait3A_1107] : memref<8x64xi32, #tpu.memory_space<vmem>> -> memref<1x64xi32, #tpu.memory_space<vmem>>
        %dma_wait3A_1109 = tpu.memref_squeeze %dma_wait3A_1108 : memref<1x64xi32, #tpu.memory_space<vmem>> -> memref<64xi32, #tpu.memory_space<vmem>>
        %dma_wait3A_1110 = arith.constant 0 : i32
        %dma_wait3A_1111 = arith.constant 0 : i32
        %dma_wait3A_1112 = tpu.memref_slice %arg3[%add3A, %dma_wait3A_1110, %dma_wait3A_1111] : memref<32x160x64xi32, #tpu.memory_space<hbm>> -> memref<1x160x64xi32, #tpu.memory_space<hbm>>
        %dma_wait3A_1113 = tpu.memref_squeeze %dma_wait3A_1112 : memref<1x160x64xi32, #tpu.memory_space<hbm>> -> memref<160x64xi32, #tpu.memory_space<hbm>>
        %dma_wait3A_1114 = arith.constant 0 : i32
        %dma_wait3A_1115 = tpu.memref_slice %dma_wait3A_1113[%dma_wait3A_1105, %dma_wait3A_1114] : memref<160x64xi32, #tpu.memory_space<hbm>> -> memref<1x64xi32, #tpu.memory_space<hbm>>
        %dma_wait3A_1116 = tpu.memref_squeeze %dma_wait3A_1115 : memref<1x64xi32, #tpu.memory_space<hbm>> -> memref<64xi32, #tpu.memory_space<hbm>>
        %dma_wait3A_1117 = arith.constant 0 : i32
        %dma_wait3A_1118 = tpu.memref_slice %arg8[%dma_wait3A_1106, %dma_wait3A_1117] : memref<8x64xi32, #tpu.memory_space<vmem>> -> memref<1x64xi32, #tpu.memory_space<vmem>>
        %dma_wait3A_1119 = tpu.memref_squeeze %dma_wait3A_1118 : memref<1x64xi32, #tpu.memory_space<vmem>> -> memref<64xi32, #tpu.memory_space<vmem>>
        %dma_wait3A_1120 = arith.constant 0 : i32
        %dma_wait3A_1121 = arith.constant 0 : i32
        %dma_wait3A_1122 = tpu.memref_slice %arg3[%add3A, %dma_wait3A_1120, %dma_wait3A_1121] : memref<32x160x64xi32, #tpu.memory_space<hbm>> -> memref<1x160x64xi32, #tpu.memory_space<hbm>>
        %dma_wait3A_1123 = tpu.memref_squeeze %dma_wait3A_1122 : memref<1x160x64xi32, #tpu.memory_space<hbm>> -> memref<160x64xi32, #tpu.memory_space<hbm>>
        %dma_wait3A_1124 = arith.constant 0 : i32
        %dma_wait3A_1125 = tpu.memref_slice %dma_wait3A_1123[%dma_wait3A_1105, %dma_wait3A_1124] : memref<160x64xi32, #tpu.memory_space<hbm>> -> memref<1x64xi32, #tpu.memory_space<hbm>>
        %dma_wait3A_1126 = tpu.memref_squeeze %dma_wait3A_1125 : memref<1x64xi32, #tpu.memory_space<hbm>> -> memref<64xi32, #tpu.memory_space<hbm>>
        tpu.wait_dma2 semaphore(%arg21 : memref<!tpu.dma_semaphore, #tpu.memory_space<semaphore_mem>>) src(%dma_wait3A_1126 : memref<64xi32, #tpu.memory_space<hbm>>) dst(%dma_wait3A_1119 : memref<64xi32, #tpu.memory_space<vmem>>)
        %dma_start3A_1127 = arith.constant 2 : i32
        %dma_start3A_1128 = arith.constant 2 : i32
        %dma_start3A_1129 = arith.constant 0 : i32
        %dma_start3A_1130 = arith.constant 0 : i32
        %dma_start3A_1131 = tpu.memref_slice %arg9[%dma_start3A_1128, %dma_start3A_1129, %dma_start3A_1130] : memref<4x64x128xf32, #tpu.memory_space<vmem>> -> memref<1x64x128xf32, #tpu.memory_space<vmem>>
        %dma_start3A_1132 = tpu.memref_squeeze %dma_start3A_1131 : memref<1x64x128xf32, #tpu.memory_space<vmem>> -> memref<64x128xf32, #tpu.memory_space<vmem>>
        %dma_start3A_1133 = arith.constant 0 : i32
        %dma_start3A_1134 = tpu.memref_slice %arg8[%dma_start3A_1127, %dma_start3A_1133] : memref<8x64xi32, #tpu.memory_space<vmem>> -> memref<1x64xi32, #tpu.memory_space<vmem>>
        %dma_start3A_1135 = tpu.memref_squeeze %dma_start3A_1134 : memref<1x64xi32, #tpu.memory_space<vmem>> -> memref<64xi32, #tpu.memory_space<vmem>>
        %dma_start3A_1136 = arith.constant 0 : i32
        %dma_start3A_1137 = arith.constant 0 : i32
        %dma_start3A_1138 = tpu.memref_slice %arg4[%dma_start3A_1136, %dma_start3A_1137] : memref<10240x128xf32, #tpu.memory_space<hbm>> -> memref<10240x128xf32, #tpu.memory_space<hbm>>
        tpu.enqueue_indirect_dma source(%dma_start3A_1138 : memref<10240x128xf32, #tpu.memory_space<hbm>>) target(%dma_start3A_1132 : memref<64x128xf32, #tpu.memory_space<vmem>>) offsets(%dma_start3A_1135 : memref<64xi32, #tpu.memory_space<vmem>>) semaphore(%arg29 : memref<!tpu.dma_semaphore, #tpu.memory_space<semaphore_mem>>)
      } else {
      }
      %add3A_1022 = arith.constant 8 : i32
      %add3A_1023 = arith.addi %add3A_956, %add3A_1022 : i32
      %lt3A_1024 = arith.constant 160 : i32
      %lt3A_1025 = arith.cmpi slt, %add3A_1023, %lt3A_1024 : i32
      %convert_element_type3A_1026 = arith.extui %lt3A_1025 : i1 to i32
      %cond3A_1027 = arith.constant 0 : i32
      %cond3A_1028 = arith.cmpi ne, %convert_element_type3A_1026, %cond3A_1027 : i32
      scf.if %cond3A_1028 {
        %add3A_1105 = arith.constant 8 : i32
        %add3A_1106 = arith.addi %add3A_956, %add3A_1105 : i32
        %dma_start3A_1107 = arith.constant 6 : i32
        %dma_start3A_1108 = arith.constant 0 : i32
        %dma_start3A_1109 = tpu.memref_slice %arg7[%dma_start3A_1107, %dma_start3A_1108] : memref<8x64xi32, #tpu.memory_space<vmem>> -> memref<1x64xi32, #tpu.memory_space<vmem>>
        %dma_start3A_1110 = tpu.memref_squeeze %dma_start3A_1109 : memref<1x64xi32, #tpu.memory_space<vmem>> -> memref<64xi32, #tpu.memory_space<vmem>>
        %dma_start3A_1111 = arith.constant 0 : i32
        %dma_start3A_1112 = arith.constant 0 : i32
        %dma_start3A_1113 = tpu.memref_slice %arg2[%add3A, %dma_start3A_1111, %dma_start3A_1112] : memref<32x160x64xi32, #tpu.memory_space<hbm>> -> memref<1x160x64xi32, #tpu.memory_space<hbm>>
        %dma_start3A_1114 = tpu.memref_squeeze %dma_start3A_1113 : memref<1x160x64xi32, #tpu.memory_space<hbm>> -> memref<160x64xi32, #tpu.memory_space<hbm>>
        %dma_start3A_1115 = arith.constant 0 : i32
        %dma_start3A_1116 = tpu.memref_slice %dma_start3A_1114[%add3A_1106, %dma_start3A_1115] : memref<160x64xi32, #tpu.memory_space<hbm>> -> memref<1x64xi32, #tpu.memory_space<hbm>>
        %dma_start3A_1117 = tpu.memref_squeeze %dma_start3A_1116 : memref<1x64xi32, #tpu.memory_space<hbm>> -> memref<64xi32, #tpu.memory_space<hbm>>
        %dma_start3A_1118 = arith.constant 0 : i32
        %dma_start3A_1119 = tpu.memref_slice %arg7[%dma_start3A_1107, %dma_start3A_1118] : memref<8x64xi32, #tpu.memory_space<vmem>> -> memref<1x64xi32, #tpu.memory_space<vmem>>
        %dma_start3A_1120 = tpu.memref_squeeze %dma_start3A_1119 : memref<1x64xi32, #tpu.memory_space<vmem>> -> memref<64xi32, #tpu.memory_space<vmem>>
        %dma_start3A_1121 = arith.constant 0 : i32
        %dma_start3A_1122 = arith.constant 0 : i32
        %dma_start3A_1123 = tpu.memref_slice %arg2[%add3A, %dma_start3A_1121, %dma_start3A_1122] : memref<32x160x64xi32, #tpu.memory_space<hbm>> -> memref<1x160x64xi32, #tpu.memory_space<hbm>>
        %dma_start3A_1124 = tpu.memref_squeeze %dma_start3A_1123 : memref<1x160x64xi32, #tpu.memory_space<hbm>> -> memref<160x64xi32, #tpu.memory_space<hbm>>
        %dma_start3A_1125 = arith.constant 0 : i32
        %dma_start3A_1126 = tpu.memref_slice %dma_start3A_1124[%add3A_1106, %dma_start3A_1125] : memref<160x64xi32, #tpu.memory_space<hbm>> -> memref<1x64xi32, #tpu.memory_space<hbm>>
        %dma_start3A_1127 = tpu.memref_squeeze %dma_start3A_1126 : memref<1x64xi32, #tpu.memory_space<hbm>> -> memref<64xi32, #tpu.memory_space<hbm>>
        tpu.enqueue_dma source(%dma_start3A_1127 : memref<64xi32, #tpu.memory_space<hbm>>) target(%dma_start3A_1120 : memref<64xi32, #tpu.memory_space<vmem>>) target_semaphore(%arg17 : memref<!tpu.dma_semaphore, #tpu.memory_space<semaphore_mem>>)
        %add3A_1128 = arith.constant 8 : i32
        %add3A_1129 = arith.addi %add3A_956, %add3A_1128 : i32
        %dma_start3A_1130 = arith.constant 6 : i32
        %dma_start3A_1131 = arith.constant 0 : i32
        %dma_start3A_1132 = tpu.memref_slice %arg8[%dma_start3A_1130, %dma_start3A_1131] : memref<8x64xi32, #tpu.memory_space<vmem>> -> memref<1x64xi32, #tpu.memory_space<vmem>>
        %dma_start3A_1133 = tpu.memref_squeeze %dma_start3A_1132 : memref<1x64xi32, #tpu.memory_space<vmem>> -> memref<64xi32, #tpu.memory_space<vmem>>
        %dma_start3A_1134 = arith.constant 0 : i32
        %dma_start3A_1135 = arith.constant 0 : i32
        %dma_start3A_1136 = tpu.memref_slice %arg3[%add3A, %dma_start3A_1134, %dma_start3A_1135] : memref<32x160x64xi32, #tpu.memory_space<hbm>> -> memref<1x160x64xi32, #tpu.memory_space<hbm>>
        %dma_start3A_1137 = tpu.memref_squeeze %dma_start3A_1136 : memref<1x160x64xi32, #tpu.memory_space<hbm>> -> memref<160x64xi32, #tpu.memory_space<hbm>>
        %dma_start3A_1138 = arith.constant 0 : i32
        %dma_start3A_1139 = tpu.memref_slice %dma_start3A_1137[%add3A_1129, %dma_start3A_1138] : memref<160x64xi32, #tpu.memory_space<hbm>> -> memref<1x64xi32, #tpu.memory_space<hbm>>
        %dma_start3A_1140 = tpu.memref_squeeze %dma_start3A_1139 : memref<1x64xi32, #tpu.memory_space<hbm>> -> memref<64xi32, #tpu.memory_space<hbm>>
        %dma_start3A_1141 = arith.constant 0 : i32
        %dma_start3A_1142 = tpu.memref_slice %arg8[%dma_start3A_1130, %dma_start3A_1141] : memref<8x64xi32, #tpu.memory_space<vmem>> -> memref<1x64xi32, #tpu.memory_space<vmem>>
        %dma_start3A_1143 = tpu.memref_squeeze %dma_start3A_1142 : memref<1x64xi32, #tpu.memory_space<vmem>> -> memref<64xi32, #tpu.memory_space<vmem>>
        %dma_start3A_1144 = arith.constant 0 : i32
        %dma_start3A_1145 = arith.constant 0 : i32
        %dma_start3A_1146 = tpu.memref_slice %arg3[%add3A, %dma_start3A_1144, %dma_start3A_1145] : memref<32x160x64xi32, #tpu.memory_space<hbm>> -> memref<1x160x64xi32, #tpu.memory_space<hbm>>
        %dma_start3A_1147 = tpu.memref_squeeze %dma_start3A_1146 : memref<1x160x64xi32, #tpu.memory_space<hbm>> -> memref<160x64xi32, #tpu.memory_space<hbm>>
        %dma_start3A_1148 = arith.constant 0 : i32
        %dma_start3A_1149 = tpu.memref_slice %dma_start3A_1147[%add3A_1129, %dma_start3A_1148] : memref<160x64xi32, #tpu.memory_space<hbm>> -> memref<1x64xi32, #tpu.memory_space<hbm>>
        %dma_start3A_1150 = tpu.memref_squeeze %dma_start3A_1149 : memref<1x64xi32, #tpu.memory_space<hbm>> -> memref<64xi32, #tpu.memory_space<hbm>>
        tpu.enqueue_dma source(%dma_start3A_1150 : memref<64xi32, #tpu.memory_space<hbm>>) target(%dma_start3A_1143 : memref<64xi32, #tpu.memory_space<vmem>>) target_semaphore(%arg25 : memref<!tpu.dma_semaphore, #tpu.memory_space<semaphore_mem>>)
      } else {
      }
      %mul3A_1029 = arith.constant 8 : i32
      %mul3A_1030 = arith.muli %scan3A_499, %mul3A_1029 : i32
      %add3A_1031 = arith.constant 7 : i32
      %add3A_1032 = arith.addi %mul3A_1030, %add3A_1031 : i32
      %dma_wait3A_1033 = arith.constant 7 : i32
      %dma_wait3A_1034 = arith.constant 3 : i32
      %dma_wait3A_1035 = arith.constant 0 : i32
      %dma_wait3A_1036 = arith.constant 0 : i32
      %dma_wait3A_1037 = tpu.memref_slice %arg9[%dma_wait3A_1034, %dma_wait3A_1035, %dma_wait3A_1036] : memref<4x64x128xf32, #tpu.memory_space<vmem>> -> memref<1x64x128xf32, #tpu.memory_space<vmem>>
      %dma_wait3A_1038 = tpu.memref_squeeze %dma_wait3A_1037 : memref<1x64x128xf32, #tpu.memory_space<vmem>> -> memref<64x128xf32, #tpu.memory_space<vmem>>
      %dma_wait3A_1039 = arith.constant 0 : i32
      %dma_wait3A_1040 = tpu.memref_slice %arg8[%dma_wait3A_1033, %dma_wait3A_1039] : memref<8x64xi32, #tpu.memory_space<vmem>> -> memref<1x64xi32, #tpu.memory_space<vmem>>
      %dma_wait3A_1041 = tpu.memref_squeeze %dma_wait3A_1040 : memref<1x64xi32, #tpu.memory_space<vmem>> -> memref<64xi32, #tpu.memory_space<vmem>>
      %dma_wait3A_1042 = arith.constant 0 : i32
      %dma_wait3A_1043 = arith.constant 0 : i32
      %dma_wait3A_1044 = tpu.memref_slice %arg4[%dma_wait3A_1042, %dma_wait3A_1043] : memref<10240x128xf32, #tpu.memory_space<hbm>> -> memref<10240x128xf32, #tpu.memory_space<hbm>>
      tpu.wait_indirect_dma semaphore(%arg30 : memref<!tpu.dma_semaphore, #tpu.memory_space<semaphore_mem>>) src(%dma_wait3A_1044 : memref<10240x128xf32, #tpu.memory_space<hbm>>) dst(%dma_wait3A_1038 : memref<64x128xf32, #tpu.memory_space<vmem>>)
      %dma_wait3A_1045 = arith.constant 7 : i32
      %dma_wait3A_1046 = arith.constant 7 : i32
      %dma_wait3A_1047 = arith.constant 0 : i32
      %dma_wait3A_1048 = tpu.memref_slice %arg7[%dma_wait3A_1046, %dma_wait3A_1047] : memref<8x64xi32, #tpu.memory_space<vmem>> -> memref<1x64xi32, #tpu.memory_space<vmem>>
      %dma_wait3A_1049 = tpu.memref_squeeze %dma_wait3A_1048 : memref<1x64xi32, #tpu.memory_space<vmem>> -> memref<64xi32, #tpu.memory_space<vmem>>
      %dma_wait3A_1050 = arith.constant 0 : i32
      %dma_wait3A_1051 = arith.constant 0 : i32
      %dma_wait3A_1052 = tpu.memref_slice %arg2[%add3A, %dma_wait3A_1050, %dma_wait3A_1051] : memref<32x160x64xi32, #tpu.memory_space<hbm>> -> memref<1x160x64xi32, #tpu.memory_space<hbm>>
      %dma_wait3A_1053 = tpu.memref_squeeze %dma_wait3A_1052 : memref<1x160x64xi32, #tpu.memory_space<hbm>> -> memref<160x64xi32, #tpu.memory_space<hbm>>
      %dma_wait3A_1054 = arith.constant 0 : i32
      %dma_wait3A_1055 = tpu.memref_slice %dma_wait3A_1053[%dma_wait3A_1045, %dma_wait3A_1054] : memref<160x64xi32, #tpu.memory_space<hbm>> -> memref<1x64xi32, #tpu.memory_space<hbm>>
      %dma_wait3A_1056 = tpu.memref_squeeze %dma_wait3A_1055 : memref<1x64xi32, #tpu.memory_space<hbm>> -> memref<64xi32, #tpu.memory_space<hbm>>
      %dma_wait3A_1057 = arith.constant 0 : i32
      %dma_wait3A_1058 = tpu.memref_slice %arg7[%dma_wait3A_1046, %dma_wait3A_1057] : memref<8x64xi32, #tpu.memory_space<vmem>> -> memref<1x64xi32, #tpu.memory_space<vmem>>
      %dma_wait3A_1059 = tpu.memref_squeeze %dma_wait3A_1058 : memref<1x64xi32, #tpu.memory_space<vmem>> -> memref<64xi32, #tpu.memory_space<vmem>>
      %dma_wait3A_1060 = arith.constant 0 : i32
      %dma_wait3A_1061 = arith.constant 0 : i32
      %dma_wait3A_1062 = tpu.memref_slice %arg2[%add3A, %dma_wait3A_1060, %dma_wait3A_1061] : memref<32x160x64xi32, #tpu.memory_space<hbm>> -> memref<1x160x64xi32, #tpu.memory_space<hbm>>
      %dma_wait3A_1063 = tpu.memref_squeeze %dma_wait3A_1062 : memref<1x160x64xi32, #tpu.memory_space<hbm>> -> memref<160x64xi32, #tpu.memory_space<hbm>>
      %dma_wait3A_1064 = arith.constant 0 : i32
      %dma_wait3A_1065 = tpu.memref_slice %dma_wait3A_1063[%dma_wait3A_1045, %dma_wait3A_1064] : memref<160x64xi32, #tpu.memory_space<hbm>> -> memref<1x64xi32, #tpu.memory_space<hbm>>
      %dma_wait3A_1066 = tpu.memref_squeeze %dma_wait3A_1065 : memref<1x64xi32, #tpu.memory_space<hbm>> -> memref<64xi32, #tpu.memory_space<hbm>>
      tpu.wait_dma2 semaphore(%arg18 : memref<!tpu.dma_semaphore, #tpu.memory_space<semaphore_mem>>) src(%dma_wait3A_1066 : memref<64xi32, #tpu.memory_space<hbm>>) dst(%dma_wait3A_1059 : memref<64xi32, #tpu.memory_space<vmem>>)
      %dma_start3A_1067 = arith.constant 3 : i32
      %dma_start3A_1068 = arith.constant 7 : i32
      %dma_start3A_1069 = arith.constant 0 : i32
      %dma_start3A_1070 = arith.constant 0 : i32
      %dma_start3A_1071 = tpu.memref_slice %arg9[%dma_start3A_1067, %dma_start3A_1069, %dma_start3A_1070] : memref<4x64x128xf32, #tpu.memory_space<vmem>> -> memref<1x64x128xf32, #tpu.memory_space<vmem>>
      %dma_start3A_1072 = tpu.memref_squeeze %dma_start3A_1071 : memref<1x64x128xf32, #tpu.memory_space<vmem>> -> memref<64x128xf32, #tpu.memory_space<vmem>>
      %dma_start3A_1073 = arith.constant 0 : i32
      %dma_start3A_1074 = tpu.memref_slice %arg7[%dma_start3A_1068, %dma_start3A_1073] : memref<8x64xi32, #tpu.memory_space<vmem>> -> memref<1x64xi32, #tpu.memory_space<vmem>>
      %dma_start3A_1075 = tpu.memref_squeeze %dma_start3A_1074 : memref<1x64xi32, #tpu.memory_space<vmem>> -> memref<64xi32, #tpu.memory_space<vmem>>
      %dma_start3A_1076 = arith.constant 0 : i32
      %dma_start3A_1077 = arith.constant 0 : i32
      %dma_start3A_1078 = tpu.memref_slice %arg10[%dma_start3A_1076, %dma_start3A_1077] : memref<10240x128xf32, #tpu.memory_space<vmem_shared>> -> memref<10240x128xf32, #tpu.memory_space<vmem_shared>>
      tpu.enqueue_indirect_dma source(%dma_start3A_1072 : memref<64x128xf32, #tpu.memory_space<vmem>>) target(%dma_start3A_1078 : memref<10240x128xf32, #tpu.memory_space<vmem_shared>>) offsets(%dma_start3A_1075 : memref<64xi32, #tpu.memory_space<vmem>>) semaphore(%arg34 : memref<!tpu.dma_semaphore, #tpu.memory_space<semaphore_mem>>) {add = true}
      %dma_wait3A_1079 = arith.constant 3 : i32
      %dma_wait3A_1080 = arith.constant 7 : i32
      %dma_wait3A_1081 = arith.constant 0 : i32
      %dma_wait3A_1082 = arith.constant 0 : i32
      %dma_wait3A_1083 = tpu.memref_slice %arg9[%dma_wait3A_1079, %dma_wait3A_1081, %dma_wait3A_1082] : memref<4x64x128xf32, #tpu.memory_space<vmem>> -> memref<1x64x128xf32, #tpu.memory_space<vmem>>
      %dma_wait3A_1084 = tpu.memref_squeeze %dma_wait3A_1083 : memref<1x64x128xf32, #tpu.memory_space<vmem>> -> memref<64x128xf32, #tpu.memory_space<vmem>>
      %dma_wait3A_1085 = arith.constant 0 : i32
      %dma_wait3A_1086 = tpu.memref_slice %arg7[%dma_wait3A_1080, %dma_wait3A_1085] : memref<8x64xi32, #tpu.memory_space<vmem>> -> memref<1x64xi32, #tpu.memory_space<vmem>>
      %dma_wait3A_1087 = tpu.memref_squeeze %dma_wait3A_1086 : memref<1x64xi32, #tpu.memory_space<vmem>> -> memref<64xi32, #tpu.memory_space<vmem>>
      %dma_wait3A_1088 = arith.constant 0 : i32
      %dma_wait3A_1089 = arith.constant 0 : i32
      %dma_wait3A_1090 = tpu.memref_slice %arg10[%dma_wait3A_1088, %dma_wait3A_1089] : memref<10240x128xf32, #tpu.memory_space<vmem_shared>> -> memref<10240x128xf32, #tpu.memory_space<vmem_shared>>
      tpu.wait_indirect_dma semaphore(%arg34 : memref<!tpu.dma_semaphore, #tpu.memory_space<semaphore_mem>>) src(%dma_wait3A_1084 : memref<64x128xf32, #tpu.memory_space<vmem>>) dst(%dma_wait3A_1090 : memref<10240x128xf32, #tpu.memory_space<vmem_shared>>)
      %add3A_1091 = arith.constant 4 : i32
      %add3A_1092 = arith.addi %add3A_1032, %add3A_1091 : i32
      %lt3A_1093 = arith.constant 160 : i32
      %lt3A_1094 = arith.cmpi slt, %add3A_1092, %lt3A_1093 : i32
      %convert_element_type3A_1095 = arith.extui %lt3A_1094 : i1 to i32
      %cond3A_1096 = arith.constant 0 : i32
      %cond3A_1097 = arith.cmpi ne, %convert_element_type3A_1095, %cond3A_1096 : i32
      scf.if %cond3A_1097 {
        %dma_wait3A_1105 = arith.constant 3 : i32
        %dma_wait3A_1106 = arith.constant 3 : i32
        %dma_wait3A_1107 = arith.constant 0 : i32
        %dma_wait3A_1108 = tpu.memref_slice %arg8[%dma_wait3A_1106, %dma_wait3A_1107] : memref<8x64xi32, #tpu.memory_space<vmem>> -> memref<1x64xi32, #tpu.memory_space<vmem>>
        %dma_wait3A_1109 = tpu.memref_squeeze %dma_wait3A_1108 : memref<1x64xi32, #tpu.memory_space<vmem>> -> memref<64xi32, #tpu.memory_space<vmem>>
        %dma_wait3A_1110 = arith.constant 0 : i32
        %dma_wait3A_1111 = arith.constant 0 : i32
        %dma_wait3A_1112 = tpu.memref_slice %arg3[%add3A, %dma_wait3A_1110, %dma_wait3A_1111] : memref<32x160x64xi32, #tpu.memory_space<hbm>> -> memref<1x160x64xi32, #tpu.memory_space<hbm>>
        %dma_wait3A_1113 = tpu.memref_squeeze %dma_wait3A_1112 : memref<1x160x64xi32, #tpu.memory_space<hbm>> -> memref<160x64xi32, #tpu.memory_space<hbm>>
        %dma_wait3A_1114 = arith.constant 0 : i32
        %dma_wait3A_1115 = tpu.memref_slice %dma_wait3A_1113[%dma_wait3A_1105, %dma_wait3A_1114] : memref<160x64xi32, #tpu.memory_space<hbm>> -> memref<1x64xi32, #tpu.memory_space<hbm>>
        %dma_wait3A_1116 = tpu.memref_squeeze %dma_wait3A_1115 : memref<1x64xi32, #tpu.memory_space<hbm>> -> memref<64xi32, #tpu.memory_space<hbm>>
        %dma_wait3A_1117 = arith.constant 0 : i32
        %dma_wait3A_1118 = tpu.memref_slice %arg8[%dma_wait3A_1106, %dma_wait3A_1117] : memref<8x64xi32, #tpu.memory_space<vmem>> -> memref<1x64xi32, #tpu.memory_space<vmem>>
        %dma_wait3A_1119 = tpu.memref_squeeze %dma_wait3A_1118 : memref<1x64xi32, #tpu.memory_space<vmem>> -> memref<64xi32, #tpu.memory_space<vmem>>
        %dma_wait3A_1120 = arith.constant 0 : i32
        %dma_wait3A_1121 = arith.constant 0 : i32
        %dma_wait3A_1122 = tpu.memref_slice %arg3[%add3A, %dma_wait3A_1120, %dma_wait3A_1121] : memref<32x160x64xi32, #tpu.memory_space<hbm>> -> memref<1x160x64xi32, #tpu.memory_space<hbm>>
        %dma_wait3A_1123 = tpu.memref_squeeze %dma_wait3A_1122 : memref<1x160x64xi32, #tpu.memory_space<hbm>> -> memref<160x64xi32, #tpu.memory_space<hbm>>
        %dma_wait3A_1124 = arith.constant 0 : i32
        %dma_wait3A_1125 = tpu.memref_slice %dma_wait3A_1123[%dma_wait3A_1105, %dma_wait3A_1124] : memref<160x64xi32, #tpu.memory_space<hbm>> -> memref<1x64xi32, #tpu.memory_space<hbm>>
        %dma_wait3A_1126 = tpu.memref_squeeze %dma_wait3A_1125 : memref<1x64xi32, #tpu.memory_space<hbm>> -> memref<64xi32, #tpu.memory_space<hbm>>
        tpu.wait_dma2 semaphore(%arg22 : memref<!tpu.dma_semaphore, #tpu.memory_space<semaphore_mem>>) src(%dma_wait3A_1126 : memref<64xi32, #tpu.memory_space<hbm>>) dst(%dma_wait3A_1119 : memref<64xi32, #tpu.memory_space<vmem>>)
        %dma_start3A_1127 = arith.constant 3 : i32
        %dma_start3A_1128 = arith.constant 3 : i32
        %dma_start3A_1129 = arith.constant 0 : i32
        %dma_start3A_1130 = arith.constant 0 : i32
        %dma_start3A_1131 = tpu.memref_slice %arg9[%dma_start3A_1128, %dma_start3A_1129, %dma_start3A_1130] : memref<4x64x128xf32, #tpu.memory_space<vmem>> -> memref<1x64x128xf32, #tpu.memory_space<vmem>>
        %dma_start3A_1132 = tpu.memref_squeeze %dma_start3A_1131 : memref<1x64x128xf32, #tpu.memory_space<vmem>> -> memref<64x128xf32, #tpu.memory_space<vmem>>
        %dma_start3A_1133 = arith.constant 0 : i32
        %dma_start3A_1134 = tpu.memref_slice %arg8[%dma_start3A_1127, %dma_start3A_1133] : memref<8x64xi32, #tpu.memory_space<vmem>> -> memref<1x64xi32, #tpu.memory_space<vmem>>
        %dma_start3A_1135 = tpu.memref_squeeze %dma_start3A_1134 : memref<1x64xi32, #tpu.memory_space<vmem>> -> memref<64xi32, #tpu.memory_space<vmem>>
        %dma_start3A_1136 = arith.constant 0 : i32
        %dma_start3A_1137 = arith.constant 0 : i32
        %dma_start3A_1138 = tpu.memref_slice %arg4[%dma_start3A_1136, %dma_start3A_1137] : memref<10240x128xf32, #tpu.memory_space<hbm>> -> memref<10240x128xf32, #tpu.memory_space<hbm>>
        tpu.enqueue_indirect_dma source(%dma_start3A_1138 : memref<10240x128xf32, #tpu.memory_space<hbm>>) target(%dma_start3A_1132 : memref<64x128xf32, #tpu.memory_space<vmem>>) offsets(%dma_start3A_1135 : memref<64xi32, #tpu.memory_space<vmem>>) semaphore(%arg30 : memref<!tpu.dma_semaphore, #tpu.memory_space<semaphore_mem>>)
      } else {
      }
      %add3A_1098 = arith.constant 8 : i32
      %add3A_1099 = arith.addi %add3A_1032, %add3A_1098 : i32
      %lt3A_1100 = arith.constant 160 : i32
      %lt3A_1101 = arith.cmpi slt, %add3A_1099, %lt3A_1100 : i32
      %convert_element_type3A_1102 = arith.extui %lt3A_1101 : i1 to i32
      %cond3A_1103 = arith.constant 0 : i32
      %cond3A_1104 = arith.cmpi ne, %convert_element_type3A_1102, %cond3A_1103 : i32
      scf.if %cond3A_1104 {
        %add3A_1105 = arith.constant 8 : i32
        %add3A_1106 = arith.addi %add3A_1032, %add3A_1105 : i32
        %dma_start3A_1107 = arith.constant 7 : i32
        %dma_start3A_1108 = arith.constant 0 : i32
        %dma_start3A_1109 = tpu.memref_slice %arg7[%dma_start3A_1107, %dma_start3A_1108] : memref<8x64xi32, #tpu.memory_space<vmem>> -> memref<1x64xi32, #tpu.memory_space<vmem>>
        %dma_start3A_1110 = tpu.memref_squeeze %dma_start3A_1109 : memref<1x64xi32, #tpu.memory_space<vmem>> -> memref<64xi32, #tpu.memory_space<vmem>>
        %dma_start3A_1111 = arith.constant 0 : i32
        %dma_start3A_1112 = arith.constant 0 : i32
        %dma_start3A_1113 = tpu.memref_slice %arg2[%add3A, %dma_start3A_1111, %dma_start3A_1112] : memref<32x160x64xi32, #tpu.memory_space<hbm>> -> memref<1x160x64xi32, #tpu.memory_space<hbm>>
        %dma_start3A_1114 = tpu.memref_squeeze %dma_start3A_1113 : memref<1x160x64xi32, #tpu.memory_space<hbm>> -> memref<160x64xi32, #tpu.memory_space<hbm>>
        %dma_start3A_1115 = arith.constant 0 : i32
        %dma_start3A_1116 = tpu.memref_slice %dma_start3A_1114[%add3A_1106, %dma_start3A_1115] : memref<160x64xi32, #tpu.memory_space<hbm>> -> memref<1x64xi32, #tpu.memory_space<hbm>>
        %dma_start3A_1117 = tpu.memref_squeeze %dma_start3A_1116 : memref<1x64xi32, #tpu.memory_space<hbm>> -> memref<64xi32, #tpu.memory_space<hbm>>
        %dma_start3A_1118 = arith.constant 0 : i32
        %dma_start3A_1119 = tpu.memref_slice %arg7[%dma_start3A_1107, %dma_start3A_1118] : memref<8x64xi32, #tpu.memory_space<vmem>> -> memref<1x64xi32, #tpu.memory_space<vmem>>
        %dma_start3A_1120 = tpu.memref_squeeze %dma_start3A_1119 : memref<1x64xi32, #tpu.memory_space<vmem>> -> memref<64xi32, #tpu.memory_space<vmem>>
        %dma_start3A_1121 = arith.constant 0 : i32
        %dma_start3A_1122 = arith.constant 0 : i32
        %dma_start3A_1123 = tpu.memref_slice %arg2[%add3A, %dma_start3A_1121, %dma_start3A_1122] : memref<32x160x64xi32, #tpu.memory_space<hbm>> -> memref<1x160x64xi32, #tpu.memory_space<hbm>>
        %dma_start3A_1124 = tpu.memref_squeeze %dma_start3A_1123 : memref<1x160x64xi32, #tpu.memory_space<hbm>> -> memref<160x64xi32, #tpu.memory_space<hbm>>
        %dma_start3A_1125 = arith.constant 0 : i32
        %dma_start3A_1126 = tpu.memref_slice %dma_start3A_1124[%add3A_1106, %dma_start3A_1125] : memref<160x64xi32, #tpu.memory_space<hbm>> -> memref<1x64xi32, #tpu.memory_space<hbm>>
        %dma_start3A_1127 = tpu.memref_squeeze %dma_start3A_1126 : memref<1x64xi32, #tpu.memory_space<hbm>> -> memref<64xi32, #tpu.memory_space<hbm>>
        tpu.enqueue_dma source(%dma_start3A_1127 : memref<64xi32, #tpu.memory_space<hbm>>) target(%dma_start3A_1120 : memref<64xi32, #tpu.memory_space<vmem>>) target_semaphore(%arg18 : memref<!tpu.dma_semaphore, #tpu.memory_space<semaphore_mem>>)
        %add3A_1128 = arith.constant 8 : i32
        %add3A_1129 = arith.addi %add3A_1032, %add3A_1128 : i32
        %dma_start3A_1130 = arith.constant 7 : i32
        %dma_start3A_1131 = arith.constant 0 : i32
        %dma_start3A_1132 = tpu.memref_slice %arg8[%dma_start3A_1130, %dma_start3A_1131] : memref<8x64xi32, #tpu.memory_space<vmem>> -> memref<1x64xi32, #tpu.memory_space<vmem>>
        %dma_start3A_1133 = tpu.memref_squeeze %dma_start3A_1132 : memref<1x64xi32, #tpu.memory_space<vmem>> -> memref<64xi32, #tpu.memory_space<vmem>>
        %dma_start3A_1134 = arith.constant 0 : i32
        %dma_start3A_1135 = arith.constant 0 : i32
        %dma_start3A_1136 = tpu.memref_slice %arg3[%add3A, %dma_start3A_1134, %dma_start3A_1135] : memref<32x160x64xi32, #tpu.memory_space<hbm>> -> memref<1x160x64xi32, #tpu.memory_space<hbm>>
        %dma_start3A_1137 = tpu.memref_squeeze %dma_start3A_1136 : memref<1x160x64xi32, #tpu.memory_space<hbm>> -> memref<160x64xi32, #tpu.memory_space<hbm>>
        %dma_start3A_1138 = arith.constant 0 : i32
        %dma_start3A_1139 = tpu.memref_slice %dma_start3A_1137[%add3A_1129, %dma_start3A_1138] : memref<160x64xi32, #tpu.memory_space<hbm>> -> memref<1x64xi32, #tpu.memory_space<hbm>>
        %dma_start3A_1140 = tpu.memref_squeeze %dma_start3A_1139 : memref<1x64xi32, #tpu.memory_space<hbm>> -> memref<64xi32, #tpu.memory_space<hbm>>
        %dma_start3A_1141 = arith.constant 0 : i32
        %dma_start3A_1142 = tpu.memref_slice %arg8[%dma_start3A_1130, %dma_start3A_1141] : memref<8x64xi32, #tpu.memory_space<vmem>> -> memref<1x64xi32, #tpu.memory_space<vmem>>
        %dma_start3A_1143 = tpu.memref_squeeze %dma_start3A_1142 : memref<1x64xi32, #tpu.memory_space<vmem>> -> memref<64xi32, #tpu.memory_space<vmem>>
        %dma_start3A_1144 = arith.constant 0 : i32
        %dma_start3A_1145 = arith.constant 0 : i32
        %dma_start3A_1146 = tpu.memref_slice %arg3[%add3A, %dma_start3A_1144, %dma_start3A_1145] : memref<32x160x64xi32, #tpu.memory_space<hbm>> -> memref<1x160x64xi32, #tpu.memory_space<hbm>>
        %dma_start3A_1147 = tpu.memref_squeeze %dma_start3A_1146 : memref<1x160x64xi32, #tpu.memory_space<hbm>> -> memref<160x64xi32, #tpu.memory_space<hbm>>
        %dma_start3A_1148 = arith.constant 0 : i32
        %dma_start3A_1149 = tpu.memref_slice %dma_start3A_1147[%add3A_1129, %dma_start3A_1148] : memref<160x64xi32, #tpu.memory_space<hbm>> -> memref<1x64xi32, #tpu.memory_space<hbm>>
        %dma_start3A_1150 = tpu.memref_squeeze %dma_start3A_1149 : memref<1x64xi32, #tpu.memory_space<hbm>> -> memref<64xi32, #tpu.memory_space<hbm>>
        tpu.enqueue_dma source(%dma_start3A_1150 : memref<64xi32, #tpu.memory_space<hbm>>) target(%dma_start3A_1143 : memref<64xi32, #tpu.memory_space<vmem>>) target_semaphore(%arg26 : memref<!tpu.dma_semaphore, #tpu.memory_space<semaphore_mem>>)
      } else {
      }
    }
    %scan3A_493 = arith.constant 20 : i32
    %barrier3A_494 = arith.constant 0 : index
    tpu.barrier barrier_id(%barrier3A_494)
    %mul3A_495 = arith.constant 640 : i32
    %mul3A_496 = arith.muli %arg1, %mul3A_495 : i32
    %mul3A_497 = arith.constant 640 : i32
    %mul3A_498 = arith.muli %arg1, %mul3A_497 : i32
    "tpu.region"() ({
      %run_scoped3A = tpu.sem_alloc : memref<!tpu.dma_semaphore, #tpu.memory_space<semaphore_mem>>
      %dma_start3A_499 = arith.constant 0 : i32
      %dma_start3A_500 = tpu.memref_slice %arg6[%arg0, %mul3A_498, %dma_start3A_499] : memref<2x10240x128xf32, #tpu.memory_space<hbm>> -> memref<1x640x128xf32, #tpu.memory_space<hbm>>
      %dma_start3A_501 = tpu.memref_squeeze %dma_start3A_500 : memref<1x640x128xf32, #tpu.memory_space<hbm>> -> memref<640x128xf32, #tpu.memory_space<hbm>>
      %dma_start3A_502 = arith.constant 0 : i32
      %dma_start3A_503 = tpu.memref_slice %arg10[%mul3A_496, %dma_start3A_502] : memref<10240x128xf32, #tpu.memory_space<vmem_shared>> -> memref<640x128xf32, #tpu.memory_space<vmem_shared>>
      tpu.enqueue_dma source(%dma_start3A_503 : memref<640x128xf32, #tpu.memory_space<vmem_shared>>) target(%dma_start3A_501 : memref<640x128xf32, #tpu.memory_space<hbm>>) target_semaphore(%run_scoped3A : memref<!tpu.dma_semaphore, #tpu.memory_space<semaphore_mem>>)
      %dma_wait3A_504 = arith.constant 0 : i32
      %dma_wait3A_505 = tpu.memref_slice %arg6[%arg0, %mul3A_498, %dma_wait3A_504] : memref<2x10240x128xf32, #tpu.memory_space<hbm>> -> memref<1x640x128xf32, #tpu.memory_space<hbm>>
      %dma_wait3A_506 = tpu.memref_squeeze %dma_wait3A_505 : memref<1x640x128xf32, #tpu.memory_space<hbm>> -> memref<640x128xf32, #tpu.memory_space<hbm>>
      %dma_wait3A_507 = arith.constant 0 : i32
      %dma_wait3A_508 = tpu.memref_slice %arg10[%mul3A_496, %dma_wait3A_507] : memref<10240x128xf32, #tpu.memory_space<vmem_shared>> -> memref<640x128xf32, #tpu.memory_space<vmem_shared>>
      tpu.wait_dma2 semaphore(%run_scoped3A : memref<!tpu.dma_semaphore, #tpu.memory_space<semaphore_mem>>) src(%dma_wait3A_508 : memref<640x128xf32, #tpu.memory_space<vmem_shared>>) dst(%dma_wait3A_506 : memref<640x128xf32, #tpu.memory_space<hbm>>)
      tpu.yield
    }) : () -> ()
    return
  }
}

module attributes {stable_mosaic.version = 14 : i64} {
  func.func @_matmul_body(%arg0: i32, %arg1: memref<2048x128xf32, #tpu.memory_space<vmem>>, %arg2: memref<128x128xf32, #tpu.memory_space<vmem>>, %arg3: memref<1x128xf32, #tpu.memory_space<vmem>>, %arg4: memref<2048x128xf32, #tpu.memory_space<vmem>>) attributes {dimension_semantics = [#tpu.dimension_semantics<arbitrary>], iteration_bounds = array<i64: 5>, scalar_prefetch = 0 : i64, scratch_operands = 0 : i64, tpu.core_type = #tpu.core_type<tc>, window_params = [{transform_indices = @transform_0, window_bounds = array<i64: 2048, 128>}, {pipeline_mode = #tpu.pipeline_mode<synchronous>, transform_indices = @transform_1, window_bounds = array<i64: 128, 128>}, {pipeline_mode = #tpu.pipeline_mode<synchronous>, transform_indices = @transform_2, window_bounds = array<i64: 1, 128>}, {transform_indices = @transform_3, window_bounds = array<i64: 2048, 128>}]} {
    %get3A = arith.constant 0 : index
    %get3A_0 = arith.constant 0 : index
    %get3A_1 = vector.load %arg1[%get3A, %get3A_0] : memref<2048x128xf32, #tpu.memory_space<vmem>>, vector<2048x128xf32>
    %get3A_2 = arith.constant 0 : index
    %get3A_3 = arith.constant 0 : index
    %get3A_4 = vector.load %arg2[%get3A_2, %get3A_3] : memref<128x128xf32, #tpu.memory_space<vmem>>, vector<128x128xf32>
    %dot_general3A = arith.constant dense<0.000000e+00> : vector<2048x128xf32>
    %dot_general3A_5 = tpu.matmul %get3A_1, %get3A_4, %dot_general3A {dimension_numbers = #tpu.dot_dimension_numbers<[1], [0], [0], [1], [0, 0, 1, 1], [], []>, transpose_lhs_hint = false} : vector<2048x128xf32>, vector<128x128xf32>, vector<2048x128xf32> -> vector<2048x128xf32>
    %get3A_6 = arith.constant 0 : index
    %get3A_7 = arith.constant 0 : index
    %get3A_8 = vector.load %arg3[%get3A_6, %get3A_7] : memref<1x128xf32, #tpu.memory_space<vmem>>, vector<1x128xf32>
    %add3A = vector.broadcast %get3A_8 : vector<1x128xf32> to vector<2048x128xf32>
    %add3A_9 = arith.addf %dot_general3A_5, %add3A : vector<2048x128xf32>
    %swap3A = arith.constant 0 : index
    %swap3A_10 = arith.constant 0 : index
    %swap3A_11 = vector.load %arg4[%swap3A, %swap3A_10] : memref<2048x128xf32, #tpu.memory_space<vmem>>, vector<2048x128xf32>
    tpu.vector_store %arg4[%swap3A, %swap3A_10], %add3A_9 {strides = array<i32>} : memref<2048x128xf32, #tpu.memory_space<vmem>>, vector<2048x128xf32>,
    return
  }
  func.func @transform_0(%arg0: i32) -> (i32, i32) {
    %c0_i32 = arith.constant 0 : i32
    %c0_i32_0 = arith.constant 0 : i32
    return %arg0, %c0_i32 : i32, i32
  }
  func.func @transform_1(%arg0: i32) -> (i32, i32) {
    %c0_i32 = arith.constant 0 : i32
    %c0_i32_0 = arith.constant 0 : i32
    %c0_i32_1 = arith.constant 0 : i32
    return %c0_i32, %c0_i32_0 : i32, i32
  }
  func.func @transform_2(%arg0: i32) -> (i32, i32) {
    %c0_i32 = arith.constant 0 : i32
    %c0_i32_0 = arith.constant 0 : i32
    %c0_i32_1 = arith.constant 0 : i32
    return %c0_i32, %c0_i32_0 : i32, i32
  }
  func.func @transform_3(%arg0: i32) -> (i32, i32) {
    %c0_i32 = arith.constant 0 : i32
    %c0_i32_0 = arith.constant 0 : i32
    return %arg0, %c0_i32 : i32, i32
  }
}

module attributes {stable_mosaic.version = 14 : i64} {
  func.func @_scale_body(%arg0: i32, %arg1: memref<2048x128xf32, #tpu.memory_space<vmem>>, %arg2: memref<2048x1xf32, #tpu.memory_space<vmem>>, %arg3: memref<2048x1xf32, #tpu.memory_space<vmem>>, %arg4: memref<2048x128xf32, #tpu.memory_space<vmem>>, %arg5: memref<2048x128xf32, #tpu.memory_space<vmem>>, %arg6: memref<2048x1xf32, #tpu.memory_space<vmem>>) attributes {dimension_semantics = [#tpu.dimension_semantics<arbitrary>], iteration_bounds = array<i64: 5>, scalar_prefetch = 0 : i64, scratch_operands = 0 : i64, tpu.core_type = #tpu.core_type<tc>, window_params = [{transform_indices = @transform_0, window_bounds = array<i64: 2048, 128>}, {transform_indices = @transform_1, window_bounds = array<i64: 2048, 1>}, {transform_indices = @transform_2, window_bounds = array<i64: 2048, 1>}, {transform_indices = @transform_3, window_bounds = array<i64: 2048, 128>}, {transform_indices = @transform_4, window_bounds = array<i64: 2048, 128>}, {transform_indices = @transform_5, window_bounds = array<i64: 2048, 1>}]} {
    %get3A = arith.constant 0 : index
    %get3A_0 = arith.constant 0 : index
    %get3A_1 = vector.load %arg1[%get3A, %get3A_0] : memref<2048x128xf32, #tpu.memory_space<vmem>>, vector<2048x128xf32>
    %get3A_2 = arith.constant 0 : index
    %get3A_3 = arith.constant 0 : index
    %get3A_4 = vector.load %arg2[%get3A_2, %get3A_3] : memref<2048x1xf32, #tpu.memory_space<vmem>>, vector<2048x1xf32>
    %get3A_5 = arith.constant 0 : index
    %get3A_6 = arith.constant 0 : index
    %get3A_7 = vector.load %arg3[%get3A_5, %get3A_6] : memref<2048x1xf32, #tpu.memory_space<vmem>>, vector<2048x1xf32>
    %add3A = arith.addf %get3A_4, %get3A_7 : vector<2048x1xf32>
    %add3A_8 = arith.constant 1.000000e+00 : f32
    %add3A_9 = vector.broadcast %add3A_8 : f32 to vector<2048x1xf32>
    %add3A_10 = arith.addf %add3A, %add3A_9 : vector<2048x1xf32>
    %rsqrt3A = math.rsqrt %add3A_10 : vector<2048x1xf32>
    %mul3A = vector.broadcast %rsqrt3A : vector<2048x1xf32> to vector<2048x128xf32>
    %mul3A_11 = arith.mulf %get3A_1, %mul3A : vector<2048x128xf32>
    %swap3A = arith.constant 0 : index
    %swap3A_12 = arith.constant 0 : index
    %swap3A_13 = vector.load %arg4[%swap3A, %swap3A_12] : memref<2048x128xf32, #tpu.memory_space<vmem>>, vector<2048x128xf32>
    tpu.vector_store %arg4[%swap3A, %swap3A_12], %mul3A_11 {strides = array<i32>} : memref<2048x128xf32, #tpu.memory_space<vmem>>, vector<2048x128xf32>,
    %div3A = vector.broadcast %add3A_10 : vector<2048x1xf32> to vector<2048x128xf32>
    %div3A_14 = arith.divf %get3A_1, %div3A : vector<2048x128xf32>
    %swap3A_15 = arith.constant 0 : index
    %swap3A_16 = arith.constant 0 : index
    %swap3A_17 = vector.load %arg5[%swap3A_15, %swap3A_16] : memref<2048x128xf32, #tpu.memory_space<vmem>>, vector<2048x128xf32>
    tpu.vector_store %arg5[%swap3A_15, %swap3A_16], %div3A_14 {strides = array<i32>} : memref<2048x128xf32, #tpu.memory_space<vmem>>, vector<2048x128xf32>,
    %swap3A_18 = arith.constant 0 : index
    %swap3A_19 = arith.constant 0 : index
    %swap3A_20 = vector.load %arg6[%swap3A_18, %swap3A_19] : memref<2048x1xf32, #tpu.memory_space<vmem>>, vector<2048x1xf32>
    tpu.vector_store %arg6[%swap3A_18, %swap3A_19], %rsqrt3A {strides = array<i32>} : memref<2048x1xf32, #tpu.memory_space<vmem>>, vector<2048x1xf32>,
    return
  }
  func.func @transform_0(%arg0: i32) -> (i32, i32) {
    %c0_i32 = arith.constant 0 : i32
    %c0_i32_0 = arith.constant 0 : i32
    return %arg0, %c0_i32 : i32, i32
  }
  func.func @transform_1(%arg0: i32) -> (i32, i32) {
    %c0_i32 = arith.constant 0 : i32
    %c0_i32_0 = arith.constant 0 : i32
    return %arg0, %c0_i32 : i32, i32
  }
  func.func @transform_2(%arg0: i32) -> (i32, i32) {
    %c0_i32 = arith.constant 0 : i32
    %c0_i32_0 = arith.constant 0 : i32
    return %arg0, %c0_i32 : i32, i32
  }
  func.func @transform_3(%arg0: i32) -> (i32, i32) {
    %c0_i32 = arith.constant 0 : i32
    %c0_i32_0 = arith.constant 0 : i32
    return %arg0, %c0_i32 : i32, i32
  }
  func.func @transform_4(%arg0: i32) -> (i32, i32) {
    %c0_i32 = arith.constant 0 : i32
    %c0_i32_0 = arith.constant 0 : i32
    return %arg0, %c0_i32 : i32, i32
  }
  func.func @transform_5(%arg0: i32) -> (i32, i32) {
    %c0_i32 = arith.constant 0 : i32
    %c0_i32_0 = arith.constant 0 : i32
    return %arg0, %c0_i32 : i32, i32
  }
}

module attributes {stable_mosaic.version = 14 : i64} {
  func.func @_combine_body(%arg0: i32, %arg1: memref<2048x128xf32, #tpu.memory_space<vmem>>, %arg2: memref<2048x128xf32, #tpu.memory_space<vmem>>, %arg3: memref<2048x1xf32, #tpu.memory_space<vmem>>, %arg4: memref<2048x128xf32, #tpu.memory_space<vmem>>, %arg5: memref<2048x128xf32, #tpu.memory_space<vmem>>) attributes {dimension_semantics = [#tpu.dimension_semantics<arbitrary>], iteration_bounds = array<i64: 5>, scalar_prefetch = 0 : i64, scratch_operands = 0 : i64, tpu.core_type = #tpu.core_type<tc>, window_params = [{transform_indices = @transform_0, window_bounds = array<i64: 2048, 128>}, {transform_indices = @transform_1, window_bounds = array<i64: 2048, 128>}, {transform_indices = @transform_2, window_bounds = array<i64: 2048, 1>}, {transform_indices = @transform_3, window_bounds = array<i64: 2048, 128>}, {transform_indices = @transform_4, window_bounds = array<i64: 2048, 128>}]} {
    %get3A = arith.constant 0 : index
    %get3A_0 = arith.constant 0 : index
    %get3A_1 = vector.load %arg3[%get3A, %get3A_0] : memref<2048x1xf32, #tpu.memory_space<vmem>>, vector<2048x1xf32>
    %get3A_2 = arith.constant 0 : index
    %get3A_3 = arith.constant 0 : index
    %get3A_4 = vector.load %arg1[%get3A_2, %get3A_3] : memref<2048x128xf32, #tpu.memory_space<vmem>>, vector<2048x128xf32>
    %get3A_5 = arith.constant 0 : index
    %get3A_6 = arith.constant 0 : index
    %get3A_7 = vector.load %arg2[%get3A_5, %get3A_6] : memref<2048x128xf32, #tpu.memory_space<vmem>>, vector<2048x128xf32>
    %add3A = arith.addf %get3A_4, %get3A_7 : vector<2048x128xf32>
    %mul3A = vector.broadcast %get3A_1 : vector<2048x1xf32> to vector<2048x128xf32>
    %mul3A_8 = arith.mulf %mul3A, %add3A : vector<2048x128xf32>
    %get3A_9 = arith.constant 0 : index
    %get3A_10 = arith.constant 0 : index
    %get3A_11 = vector.load %arg4[%get3A_9, %get3A_10] : memref<2048x128xf32, #tpu.memory_space<vmem>>, vector<2048x128xf32>
    %add3A_12 = arith.addf %mul3A_8, %get3A_11 : vector<2048x128xf32>
    %swap3A = arith.constant 0 : index
    %swap3A_13 = arith.constant 0 : index
    %swap3A_14 = vector.load %arg5[%swap3A, %swap3A_13] : memref<2048x128xf32, #tpu.memory_space<vmem>>, vector<2048x128xf32>
    tpu.vector_store %arg5[%swap3A, %swap3A_13], %add3A_12 {strides = array<i32>} : memref<2048x128xf32, #tpu.memory_space<vmem>>, vector<2048x128xf32>,
    return
  }
  func.func @transform_0(%arg0: i32) -> (i32, i32) {
    %c0_i32 = arith.constant 0 : i32
    %c0_i32_0 = arith.constant 0 : i32
    return %arg0, %c0_i32 : i32, i32
  }
  func.func @transform_1(%arg0: i32) -> (i32, i32) {
    %c0_i32 = arith.constant 0 : i32
    %c0_i32_0 = arith.constant 0 : i32
    return %arg0, %c0_i32 : i32, i32
  }
  func.func @transform_2(%arg0: i32) -> (i32, i32) {
    %c0_i32 = arith.constant 0 : i32
    %c0_i32_0 = arith.constant 0 : i32
    return %arg0, %c0_i32 : i32, i32
  }
  func.func @transform_3(%arg0: i32) -> (i32, i32) {
    %c0_i32 = arith.constant 0 : i32
    %c0_i32_0 = arith.constant 0 : i32
    return %arg0, %c0_i32 : i32, i32
  }
  func.func @transform_4(%arg0: i32) -> (i32, i32) {
    %c0_i32 = arith.constant 0 : i32
    %c0_i32_0 = arith.constant 0 : i32
    return %arg0, %c0_i32 : i32, i32
  }
}

</mosaic_0001>

<sc_bundles>
// kernel: kernel.10.cloned.1.call-start
scs
__scs_entry_jumppad:
0x0: {  	(pc) =	sbr.rel $0x88, $3  }
0x1: {  	(tag) =	ssettag $0x0;
	lr =	simm.s32 $0x1  }
0x2: {  	[smem:$0x3F9D] =	sst lr;
	_ =	strace $0xD0000000  }
0x3: {  	_ = 	snop  }
0x4: {  	_ = 	snop  }
0x5: {  	_ = 	snop  }
0x6: {  	_ = 	snop  }
0x7: {  	_ = 	snop  }
__scs_overlays_trampoline_lowered:
0x8: {  	[smem:$0x3FAC] =	sst s0  }
0x9: {  	[smem:$0x3FAD] =	sst s1  }
0xa: {  	[smem:$0x3FAE] =	sst s2  }
0xb: {  	[smem:$0x3FAF] =	sst s3  }
0xc: {  	[smem:$0x3FB0] =	sst s4  }
0xd: {  	[smem:$0x3FB1] =	sst s5  }
0xe: {  	[smem:$0x3FB2] =	sst s6  }
0xf: {  	[smem:$0x3FB3] =	sst s7  }
0x10: {  	[smem:$0x3FB4] =	sst s8  }
0x11: {  	[smem:$0x3FB5] =	sst s9;
	s0 =	simm.s32 @!p0 $0x0  }
0x12: {  	s1 =	sld [smem:$0x3F9B];
	s0 =	simm.s32 @p0 $0x1  }
0x13: {  	[smem:$0x3FB6] =	sst s0;
	s0 =	simm.s32 @!p1 $0x0  }
0x14: {  	s2 =	sld [smem:$0x3F9A];
	s0 =	simm.s32 @p1 $0x1  }
0x15: {  	[smem:$0x3FB7] =	sst s0;
	s0 =	simm.s32 @!p2 $0x0  }
0x16: {  	s3 =	sld [smem:$0x3FDB];
	s0 =	simm.s32 @p2 $0x1  }
0x17: {  	s4 =	simm.s32 $0x1BF5;
	[smem:$0x3FB9] =	sst s0  }
0x18: {  	s0 =	sld [smem:$0x3F9C];
	_ =	swait.ge [sflag:s4], $0x0  }
0x19: {  	s7 =	sld [smem:$0x3F9D]  }
0x1a: {  	s8 =	sadd.s32 $0xFFFFE003, lr  }
0x1b: {  	s9 =	sadd.s32 $0xFFFFFEF7, lr;
	s5 =	simm.s32 $0xFFFFFFFF;
	p2 =	slt.u32 s8, $0xFFFFF086  }
0x1c: {  	p1 =	slt.u32 s9, $0xF7A;
	s5 =	simm.s32 @!p2 $0x0  }
0x1d: {  	s5 =	simm.s32 @p1 $0x1;
	p0 =	seq.s32 s7, s2  }
0x1e: {  	s7 =	smul.u32 @!p0 $0xF7A, s2;
	p2 =	seq.s32 @!p0 s5, $0x0  }
0x1f: {  	s9 =	smul.u32 $0xF7A, s1;
	s8 =	simm.s32 @!p0 $0x1BF5;
	p2 =	por !p2, p0  }
0x20: {  	[sflag:s8] =	ssyncset.s32 @!p0 $0xFFFFF086;
	s6 =	sadd.s32 @!p0 s3, s7;
	s7 =	simm.s32 @!p0 $0x108  }
0x21: {  	s3 =	sadd.s32 s3, s9;
	s6 =	sadd.s32 @!p0 $0x88, s6;
	s7 =	simm.s32 @p2 $0x1082  }
0x22: {  	[simem:s7], [sflag:s8] =	dma.local @!p0 [hbm:s6], $0xF7A  }
0x23: {  	s9 =	sor.u32 $0xD0000000, s2;
	s6 =	simm.s32 $0x108;
	_ =	swait.ge @!p0 [sflag:s8], $0x0  }
0x24: {  	s3 =	sadd.s32 $0x88, s3;
	s6 =	simm.s32 @!p1 $0x1082;
	[sflag:s4] =	ssyncset.s32 $0xFFFFF086  }
0x25: {  	[simem:s6], [sflag:s4] =	dma.local [hbm:s3], $0xF7A  }
0x26: {  	[smem:$0x3F9D] =	sst s1;
	(tag) =	ssettag s2;
	_ =	strace s9  }
0x27: {  	s1 =	sld [smem:$0x3FAD]  }
0x28: {  	s2 =	sld [smem:$0x3FAE]  }
0x29: {  	s4 =	sld [smem:$0x3FB0]  }
0x2a: {  	p0 =	seq.s32 s5, $0x0;
	s5 =	sld [smem:$0x3FB1]  }
0x2b: {  	s6 =	sld [smem:$0x3FB2]  }
0x2c: {  	s7 =	sld [smem:$0x3FB3]  }
0x2d: {  	s3 =	simm.s32 $0x108;
	s8 =	sld [smem:$0x3FB4]  }
0x2e: {  	s3 =	simm.s32 @!p0 $0x1082;
	s9 =	sld [smem:$0x3FB5]  }
0x2f: {  	lr =	sadd.s32 s0, s3;
	s0 =	sld [smem:$0x3FAC]  }
0x30: {  	s3 =	sld [smem:$0x3FAF]  }
0x31: {  	[smem:$0x3FB8] =	sst s10  }
0x32: {  	s10 =	sld [smem:$0x3FB6];
	_ =	sdelay $0x3  }
0x33: {  	p0 =	seq.s32 s10, $0x1;
	s10 =	sld [smem:$0x3FB8];
	_ =	sdelay $0x3  }
0x34: {  	[smem:$0x3FB8] =	sst s10  }
0x35: {  	s10 =	sld [smem:$0x3FB7];
	_ =	sdelay $0x3  }
0x36: {  	p1 =	seq.s32 s10, $0x1;
	s10 =	sld [smem:$0x3FB8];
	_ =	sdelay $0x3  }
0x37: {  	[smem:$0x3FB8] =	sst s10  }
0x38: {  	s10 =	sld [smem:$0x3FB9]  }
0x39: {  	_ = 	snop;
	(pc) =	sbr.ind lr, $3  }
0x3a: {  	_ = 	snop  }
0x3b: {  	_ = 	snop  }
0x3c: {  	p2 =	seq.s32 s10, $0x1;
	s10 =	sld [smem:$0x3FB8]  }
0x3d: {  	_ =	shalt  }
0x3e: {  	_ =	shalt  }
0x3f: {  	_ =	shalt  }
0x40: {  	_ =	shalt  }
0x41: {  	_ =	shalt  }
0x42: {  	_ =	shalt  }
0x43: {  	_ =	shalt  }
0x44: {  	_ =	shalt  }
0x45: {  	_ =	shalt  }
0x46: {  	_ =	shalt  }
0x47: {  	_ =	shalt  }
0x48: {  	_ =	shalt  }
0x49: {  	_ =	shalt  }
0x4a: {  	_ =	shalt  }
0x4b: {  	_ =	shalt  }
0x4c: {  	_ =	shalt  }
0x4d: {  	_ =	shalt  }
0x4e: {  	_ =	shalt  }
0x4f: {  	_ =	shalt  }
0x50: {  	_ =	shalt  }
0x51: {  	_ =	shalt  }
0x52: {  	_ =	shalt  }
0x53: {  	_ =	shalt  }
0x54: {  	_ =	shalt  }
0x55: {  	_ =	shalt  }
0x56: {  	_ =	shalt  }
0x57: {  	_ =	shalt  }
0x58: {  	_ =	shalt  }
0x59: {  	_ =	shalt  }
0x5a: {  	_ =	shalt  }
0x5b: {  	_ =	shalt  }
0x5c: {  	_ =	shalt  }
0x5d: {  	_ =	shalt  }
0x5e: {  	_ =	shalt  }
0x5f: {  	_ =	shalt  }
0x60: {  	_ =	shalt  }
0x61: {  	_ =	shalt  }
0x62: {  	_ =	shalt  }
0x63: {  	_ =	shalt  }
0x64: {  	_ =	shalt  }
0x65: {  	_ =	shalt  }
0x66: {  	_ =	shalt  }
0x67: {  	_ =	shalt  }
0x68: {  	_ =	shalt  }
0x69: {  	_ =	shalt  }
0x6a: {  	_ =	shalt  }
0x6b: {  	_ =	shalt  }
0x6c: {  	_ =	shalt  }
0x6d: {  	_ =	shalt  }
0x6e: {  	_ =	shalt  }
0x6f: {  	_ =	shalt  }
0x70: {  	_ =	shalt  }
0x71: {  	_ =	shalt  }
0x72: {  	_ =	shalt  }
0x73: {  	_ =	shalt  }
0x74: {  	_ =	shalt  }
0x75: {  	_ =	shalt  }
0x76: {  	_ =	shalt  }
0x77: {  	_ =	shalt  }
0x78: {  	_ =	shalt  }
0x79: {  	_ =	shalt  }
0x7a: {  	_ =	shalt  }
0x7b: {  	_ =	shalt  }
0x7c: {  	_ =	shalt  }
0x7d: {  	_ =	shalt  }
0x7e: {  	_ =	shalt  }
0x7f: {  	_ =	shalt  }
0x80: {  	_ =	shalt  }
0x81: {  	_ =	shalt  }
0x82: {  	_ =	shalt  }
0x83: {  	_ =	shalt  }
0x84: {  	_ =	shalt  }
0x85: {  	_ =	shalt  }
0x86: {  	_ =	shalt  }
0x87: {  	_ =	shalt  }
.Lfunc_end0:
.L_simem_size_0:
called_computation.1_lowered:
.L_overlay_start_0:
0x88: {  	s2 =	sld [smem:$0x3FD9]  }
0x89: {  	s3 =	sld [smem:$0x3FFE];
	_ =	sdelay $0x1  }
0x8a: {  	s1 =	srdreg.scid  }
0x8b: {  	s0 =	sand.u32 $0x1, s1  }
0x8c: {  	s17 =	sshll.u32 s0, $0xA;
	s2 =	sadd.s32 s3, s2  }
0x8d: {  	s2 =	sadd.s32 s2, s17  }
0x8e: {  	[smem:$0x3FC4] =	sst s2  }
0x8f: {  	_ = 	snop  }
0x90: {  	s2 =	sld [smem:$0x3FD0];
	(tm) =	ssettm $0x1  }
0x91: {  	s18 =	sld [smem:$0x3FFB];
	_ =	sdelay $0x3  }
0x92: {  	_ =	strace s18  }
0x93: {  	s3 =	sld [smem:$0x3FFC];
	_ =	sdelay $0x3  }
0x94: {  	_ =	strace s3  }
0x95: {  	s3 =	sld [smem:$0x3FFD];
	_ =	sdelay $0x3  }
0x96: {  	_ =	strace s3  }
0x97: {  	_ =	strace $0x8FFFFFFF  }
0x98: {  	s19 =	sld [smem:$0x3FDB];
	_ =	sdelay $0x1  }
0x99: {  	s4 =	simm.s32 $_scs_section_size  }
0x9a: {  	s5 =	simm.s32 $_size__tile_overlayer_lowered;
	s6 =	simm.s32 $_tile_overlayer_lowered  }
0x9b: {  	s22 =	simm.s32 $0x1BFF;
	s21 =	sshll.u32 s6, $0x1;
	s3 =	sadd.s32 s4, s19  }
0x9c: {  	s7 =	simm.s32 $0x0;
	s20 =	sshll.u32 s5, $0x1;
	s5 =	sadd.s32 s21, s3  }
0x9d: {  	[timem:s7], [sflag:s22] =	dma.local [hbm:s5], s20  }
0x9e: {  	_ =	swait.ge [sflag:s22], s20  }
0x9f: {  	s4 =	ssub.s32 $0x0, s20;
	[sflag:s22] =	ssyncset.done $0x0  }
0xa0: {  	[sflag:s22] =	ssyncadd.s32 s4;
	_ =	sdelay $0x1  }
0xa1: {  	s23 =	simm.s32 $0x1B8B  }
0xa2: {  	_ =	swait.ge [sflag:s23], $0x1  }
0xa3: {  	[sflag:s23] =	ssyncset.done $0x0  }
0xa4: {  	s25 =	simm.s32 $0x1B8E;
	s24 =	sld [smem:$0x3FFE];
	[sflag:s23] =	ssyncadd.s32 $0xFFFFFFFF  }
0xa5: {  	s26 =	simm.s32 $execute0_lowered;
	[smem:$0x3FD2] =	sst s25  }
0xa6: {  	s5 =	sshll.u32 s26, $0x1;
	_ =	strace $0x80000049;
	[dreg:$0x1] =	wrdreg $0xFFFFFFFF  }
0xa7: {  	s28 =	simm.s32 $_size_execute0_lowered;
	s3 =	sadd.s32 s3, s5;
	[dreg:$0x0] =	wrdreg $0x0  }
0xa8: {  	s5 =	sshll.u32 s28, $0x1;
	[dreg:$0x2] =	wrdreg s3  }
0xa9: {  	[dreg:$0x3] =	wrdreg s5  }
0xaa: {  	[dreg:$0x4] =	wrdreg $0xC0  }
0xab: {  	_ =	task [dreg:s7], $0x5FFFF  }
0xac: {  	[dreg:$0x1] =	wrdreg $0xFFFFFFFF  }
0xad: {  	[dreg:$0x0] =	wrdreg $0x60  }
0xae: {  	[dreg:$0x2] =	wrdreg s2  }
0xaf: {  	[dreg:$0x3] =	wrdreg s24  }
0xb0: {  	[dreg:$0x4] =	wrdreg $0x88000  }
0xb1: {  	[dreg:$0x5] =	wrdreg $0x9  }
0xb2: {  	_ =	task.clear_ibuf [dreg:s7], $0x6FFFF;
	_ =	strace $0x90000049  }
0xb3: {  	s29 =	simm.s32 $0x9;
	_ =	strace $0x8000004B  }
0xb4: {  	_ =	swait.ge [sflag:s29], $0x1  }
0xb5: {  	[sflag:s29] =	ssyncadd.s32 $0xFFFFFFFF  }
0xb6: {  	_ =	strace $0x9000004B  }
0xb7: {  	_ =	sfence  }
0xb8: {  	s30 =	sld [smem:$0x0];
	_ =	sdelay $0x2  }
0xb9: {  	s31 =	sshll.u32 s1, $0xD;
	s1 =	sshrl.u32 s1, $0x2  }
0xba: {  	s3 =	sand.u32 $0x4000, s31;
	s1 =	sadd.s32 s1, s30  }
0xbb: {  	s0 =	sor.u32 s3, s0;
	s1 =	sshll.u32 s1, $0x11  }
0xbc: {  	s0 =	sor.u32 s1, s0  }
0xbd: {  	s0 =	sadd.s32 $0x8F2B, s0  }
0xbe: {  	[sflag:s0] =	ssyncadd.remote.s32 $0x1  }
0xbf: {  	_ =	sfence.sel $0xFFFF  }
0xc0: {  	[dreg:$0x0] =	wrdreg $0xFFFFFFFF;
	(pc) =	sbr.abs _section_cstart, $3  }
0xc1: {  	[dreg:$0x1] =	wrdreg $0xFFFFFFFF  }
0xc2: {  	_ =	task.clear_ibuf [dreg:s7], $0x2FFFF;
	_ =	strace $0x9FFFFFFF  }
0xc3: {  	(tm) =	ssettm $0x7FFFFFFF  }
tec
execute0_lowered:
.L_overlay_start_1:
0x0: {  	(tag) =	ssettag $0x1  }
0x1: {  	s0 =	srdreg.scid;
	s1 =	rddreg [dreg:$0x0]  }
0x2: {  	s9 =	stileid.u32;
	s3 =	rddreg [dreg:$0x1];
	s10 =	simm.s32 $0x0  }
0x3: {  	s15 =	simm.s32 $0x800;
	s31 =	simm.s32 $0x12;
	s28 =	simm.s32 $0x18  }
0x4: {  	s29 =	simm.s32 $0x10;
	s30 =	simm.s32 $0x6;
	s12 =	simm.s32 $0x0  }
0x5: {  	s0 =	sand.u32 $0x1, s0;
	[smem:$0x7FF] =	sst s10;
	s7 =	smul.u32 $0x14000, s9  }
0x6: {  	s16 =	smul.u32 $0x50000, s9;
	s11 =	sadd.s32 $0x1600, s3;
	s19 =	sshll.u32 s9, $0x6  }
0x7: {  	s2 =	sshll.u32 s0, $0x4;
	s6 =	smul.u32 $0x140000, s0;
	s0 =	ssub.s32 $0x2, s0  }
0x8: {  	s4 =	sor.u32 s9, s2;
	s2 =	rddreg [dreg:$0x2];
	_ =	strace $0x8000004A  }
0x9: {  	[dreg:$0x4] =	wrdreg s11;
	s17 =	sshrl.u32 s0, $0x1;
	s18 =	sshrl.u32 s16, $0x2  }
0xa: {  	s9 =	sor.u32 $0x1C19, s19;
	s11 =	simm.s32 $0x380;
	s16 =	simm.s32 $0x6800  }
0xb: {  	s19 =	simm.s32 $0x2800;
	s5 =	smul.u32 $0xA00, s4;
	s4 =	sadd.s32 $0x20200, s3  }
0xc: {  	s6 =	sadd.s32 s7, s6;
	s0 =	ssub.s32 s0, s17;
	s17 =	simm.s32 $0x16  }
0xd: {  	[dreg:$0x5] =	wrdreg s9;
	s6 =	sshrl.u32 s6, $0x3;
	s0 =	smax.u32 s0, $0x1  }
0xe: {  	s8 =	sadd.s32 s5, s3;
	s3 =	sadd.s32 s6, s3;
	s6 =	sadd.s32 s18, s2  }
0xf: {  	s7 =	sadd.s32 s1, s5;
	[dreg:$0x7] =	wrdreg s0;
	s20 =	sadd.s32 $0x70200, s3  }
0x10: {  	s5 =	simm.s32 $0x40;
	s21 =	sadd.s32 $0x10, s7;
	[dreg:$0x6] =	wrdreg s20  }
0x11: {  	s1 =	simm.s32 $0x8;
	s23 =	sadd.s32 $0x20, s7;
	[dreg:$0x9] =	wrdreg s21  }
0x12: {  	s8 =	sadd.s32 $0xC200, s8;
	s25 =	sadd.s32 $0x30, s7;
	[dreg:$0xb] =	wrdreg s23  }
.Ltmp0:
0x13: {  	s3 =	sshrl.u32 s6, $0x3;
	[dreg:$0xd] =	wrdreg s25;
	(pc) =	sbr.rel .LBB2_1-.Ltmp0, $4  }
0x14: {  	s6 =	simm.s32 $0x19;
	s22 =	sadd.s32 $0x10, s8;
	[dreg:$0x8] =	wrdreg s3  }
0x15: {  	s24 =	sadd.s32 $0x20, s8;
	s26 =	sadd.s32 $0x30, s8;
	[dreg:$0xa] =	wrdreg s22  }
0x16: {  	s20 =	simm.s32 $0x780;
	s25 =	simm.s32 $0x4800;
	[dreg:$0xc] =	wrdreg s24  }
0x17: {  	s23 =	simm.s32 $0x14;
	[dreg:$0xe] =	wrdreg s26;
	s22 =	simm.s32 $0x2800  }
.LBB2_4:
0x18: {  	[bflag:$0x0] =	sbarrier.arrive $0xFFFF  }
0x19: {  	s9 =	rddreg [dreg:$0x5]  }
0x1a: {  	s0 =	rddreg [dreg:$0x6]  }
0x1b: {  	s6 =	simm.s32 $0x19;
	s3 =	rddreg [dreg:$0x8]  }
0x1c: {  	[hbm:s0], [sflag:s9] =	dma.local [spmem:s3], $0x2800  }
0x1d: {  	_ =	swait.ge [sflag:s6], $0x2800  }
0x1e: {  	s12 =	rddreg [dreg:$0xf]  }
0x1f: {  	s26 =	rddreg [dreg:$0x7];
	s12 =	sadd.s32 $0x1, s12  }
0x20: {  	p0 =	sne.s32 s12, s26  }
.Ltmp1:
0x21: {  	_ = 	snop;
	(pc) =	sbr.rel @!p0 .LBB2_5-.Ltmp1, $3  }
0x22: {  	_ =	sdelay $0x1  }
0x23: {  	[sflag:s6] =	ssyncset.done $0x0  }
0x24: {  	s10 =	simm.s32 $0x0;
	s20 =	simm.s32 $0x780;
	[sflag:s6] =	ssyncadd.s32 $0xFFFFD800  }
.LBB2_1:
0x25: {  	[dreg:$0xf] =	wrdreg s12  }
0x26: {  	s0 =	rddreg [dreg:$0x4]  }
0x27: {  	[spmem:s3], [sflag:s9] =	dma.local [hbm:s0], $0x2800  }
0x28: {  	_ =	swait.ge [sflag:s6], $0x2800  }
0x29: {  	[sflag:s6] =	ssyncset.done $0x0  }
0x2a: {  	[sflag:s6] =	ssyncadd.s32 $0xFFFFD800  }
0x2b: {  	[bflag:$0x0] =	sbarrier.arrive $0xFFFF  }
0x2c: {  	[tilespmem:s10], [sflag:$0x1] =	stream.linear.gather [hbm4b:s7+s10], $0x80, $0x38;
	[tilespmem:$0x1C800] =	vst v63  }
0x2d: {  	s3 =	simm.s32 $0x400  }
0x2e: {  	[tilespmem:s3], [sflag:$0x9] =	stream.linear.gather [hbm4b:s8+s10], $0x80, $0x38;
	[tilespmem:$0x1C800] =	vst v63  }
0x2f: {  	s12 =	simm.s32 $0x80;
	s9 =	rddreg [dreg:$0x9]  }
0x30: {  	[tilespmem:s12], [sflag:$0x2] =	stream.linear.gather [hbm4b:s9+s10], $0x80, $0x38;
	[tilespmem:$0x1C800] =	vst v63  }
0x31: {  	s6 =	simm.s32 $0x480;
	s13 =	rddreg [dreg:$0xa]  }
0x32: {  	[tilespmem:s6], [sflag:$0xA] =	stream.linear.gather [hbm4b:s13+s10], $0x80, $0x38;
	[tilespmem:$0x1C800] =	vst v63  }
0x33: {  	s18 =	simm.s32 $0x100;
	s14 =	rddreg [dreg:$0xb]  }
0x34: {  	[tilespmem:s18], [sflag:$0x3] =	stream.linear.gather [hbm4b:s14+s10], $0x80, $0x38;
	[tilespmem:$0x1C800] =	vst v63  }
0x35: {  	s21 =	rddreg [dreg:$0xc];
	s9 =	simm.s32 $0x500  }
0x36: {  	[tilespmem:s9], [sflag:$0xB] =	stream.linear.gather [hbm4b:s21+s10], $0x80, $0x38;
	[tilespmem:$0x1C800] =	vst v63  }
0x37: {  	s24 =	rddreg [dreg:$0xd];
	s13 =	simm.s32 $0x180  }
0x38: {  	[tilespmem:s13], [sflag:$0x4] =	stream.linear.gather [hbm4b:s24+s10], $0x80, $0x38;
	[tilespmem:$0x1C800] =	vst v63  }
0x39: {  	s26 =	rddreg [dreg:$0xe];
	s13 =	simm.s32 $0x580  }
0x3a: {  	[tilespmem:s13], [sflag:$0xC] =	stream.linear.gather [hbm4b:s26+s10], $0x80, $0x38;
	[tilespmem:$0x1C800] =	vst v63  }
0x3b: {  	s12 =	sadd.s32 $0x40, s7;
	s14 =	simm.s32 $0x200  }
0x3c: {  	[tilespmem:s14], [sflag:$0x5] =	stream.linear.gather [hbm4b:s12+s10], $0x80, $0x38;
	[tilespmem:$0x1C800] =	vst v63  }
0x3d: {  	s18 =	simm.s32 $0x600;
	s14 =	sadd.s32 $0x40, s8  }
0x3e: {  	[tilespmem:s18], [sflag:$0xD] =	stream.linear.gather [hbm4b:s14+s10], $0x80, $0x38;
	[tilespmem:$0x1C800] =	vst v63  }
0x3f: {  	s21 =	sadd.s32 $0x50, s7;
	s24 =	simm.s32 $0x280  }
0x40: {  	[tilespmem:s24], [sflag:$0x6] =	stream.linear.gather [hbm4b:s21+s10], $0x80, $0x38;
	[tilespmem:$0x1C800] =	vst v63  }
0x41: {  	s26 =	sadd.s32 $0x50, s8;
	s12 =	simm.s32 $0x680  }
0x42: {  	[tilespmem:s12], [sflag:$0xE] =	stream.linear.gather [hbm4b:s26+s10], $0x80, $0x38;
	[tilespmem:$0x1C800] =	vst v63  }
0x43: {  	s18 =	sadd.s32 $0x60, s7;
	s21 =	simm.s32 $0x300  }
0x44: {  	[tilespmem:s21], [sflag:$0x7] =	stream.linear.gather [hbm4b:s18+s10], $0x80, $0x38;
	[tilespmem:$0x1C800] =	vst v63  }
0x45: {  	s24 =	sadd.s32 $0x60, s8;
	s26 =	simm.s32 $0x700  }
0x46: {  	[tilespmem:s26], [sflag:$0xF] =	stream.linear.gather [hbm4b:s24+s10], $0x80, $0x38;
	[tilespmem:$0x1C800] =	vst v63  }
0x47: {  	s12 =	sadd.s32 $0x70, s7  }
0x48: {  	[tilespmem:s11], [sflag:$0x8] =	stream.linear.gather [hbm4b:s12+s10], $0x80, $0x38;
	[tilespmem:$0x1C800] =	vst v63  }
0x49: {  	s14 =	sadd.s32 $0x70, s8;
	s18 =	simm.s32 $0x9  }
0x4a: {  	[tilespmem:s20], [sflag:$0x10] =	stream.linear.gather [hbm4b:s14+s10], $0x80, $0x38;
	[tilespmem:$0x1C800] =	vst v63  }
0x4b: {  	_ =	swait.ge [sflag:s18], $0x80  }
0x4c: {  	[sflag:s18] =	ssyncset.done $0x0  }
0x4d: {  	s21 =	simm.s32 $0xA;
	[sflag:s18] =	ssyncadd.s32 $0xFFFFFF80  }
0x4e: {  	[tilespmem:s15], [sflag:$0x11] =	stream.indirect.gather [hbm4b:s4+s5], $0x80, s3, s5, $0xb8;
	[tilespmem:$0x1C800] =	vst v63  }
0x4f: {  	_ =	swait.ge [sflag:s21], $0x80  }
0x50: {  	[sflag:s21] =	ssyncset.done $0x0  }
0x51: {  	s24 =	simm.s32 $0xB;
	[sflag:s21] =	ssyncadd.s32 $0xFFFFFF80  }
0x52: {  	[tilespmem:s22], [sflag:$0x12] =	stream.indirect.gather [hbm4b:s4+s5], $0x80, s6, s5, $0xb8;
	[tilespmem:$0x1C800] =	vst v63  }
0x53: {  	_ =	swait.ge [sflag:s24], $0x80  }
0x54: {  	[sflag:s24] =	ssyncset.done $0x0  }
0x55: {  	s26 =	simm.s32 $0xC;
	[sflag:s24] =	ssyncadd.s32 $0xFFFFFF80  }
0x56: {  	[tilespmem:s25], [sflag:$0x13] =	stream.indirect.gather [hbm4b:s4+s5], $0x80, s9, s5, $0xb8;
	[tilespmem:$0x1C800] =	vst v63  }
0x57: {  	_ =	swait.ge [sflag:s26], $0x80  }
0x58: {  	[sflag:s26] =	ssyncset.done $0x0  }
0x59: {  	s0 =	simm.s32 $0x0;
	s11 =	simm.s32 $0x380;
	[sflag:s26] =	ssyncadd.s32 $0xFFFFFF80  }
0x5a: {  	[tilespmem:s16], [sflag:$0x14] =	stream.indirect.gather [hbm4b:s4+s5], $0x80, s13, s5, $0xb8;
	[tilespmem:$0x1C800] =	vst v63  }
.LBB2_2:
0x5b: {  	s3 =	simm.s32 $0x11  }
0x5c: {  	_ =	swait.ge [sflag:s3], $0x2000  }
0x5d: {  	[sflag:s3] =	ssyncset.done $0x0  }
0x5e: {  	s14 =	simm.s32 $0x1;
	[sflag:s3] =	ssyncadd.s32 $0xFFFFE000  }
0x5f: {  	_ =	swait.ge [sflag:s14], $0x80  }
0x60: {  	[sflag:s14] =	ssyncset.done $0x0  }
0x61: {  	s6 =	simm.s32 $0x800;
	s15 =	simm.s32 $0x15;
	[sflag:s14] =	ssyncadd.s32 $0xFFFFFF80  }
0x62: {  	[spmem:s2] =	stream.indirect.scatter.add.f32 [tilespmem:s6], [sflag:$0x15], $0x80, s10, s5, $0xb8;
	[tilespmem:$0x1C800] =	vst v63  }
0x63: {  	_ =	swait.ge [sflag:s15], $0x2000  }
0x64: {  	[sflag:s15] =	ssyncset.done $0x0  }
0x65: {  	s18 =	simm.s32 $0xD;
	[sflag:s15] =	ssyncadd.s32 $0xFFFFE000  }
0x66: {  	_ =	swait.ge [sflag:s18], $0x80  }
0x67: {  	p0 =	seq.s32 s0, $0x980;
	[sflag:s18] =	ssyncset.done $0x0  }
0x68: {  	s21 =	simm.s32 $0x600;
	s13 =	sadd.s32 @!p0 s0, s7;
	[sflag:s18] =	ssyncadd.s32 $0xFFFFFF80  }
0x69: {  	[tilespmem:s6], [sflag:$0x11] =	stream.indirect.gather [hbm4b:s4+s5], $0x80, s21, s5, $0xb8;
	[tilespmem:$0x1C800] =	vst v63  }
0x6a: {  	s26 =	simm.s32 @!p0 $0x0;
	s3 =	sadd.s32 @!p0 $0x80, s13;
	s14 =	sadd.s32 @!p0 s0, s8  }
0x6b: {  	[tilespmem:s26], [sflag:$0x1] =	stream.linear.gather @!p0 [hbm4b:s3+s26], $0x80, $0x38;
	[tilespmem:$0x1C800] =	vst v63  }
0x6c: {  	s10 =	simm.s32 @!p0 $0x400;
	s3 =	sadd.s32 @!p0 $0x80, s14  }
0x6d: {  	[tilespmem:s10], [sflag:$0x9] =	stream.linear.gather @!p0 [hbm4b:s3+s26], $0x80, $0x38;
	[tilespmem:$0x1C800] =	vst v63  }
0x6e: {  	_ =	swait.ge [sflag:s31], $0x2000  }
0x6f: {  	[sflag:s31] =	ssyncset.done $0x0  }
0x70: {  	s22 =	simm.s32 $0x2;
	[sflag:s31] =	ssyncadd.s32 $0xFFFFE000  }
0x71: {  	_ =	swait.ge [sflag:s22], $0x80  }
0x72: {  	[sflag:s22] =	ssyncset.done $0x0  }
0x73: {  	s24 =	simm.s32 $0x80;
	[sflag:s22] =	ssyncadd.s32 $0xFFFFFF80  }
0x74: {  	[spmem:s2] =	stream.indirect.scatter.add.f32 [tilespmem:s19], [sflag:$0x16], $0x80, s24, s5, $0xb8;
	[tilespmem:$0x1C800] =	vst v63  }
0x75: {  	_ =	swait.ge [sflag:s17], $0x2000  }
0x76: {  	[sflag:s17] =	ssyncset.done $0x0  }
0x77: {  	s25 =	simm.s32 $0xE;
	[sflag:s17] =	ssyncadd.s32 $0xFFFFE000  }
0x78: {  	_ =	swait.ge [sflag:s25], $0x80  }
0x79: {  	[sflag:s25] =	ssyncset.done $0x0  }
0x7a: {  	s9 =	simm.s32 $0x680;
	[sflag:s25] =	ssyncadd.s32 $0xFFFFFF80  }
0x7b: {  	[tilespmem:s19], [sflag:$0x12] =	stream.indirect.gather [hbm4b:s4+s5], $0x80, s9, s5, $0xb8;
	[tilespmem:$0x1C800] =	vst v63  }
0x7c: {  	s18 =	simm.s32 @!p0 $0x80;
	s3 =	sadd.s32 @!p0 $0x90, s13  }
0x7d: {  	[tilespmem:s18], [sflag:$0x2] =	stream.linear.gather @!p0 [hbm4b:s3+s26], $0x80, $0x38;
	[tilespmem:$0x1C800] =	vst v63  }
0x7e: {  	s12 =	simm.s32 $0x13;
	s21 =	simm.s32 @!p0 $0x480;
	s3 =	sadd.s32 @!p0 $0x90, s14  }
0x7f: {  	[tilespmem:s21], [sflag:$0xA] =	stream.linear.gather @!p0 [hbm4b:s3+s26], $0x80, $0x38;
	[tilespmem:$0x1C800] =	vst v63  }
0x80: {  	_ =	swait.ge [sflag:s12], $0x2000  }
0x81: {  	[sflag:s12] =	ssyncset.done $0x0  }
0x82: {  	s18 =	simm.s32 $0x3;
	[sflag:s12] =	ssyncadd.s32 $0xFFFFE000  }
0x83: {  	_ =	swait.ge [sflag:s18], $0x80  }
0x84: {  	s22 =	simm.s32 $0x100;
	[sflag:s18] =	ssyncset.done $0x0  }
0x85: {  	s24 =	simm.s32 $0x17;
	s9 =	simm.s32 $0x4800;
	[sflag:s18] =	ssyncadd.s32 $0xFFFFFF80  }
0x86: {  	[spmem:s2] =	stream.indirect.scatter.add.f32 [tilespmem:s9], [sflag:$0x17], $0x80, s22, s5, $0xb8;
	[tilespmem:$0x1C800] =	vst v63  }
0x87: {  	_ =	swait.ge [sflag:s24], $0x2000  }
0x88: {  	[sflag:s24] =	ssyncset.done $0x0  }
0x89: {  	s25 =	simm.s32 $0xF;
	[sflag:s24] =	ssyncadd.s32 $0xFFFFE000  }
0x8a: {  	_ =	swait.ge [sflag:s25], $0x80  }
0x8b: {  	[sflag:s25] =	ssyncset.done $0x0  }
0x8c: {  	s12 =	simm.s32 $0x700;
	[sflag:s25] =	ssyncadd.s32 $0xFFFFFF80  }
0x8d: {  	[tilespmem:s9], [sflag:$0x13] =	stream.indirect.gather [hbm4b:s4+s5], $0x80, s12, s5, $0xb8;
	[tilespmem:$0x1C800] =	vst v63  }
0x8e: {  	s3 =	sadd.s32 @!p0 $0xA0, s13;
	s18 =	simm.s32 @!p0 $0x100  }
0x8f: {  	[tilespmem:s18], [sflag:$0x3] =	stream.linear.gather @!p0 [hbm4b:s3+s26], $0x80, $0x38;
	[tilespmem:$0x1C800] =	vst v63  }
0x90: {  	s18 =	sadd.s32 @!p0 $0xA0, s14;
	s3 =	simm.s32 @!p0 $0x500  }
0x91: {  	[tilespmem:s3], [sflag:$0xB] =	stream.linear.gather @!p0 [hbm4b:s18+s26], $0x80, $0x38;
	[tilespmem:$0x1C800] =	vst v63  }
0x92: {  	_ =	swait.ge [sflag:s23], $0x2000  }
0x93: {  	[sflag:s23] =	ssyncset.done $0x0  }
0x94: {  	s18 =	simm.s32 $0x4;
	[sflag:s23] =	ssyncadd.s32 $0xFFFFE000  }
0x95: {  	_ =	swait.ge [sflag:s18], $0x80  }
0x96: {  	[sflag:s18] =	ssyncset.done $0x0  }
0x97: {  	s22 =	simm.s32 $0x180;
	[sflag:s18] =	ssyncadd.s32 $0xFFFFFF80  }
0x98: {  	[spmem:s2] =	stream.indirect.scatter.add.f32 [tilespmem:s16], [sflag:$0x18], $0x80, s22, s5, $0xb8;
	[tilespmem:$0x1C800] =	vst v63  }
0x99: {  	_ =	swait.ge [sflag:s28], $0x2000  }
0x9a: {  	[sflag:s28] =	ssyncset.done $0x0  }
0x9b: {  	[sflag:s28] =	ssyncadd.s32 $0xFFFFE000  }
0x9c: {  	_ =	swait.ge [sflag:s29], $0x80  }
0x9d: {  	[sflag:s29] =	ssyncset.done $0x0  }
0x9e: {  	s18 =	simm.s32 @p0 $0x11;
	[sflag:s29] =	ssyncadd.s32 $0xFFFFFF80  }
0x9f: {  	[tilespmem:s16], [sflag:$0x14] =	stream.indirect.gather [hbm4b:s4+s5], $0x80, s20, s5, $0xb8;
	[tilespmem:$0x1C800] =	vst v63  }
0xa0: {  	_ =	swait.ge @p0 [sflag:s18], $0x2000  }
0xa1: {  	[sflag:s18] =	ssyncset.done @p0 $0x0  }
0xa2: {  	[sflag:s18] =	ssyncadd.s32 @p0 $0xFFFFE000;
	s18 =	simm.s32 @p0 $0x5  }
0xa3: {  	_ =	swait.ge @p0 [sflag:s18], $0x80  }
0xa4: {  	s22 =	simm.s32 @p0 $0x800;
	[sflag:s18] =	ssyncset.done @p0 $0x0  }
0xa5: {  	s20 =	simm.s32 @p0 $0x40;
	[sflag:s18] =	ssyncadd.s32 @p0 $0xFFFFFF80;
	s18 =	simm.s32 @p0 $0x200  }
0xa6: {  	[spmem:s2] =	stream.indirect.scatter.add.f32 @p0 [tilespmem:s22], [sflag:$0x15], $0x80, s18, s20, $0xb8;
	[tilespmem:$0x1C800] =	vst v63  }
0xa7: {  	s18 =	simm.s32 @p0 $0x15  }
0xa8: {  	_ =	swait.ge @p0 [sflag:s18], $0x2000  }
0xa9: {  	[sflag:s18] =	ssyncset.done @p0 $0x0  }
0xaa: {  	s22 =	simm.s32 @!p0 $0x180;
	[sflag:s18] =	ssyncadd.s32 @p0 $0xFFFFE000;
	s18 =	sadd.s32 @!p0 $0xB0, s13  }
0xab: {  	[tilespmem:s22], [sflag:$0x4] =	stream.linear.gather @!p0 [hbm4b:s18+s26], $0x80, $0x38;
	[tilespmem:$0x1C800] =	vst v63  }
0xac: {  	s18 =	sadd.s32 @!p0 $0xB0, s14;
	s22 =	simm.s32 @!p0 $0x580  }
0xad: {  	[tilespmem:s22], [sflag:$0xC] =	stream.linear.gather @!p0 [hbm4b:s18+s26], $0x80, $0x38;
	[tilespmem:$0x1C800] =	vst v63  }
0xae: {  	s18 =	simm.s32 @!p0 $0x11  }
0xaf: {  	_ =	swait.ge @!p0 [sflag:s18], $0x2000  }
0xb0: {  	[sflag:s18] =	ssyncset.done @!p0 $0x0  }
0xb1: {  	[sflag:s18] =	ssyncadd.s32 @!p0 $0xFFFFE000;
	s18 =	simm.s32 @!p0 $0x5  }
0xb2: {  	_ =	swait.ge @!p0 [sflag:s18], $0x80  }
0xb3: {  	s24 =	simm.s32 @!p0 $0x800;
	s9 =	simm.s32 @!p0 $0x15;
	[sflag:s18] =	ssyncset.done @!p0 $0x0  }
0xb4: {  	s22 =	simm.s32 @!p0 $0x200;
	[sflag:s18] =	ssyncadd.s32 @!p0 $0xFFFFFF80;
	s18 =	simm.s32 @!p0 $0x40  }
0xb5: {  	[spmem:s2] =	stream.indirect.scatter.add.f32 @!p0 [tilespmem:s24], [sflag:$0x15], $0x80, s22, s18, $0xb8;
	[tilespmem:$0x1C800] =	vst v63  }
0xb6: {  	_ =	swait.ge @!p0 [sflag:s9], $0x2000  }
0xb7: {  	[sflag:s9] =	ssyncset.done @!p0 $0x0  }
0xb8: {  	[sflag:s9] =	ssyncadd.s32 @!p0 $0xFFFFE000;
	s9 =	simm.s32 @!p0 $0x9  }
0xb9: {  	_ =	swait.ge @!p0 [sflag:s9], $0x80  }
0xba: {  	[sflag:s9] =	ssyncset.done @!p0 $0x0  }
0xbb: {  	[sflag:s9] =	ssyncadd.s32 @!p0 $0xFFFFFF80  }
0xbc: {  	[tilespmem:s24], [sflag:$0x11] =	stream.indirect.gather @!p0 [hbm4b:s4+s18], $0x80, s10, s18, $0xb8;
	[tilespmem:$0x1C800] =	vst v63  }
0xbd: {  	s9 =	sadd.s32 @!p0 $0xC0, s13  }
0xbe: {  	[tilespmem:s22], [sflag:$0x5] =	stream.linear.gather @!p0 [hbm4b:s9+s26], $0x80, $0x38;
	[tilespmem:$0x1C800] =	vst v63  }
0xbf: {  	s10 =	simm.s32 @!p0 $0x600;
	s9 =	sadd.s32 @!p0 $0xC0, s14  }
0xc0: {  	[tilespmem:s10], [sflag:$0xD] =	stream.linear.gather @!p0 [hbm4b:s9+s26], $0x80, $0x38;
	[tilespmem:$0x1C800] =	vst v63  }
0xc1: {  	_ =	swait.ge [sflag:s31], $0x2000  }
0xc2: {  	[sflag:s31] =	ssyncset.done $0x0  }
0xc3: {  	[sflag:s31] =	ssyncadd.s32 $0xFFFFE000  }
0xc4: {  	_ =	swait.ge [sflag:s30], $0x80  }
0xc5: {  	[sflag:s30] =	ssyncset.done $0x0  }
0xc6: {  	s24 =	simm.s32 $0x280;
	[sflag:s30] =	ssyncadd.s32 $0xFFFFFF80  }
0xc7: {  	[spmem:s2] =	stream.indirect.scatter.add.f32 [tilespmem:s19], [sflag:$0x16], $0x80, s24, s5, $0xb8;
	[tilespmem:$0x1C800] =	vst v63  }
0xc8: {  	_ =	swait.ge [sflag:s17], $0x2000  }
0xc9: {  	[sflag:s17] =	ssyncset.done $0x0  }
0xca: {  	s9 =	simm.s32 @p0 $0x13;
	[sflag:s17] =	ssyncadd.s32 $0xFFFFE000  }
0xcb: {  	_ =	swait.ge @p0 [sflag:s9], $0x2000  }
0xcc: {  	[sflag:s9] =	ssyncset.done @p0 $0x0  }
0xcd: {  	[sflag:s9] =	ssyncadd.s32 @p0 $0xFFFFE000;
	s9 =	simm.s32 @p0 $0x7  }
0xce: {  	_ =	swait.ge @p0 [sflag:s9], $0x80  }
0xcf: {  	[sflag:s9] =	ssyncset.done @p0 $0x0  }
0xd0: {  	s10 =	simm.s32 @p0 $0x4800;
	[sflag:s9] =	ssyncadd.s32 @p0 $0xFFFFFF80;
	s9 =	simm.s32 @p0 $0x300  }
0xd1: {  	[spmem:s2] =	stream.indirect.scatter.add.f32 @p0 [tilespmem:s10], [sflag:$0x17], $0x80, s9, s20, $0xb8;
	[tilespmem:$0x1C800] =	vst v63  }
0xd2: {  	s9 =	simm.s32 @p0 $0x17  }
0xd3: {  	_ =	swait.ge @p0 [sflag:s9], $0x2000  }
0xd4: {  	[sflag:s9] =	ssyncset.done @p0 $0x0  }
0xd5: {  	[sflag:s9] =	ssyncadd.s32 @p0 $0xFFFFE000;
	s9 =	simm.s32 @!p0 $0xA  }
0xd6: {  	_ =	swait.ge @!p0 [sflag:s9], $0x80  }
0xd7: {  	[sflag:s9] =	ssyncset.done @!p0 $0x0  }
0xd8: {  	[sflag:s9] =	ssyncadd.s32 @!p0 $0xFFFFFF80;
	s9 =	simm.s32 @!p0 $0x2800  }
0xd9: {  	[tilespmem:s9], [sflag:$0x12] =	stream.indirect.gather @!p0 [hbm4b:s4+s18], $0x80, s21, s18, $0xb8;
	[tilespmem:$0x1C800] =	vst v63  }
0xda: {  	s10 =	simm.s32 @!p0 $0x280;
	s9 =	sadd.s32 @!p0 $0xD0, s13  }
0xdb: {  	[tilespmem:s10], [sflag:$0x6] =	stream.linear.gather @!p0 [hbm4b:s9+s26], $0x80, $0x38;
	[tilespmem:$0x1C800] =	vst v63  }
0xdc: {  	s9 =	sadd.s32 @!p0 $0xD0, s14;
	s10 =	simm.s32 @!p0 $0x680  }
0xdd: {  	[tilespmem:s10], [sflag:$0xE] =	stream.linear.gather @!p0 [hbm4b:s9+s26], $0x80, $0x38;
	[tilespmem:$0x1C800] =	vst v63  }
0xde: {  	s9 =	simm.s32 @!p0 $0x13  }
0xdf: {  	_ =	swait.ge @!p0 [sflag:s9], $0x2000  }
0xe0: {  	[sflag:s9] =	ssyncset.done @!p0 $0x0  }
0xe1: {  	[sflag:s9] =	ssyncadd.s32 @!p0 $0xFFFFE000;
	s9 =	simm.s32 @!p0 $0x7  }
0xe2: {  	_ =	swait.ge @!p0 [sflag:s9], $0x80  }
0xe3: {  	s20 =	simm.s32 @!p0 $0x17;
	[sflag:s9] =	ssyncset.done @!p0 $0x0  }
0xe4: {  	s10 =	simm.s32 @!p0 $0x4800;
	[sflag:s9] =	ssyncadd.s32 @!p0 $0xFFFFFF80;
	s9 =	simm.s32 @!p0 $0x300  }
0xe5: {  	[spmem:s2] =	stream.indirect.scatter.add.f32 @!p0 [tilespmem:s10], [sflag:$0x17], $0x80, s9, s18, $0xb8;
	[tilespmem:$0x1C800] =	vst v63  }
0xe6: {  	_ =	swait.ge @!p0 [sflag:s20], $0x2000  }
0xe7: {  	[sflag:s20] =	ssyncset.done @!p0 $0x0  }
0xe8: {  	[sflag:s20] =	ssyncadd.s32 @!p0 $0xFFFFE000;
	s20 =	simm.s32 @!p0 $0xB  }
0xe9: {  	_ =	swait.ge @!p0 [sflag:s20], $0x80  }
0xea: {  	[sflag:s20] =	ssyncset.done @!p0 $0x0  }
0xeb: {  	[sflag:s20] =	ssyncadd.s32 @!p0 $0xFFFFFF80  }
0xec: {  	[tilespmem:s10], [sflag:$0x13] =	stream.indirect.gather @!p0 [hbm4b:s4+s18], $0x80, s3, s18, $0xb8;
	[tilespmem:$0x1C800] =	vst v63  }
0xed: {  	s3 =	sadd.s32 @!p0 $0xE0, s13  }
0xee: {  	[tilespmem:s9], [sflag:$0x7] =	stream.linear.gather @!p0 [hbm4b:s3+s26], $0x80, $0x38;
	[tilespmem:$0x1C800] =	vst v63  }
0xef: {  	s3 =	sadd.s32 @!p0 $0xE0, s14;
	s9 =	simm.s32 @!p0 $0x700  }
0xf0: {  	[tilespmem:s9], [sflag:$0xF] =	stream.linear.gather @!p0 [hbm4b:s3+s26], $0x80, $0x38;
	[tilespmem:$0x1C800] =	vst v63  }
0xf1: {  	_ =	swait.ge [sflag:s23], $0x2000  }
0xf2: {  	[sflag:s23] =	ssyncset.done $0x0  }
0xf3: {  	[sflag:s23] =	ssyncadd.s32 $0xFFFFE000  }
0xf4: {  	_ =	swait.ge [sflag:s1], $0x80  }
0xf5: {  	[sflag:s1] =	ssyncset.done $0x0  }
.Ltmp2:
0xf6: {  	[sflag:s1] =	ssyncadd.s32 $0xFFFFFF80;
	(pc) =	sbr.rel @p0 .LBB2_4-.Ltmp2, $4  }
0xf7: {  	[spmem:s2] =	stream.indirect.scatter.add.f32 [tilespmem:s16], [sflag:$0x18], $0x80, s11, s5, $0xb8;
	[tilespmem:$0x1C800] =	vst v63  }
0xf8: {  	s15 =	simm.s32 $0x800;
	s6 =	simm.s32 $0x0;
	_ =	swait.ge [sflag:s28], $0x2000  }
0xf9: {  	s25 =	simm.s32 $0x4800;
	s12 =	simm.s32 $0x780;
	[sflag:s28] =	ssyncset.done $0x0  }
0xfa: {  	s22 =	simm.s32 $0x2800;
	s11 =	simm.s32 $0x380;
	[sflag:s28] =	ssyncadd.s32 $0xFFFFE000  }
0xfb: {  	s3 =	simm.s32 $0xC  }
0xfc: {  	_ =	swait.ge [sflag:s3], $0x80  }
0xfd: {  	[sflag:s3] =	ssyncset.done $0x0  }
0xfe: {  	s24 =	simm.s32 $0x580;
	[sflag:s3] =	ssyncadd.s32 $0xFFFFFF80  }
0xff: {  	[tilespmem:s16], [sflag:$0x14] =	stream.indirect.gather [hbm4b:s4+s5], $0x80, s24, s5, $0xb8;
	[tilespmem:$0x1C800] =	vst v63  }
.Ltmp3:
0x100: {  	s25 =	sadd.s32 s0, s7;
	s26 =	sadd.s32 s0, s8;
	(pc) =	sbr.rel .LBB2_2-.Ltmp3, $4  }
0x101: {  	s0 =	sadd.s32 $0x80, s0;
	s10 =	simm.s32 $0x0;
	s3 =	sadd.s32 $0xF0, s25  }
0x102: {  	[tilespmem:s11], [sflag:$0x8] =	stream.linear.gather [hbm4b:s3+s6], $0x80, $0x38;
	[tilespmem:$0x1C800] =	vst v63  }
0x103: {  	s20 =	simm.s32 $0x780;
	s3 =	sadd.s32 $0xF0, s26;
	s11 =	simm.s32 $0x380  }
0x104: {  	[tilespmem:s12], [sflag:$0x10] =	stream.linear.gather [hbm4b:s3+s6], $0x80, $0x38;
	[tilespmem:$0x1C800] =	vst v63  }
.LBB2_5:
0x105: {  	_ =	sfence.sel $0x180000  }
0x106: {  	[bflag:$0x0] =	sbarrier.arrive $0xFFFF  }
0x107: {  	_ =	strace $0x9000004A  }
0x108: {  	s0 =	stileid.u32;
	[bflag:$0x2] =	sbarrier.arrive $0xFFFF  }
0x109: {  	p0 =	sne.s32 s0, $0x0;
	s0 =	rddreg [dreg:$0x3]  }
0x10a: {  	s0 =	sadd.s32 @!p0 $0x100000, s0  }
0x10b: {  	[sflag:s0] =	ssyncadd.tile.s32 @!p0 $0x1;
	_ =	shalt  }
.Lfunc_end2:
_tile_overlayer_lowered:
.L_overlay_start_2:
0x10c: {  	(tag) =	ssettag $0x2  }
0x10d: {  	s0 =	rddreg [dreg:$0x0];
	s2 =	stileid.u32  }
0x10e: {  	s1 =	rddreg [dreg:$0x1];
	p0 =	sne.s32 s2, $0x0  }
0x10f: {  	s3 =	rddreg [dreg:$0x2];
	[bflag:$0x3] =	sbarrier.arrive $0xFFFF;
	s2 =	simm.s32 @!p0 $0x1C19  }
0x110: {  	[timem:s3], [sflag:s2] =	dma.local @!p0 [hbm:s0], s1  }
0x111: {  	s0 =	simm.s32 @!p0 $0x19  }
0x112: {  	_ =	swait.ge @!p0 [sflag:s0], s1  }
0x113: {  	s1 =	ssub.s32 @!p0 $0x0, s1;
	[sflag:s0] =	ssyncset.done @!p0 $0x0  }
0x114: {  	[sflag:s0] =	ssyncadd.s32 @!p0 s1  }
0x115: {  	[bflag:$0x3] =	sbarrier.arrive $0xFFFF  }
0x116: {  	_ =	shalt  }

// kernel: kernel.7.cloned.1.call-start
scs
__scs_entry_jumppad:
0x0: {  	(pc) =	sbr.rel $0x88, $3  }
0x1: {  	(tag) =	ssettag $0x0;
	lr =	simm.s32 $0x1  }
0x2: {  	[smem:$0x3F9D] =	sst lr;
	_ =	strace $0xD0000000  }
0x3: {  	_ = 	snop  }
0x4: {  	_ = 	snop  }
0x5: {  	_ = 	snop  }
0x6: {  	_ = 	snop  }
0x7: {  	_ = 	snop  }
__scs_overlays_trampoline_lowered:
0x8: {  	[smem:$0x3FAC] =	sst s0  }
0x9: {  	[smem:$0x3FAD] =	sst s1  }
0xa: {  	[smem:$0x3FAE] =	sst s2  }
0xb: {  	[smem:$0x3FAF] =	sst s3  }
0xc: {  	[smem:$0x3FB0] =	sst s4  }
0xd: {  	[smem:$0x3FB1] =	sst s5  }
0xe: {  	[smem:$0x3FB2] =	sst s6  }
0xf: {  	[smem:$0x3FB3] =	sst s7  }
0x10: {  	[smem:$0x3FB4] =	sst s8  }
0x11: {  	[smem:$0x3FB5] =	sst s9;
	s0 =	simm.s32 @!p0 $0x0  }
0x12: {  	s1 =	sld [smem:$0x3F9B];
	s0 =	simm.s32 @p0 $0x1  }
0x13: {  	[smem:$0x3FB6] =	sst s0;
	s0 =	simm.s32 @!p1 $0x0  }
0x14: {  	s2 =	sld [smem:$0x3F9A];
	s0 =	simm.s32 @p1 $0x1  }
0x15: {  	[smem:$0x3FB7] =	sst s0;
	s0 =	simm.s32 @!p2 $0x0  }
0x16: {  	s3 =	sld [smem:$0x3FDB];
	s0 =	simm.s32 @p2 $0x1  }
0x17: {  	s4 =	simm.s32 $0x1BF5;
	[smem:$0x3FB9] =	sst s0  }
0x18: {  	s0 =	sld [smem:$0x3F9C];
	_ =	swait.ge [sflag:s4], $0x0  }
0x19: {  	s7 =	sld [smem:$0x3F9D]  }
0x1a: {  	s8 =	sadd.s32 $0xFFFFE003, lr  }
0x1b: {  	s9 =	sadd.s32 $0xFFFFFEF7, lr;
	s5 =	simm.s32 $0xFFFFFFFF;
	p2 =	slt.u32 s8, $0xFFFFF086  }
0x1c: {  	p1 =	slt.u32 s9, $0xF7A;
	s5 =	simm.s32 @!p2 $0x0  }
0x1d: {  	s5 =	simm.s32 @p1 $0x1;
	p0 =	seq.s32 s7, s2  }
0x1e: {  	s7 =	smul.u32 @!p0 $0xF7A, s2;
	p2 =	seq.s32 @!p0 s5, $0x0  }
0x1f: {  	s9 =	smul.u32 $0xF7A, s1;
	s8 =	simm.s32 @!p0 $0x1BF5;
	p2 =	por !p2, p0  }
0x20: {  	[sflag:s8] =	ssyncset.s32 @!p0 $0xFFFFF086;
	s6 =	sadd.s32 @!p0 s3, s7;
	s7 =	simm.s32 @!p0 $0x108  }
0x21: {  	s3 =	sadd.s32 s3, s9;
	s6 =	sadd.s32 @!p0 $0x88, s6;
	s7 =	simm.s32 @p2 $0x1082  }
0x22: {  	[simem:s7], [sflag:s8] =	dma.local @!p0 [hbm:s6], $0xF7A  }
0x23: {  	s9 =	sor.u32 $0xD0000000, s2;
	s6 =	simm.s32 $0x108;
	_ =	swait.ge @!p0 [sflag:s8], $0x0  }
0x24: {  	s3 =	sadd.s32 $0x88, s3;
	s6 =	simm.s32 @!p1 $0x1082;
	[sflag:s4] =	ssyncset.s32 $0xFFFFF086  }
0x25: {  	[simem:s6], [sflag:s4] =	dma.local [hbm:s3], $0xF7A  }
0x26: {  	[smem:$0x3F9D] =	sst s1;
	(tag) =	ssettag s2;
	_ =	strace s9  }
0x27: {  	s1 =	sld [smem:$0x3FAD]  }
0x28: {  	s2 =	sld [smem:$0x3FAE]  }
0x29: {  	s4 =	sld [smem:$0x3FB0]  }
0x2a: {  	p0 =	seq.s32 s5, $0x0;
	s5 =	sld [smem:$0x3FB1]  }
0x2b: {  	s6 =	sld [smem:$0x3FB2]  }
0x2c: {  	s7 =	sld [smem:$0x3FB3]  }
0x2d: {  	s3 =	simm.s32 $0x108;
	s8 =	sld [smem:$0x3FB4]  }
0x2e: {  	s3 =	simm.s32 @!p0 $0x1082;
	s9 =	sld [smem:$0x3FB5]  }
0x2f: {  	lr =	sadd.s32 s0, s3;
	s0 =	sld [smem:$0x3FAC]  }
0x30: {  	s3 =	sld [smem:$0x3FAF]  }
0x31: {  	[smem:$0x3FB8] =	sst s10  }
0x32: {  	s10 =	sld [smem:$0x3FB6];
	_ =	sdelay $0x3  }
0x33: {  	p0 =	seq.s32 s10, $0x1;
	s10 =	sld [smem:$0x3FB8];
	_ =	sdelay $0x3  }
0x34: {  	[smem:$0x3FB8] =	sst s10  }
0x35: {  	s10 =	sld [smem:$0x3FB7];
	_ =	sdelay $0x3  }
0x36: {  	p1 =	seq.s32 s10, $0x1;
	s10 =	sld [smem:$0x3FB8];
	_ =	sdelay $0x3  }
0x37: {  	[smem:$0x3FB8] =	sst s10  }
0x38: {  	s10 =	sld [smem:$0x3FB9]  }
0x39: {  	_ = 	snop;
	(pc) =	sbr.ind lr, $3  }
0x3a: {  	_ = 	snop  }
0x3b: {  	_ = 	snop  }
0x3c: {  	p2 =	seq.s32 s10, $0x1;
	s10 =	sld [smem:$0x3FB8]  }
0x3d: {  	_ =	shalt  }
0x3e: {  	_ =	shalt  }
0x3f: {  	_ =	shalt  }
0x40: {  	_ =	shalt  }
0x41: {  	_ =	shalt  }
0x42: {  	_ =	shalt  }
0x43: {  	_ =	shalt  }
0x44: {  	_ =	shalt  }
0x45: {  	_ =	shalt  }
0x46: {  	_ =	shalt  }
0x47: {  	_ =	shalt  }
0x48: {  	_ =	shalt  }
0x49: {  	_ =	shalt  }
0x4a: {  	_ =	shalt  }
0x4b: {  	_ =	shalt  }
0x4c: {  	_ =	shalt  }
0x4d: {  	_ =	shalt  }
0x4e: {  	_ =	shalt  }
0x4f: {  	_ =	shalt  }
0x50: {  	_ =	shalt  }
0x51: {  	_ =	shalt  }
0x52: {  	_ =	shalt  }
0x53: {  	_ =	shalt  }
0x54: {  	_ =	shalt  }
0x55: {  	_ =	shalt  }
0x56: {  	_ =	shalt  }
0x57: {  	_ =	shalt  }
0x58: {  	_ =	shalt  }
0x59: {  	_ =	shalt  }
0x5a: {  	_ =	shalt  }
0x5b: {  	_ =	shalt  }
0x5c: {  	_ =	shalt  }
0x5d: {  	_ =	shalt  }
0x5e: {  	_ =	shalt  }
0x5f: {  	_ =	shalt  }
0x60: {  	_ =	shalt  }
0x61: {  	_ =	shalt  }
0x62: {  	_ =	shalt  }
0x63: {  	_ =	shalt  }
0x64: {  	_ =	shalt  }
0x65: {  	_ =	shalt  }
0x66: {  	_ =	shalt  }
0x67: {  	_ =	shalt  }
0x68: {  	_ =	shalt  }
0x69: {  	_ =	shalt  }
0x6a: {  	_ =	shalt  }
0x6b: {  	_ =	shalt  }
0x6c: {  	_ =	shalt  }
0x6d: {  	_ =	shalt  }
0x6e: {  	_ =	shalt  }
0x6f: {  	_ =	shalt  }
0x70: {  	_ =	shalt  }
0x71: {  	_ =	shalt  }
0x72: {  	_ =	shalt  }
0x73: {  	_ =	shalt  }
0x74: {  	_ =	shalt  }
0x75: {  	_ =	shalt  }
0x76: {  	_ =	shalt  }
0x77: {  	_ =	shalt  }
0x78: {  	_ =	shalt  }
0x79: {  	_ =	shalt  }
0x7a: {  	_ =	shalt  }
0x7b: {  	_ =	shalt  }
0x7c: {  	_ =	shalt  }
0x7d: {  	_ =	shalt  }
0x7e: {  	_ =	shalt  }
0x7f: {  	_ =	shalt  }
0x80: {  	_ =	shalt  }
0x81: {  	_ =	shalt  }
0x82: {  	_ =	shalt  }
0x83: {  	_ =	shalt  }
0x84: {  	_ =	shalt  }
0x85: {  	_ =	shalt  }
0x86: {  	_ =	shalt  }
0x87: {  	_ =	shalt  }
.Lfunc_end0:
.L_simem_size_0:
called_computation_lowered:
.L_overlay_start_0:
0x88: {  	s2 =	sld [smem:$0x3FD9]  }
0x89: {  	s3 =	sld [smem:$0x3FFE];
	_ =	sdelay $0x1  }
0x8a: {  	s1 =	srdreg.scid  }
0x8b: {  	s0 =	sand.u32 $0x1, s1  }
0x8c: {  	s16 =	sshll.u32 s0, $0xA;
	s2 =	sadd.s32 s3, s2  }
0x8d: {  	s2 =	sadd.s32 s2, s16  }
0x8e: {  	[smem:$0x3FC4] =	sst s2  }
0x8f: {  	_ = 	snop  }
0x90: {  	(tm) =	ssettm $0x1  }
0x91: {  	s17 =	sld [smem:$0x3FFB];
	_ =	sdelay $0x3  }
0x92: {  	_ =	strace s17  }
0x93: {  	s2 =	sld [smem:$0x3FFC];
	_ =	sdelay $0x3  }
0x94: {  	_ =	strace s2  }
0x95: {  	s2 =	sld [smem:$0x3FFD];
	_ =	sdelay $0x3  }
0x96: {  	_ =	strace s2  }
0x97: {  	_ =	strace $0x8FFFFFFF  }
0x98: {  	s18 =	sld [smem:$0x3FDB];
	_ =	sdelay $0x1  }
0x99: {  	s19 =	simm.s32 $_scs_section_size  }
0x9a: {  	s4 =	simm.s32 $_size__tile_overlayer_lowered;
	s5 =	simm.s32 $_tile_overlayer_lowered  }
0x9b: {  	s22 =	simm.s32 $0x1BFF;
	s21 =	sshll.u32 s5, $0x1;
	s2 =	sadd.s32 s19, s18  }
0x9c: {  	s6 =	simm.s32 $0x0;
	s20 =	sshll.u32 s4, $0x1;
	s4 =	sadd.s32 s21, s2  }
0x9d: {  	[timem:s6], [sflag:s22] =	dma.local [hbm:s4], s20  }
0x9e: {  	_ =	swait.ge [sflag:s22], s20  }
0x9f: {  	s3 =	ssub.s32 $0x0, s20;
	[sflag:s22] =	ssyncset.done $0x0  }
0xa0: {  	[sflag:s22] =	ssyncadd.s32 s3;
	_ =	sdelay $0x1  }
0xa1: {  	s23 =	simm.s32 $0x1B8B  }
0xa2: {  	_ =	swait.ge [sflag:s23], $0x1  }
0xa3: {  	[sflag:s23] =	ssyncset.done $0x0  }
0xa4: {  	s25 =	simm.s32 $0x1B8E;
	s24 =	sld [smem:$0x3FFE];
	[sflag:s23] =	ssyncadd.s32 $0xFFFFFFFF  }
0xa5: {  	s26 =	simm.s32 $execute0_lowered;
	[smem:$0x3FD2] =	sst s25  }
0xa6: {  	s4 =	sshll.u32 s26, $0x1;
	_ =	strace $0x80000046;
	[dreg:$0x1] =	wrdreg $0xFFFFFFFF  }
0xa7: {  	s28 =	simm.s32 $_size_execute0_lowered;
	s2 =	sadd.s32 s2, s4;
	[dreg:$0x0] =	wrdreg $0x0  }
0xa8: {  	s4 =	sshll.u32 s28, $0x1;
	[dreg:$0x2] =	wrdreg s2  }
0xa9: {  	[dreg:$0x3] =	wrdreg s4  }
0xaa: {  	[dreg:$0x4] =	wrdreg $0xC0  }
0xab: {  	_ =	task [dreg:s6], $0x5FFFF  }
0xac: {  	[dreg:$0x1] =	wrdreg $0xFFFFFFFF  }
0xad: {  	[dreg:$0x0] =	wrdreg $0x60  }
0xae: {  	[dreg:$0x2] =	wrdreg s24  }
0xaf: {  	[dreg:$0x3] =	wrdreg $0x28800  }
0xb0: {  	[dreg:$0x4] =	wrdreg $0x9  }
0xb1: {  	_ =	task.clear_ibuf [dreg:s6], $0x5FFFF;
	_ =	strace $0x90000046  }
0xb2: {  	s29 =	simm.s32 $0x9;
	_ =	strace $0x80000048  }
0xb3: {  	_ =	swait.ge [sflag:s29], $0x1  }
0xb4: {  	[sflag:s29] =	ssyncadd.s32 $0xFFFFFFFF  }
0xb5: {  	_ =	strace $0x90000048  }
0xb6: {  	_ =	sfence  }
0xb7: {  	s30 =	sld [smem:$0x0];
	_ =	sdelay $0x2  }
0xb8: {  	s31 =	sshll.u32 s1, $0xD;
	s1 =	sshrl.u32 s1, $0x2  }
0xb9: {  	s3 =	sand.u32 $0x4000, s31;
	s1 =	sadd.s32 s1, s30  }
0xba: {  	s0 =	sor.u32 s3, s0;
	s1 =	sshll.u32 s1, $0x11  }
0xbb: {  	s0 =	sor.u32 s1, s0  }
0xbc: {  	s0 =	sadd.s32 $0x8F2B, s0  }
0xbd: {  	[sflag:s0] =	ssyncadd.remote.s32 $0x1  }
0xbe: {  	_ =	sfence.sel $0xFFFF  }
0xbf: {  	[dreg:$0x0] =	wrdreg $0xFFFFFFFF;
	(pc) =	sbr.abs _section_cstart, $3  }
0xc0: {  	[dreg:$0x1] =	wrdreg $0xFFFFFFFF  }
0xc1: {  	_ =	task.clear_ibuf [dreg:s6], $0x2FFFF;
	_ =	strace $0x9FFFFFFF  }
0xc2: {  	(tm) =	ssettm $0x7FFFFFFF  }
0xc3: {  	_ =	shalt  }
tec
execute0_lowered:
.L_overlay_start_1:
0x0: {  	(tag) =	ssettag $0x1  }
0x1: {  	s5 =	rddreg [dreg:$0x0]  }
0x2: {  	s0 =	srdreg.scid;
	s2 =	rddreg [dreg:$0x1];
	s3 =	simm.s32 $0x0  }
0x3: {  	s11 =	simm.s32 $0x80;
	s12 =	simm.s32 $0x2800;
	s13 =	simm.s32 $0x20  }
0x4: {  	s14 =	simm.s32 $0x10;
	s15 =	simm.s32 $0x0;
	s4 =	sand.u32 $0x1, s0  }
0x5: {  	s0 =	stileid.u32;
	[smem:$0x7FF] =	sst s3;
	s1 =	sshll.u32 s4, $0x4  }
0x6: {  	s7 =	smul.u32 $0x500, s0;
	s8 =	sshll.u32 s4, $0x7;
	s28 =	ssub.s32 $0x2, s4  }
0x7: {  	s9 =	smul.u32 $0xA00, s0;
	s4 =	sadd.s32 $0xB600, s5;
	s1 =	sor.u32 s0, s1  }
0x8: {  	s31 =	sshll.u32 s0, $0x6;
	s29 =	sshrl.u32 s28, $0x1;
	s6 =	smul.u32 $0x500, s1  }
0x9: {  	s1 =	rddreg [dreg:$0x2];
	_ =	strace $0x80000047;
	s7 =	sor.u32 s8, s7  }
0xa: {  	s8 =	ssub.s32 s28, s29;
	s30 =	sshrl.u32 s9, $0x2;
	s7 =	sshrl.u32 s7, $0x3  }
0xb: {  	s10 =	sadd.s32 s30, s2;
	s8 =	smax.u32 s8, $0x1;
	s6 =	sadd.s32 s6, s5  }
0xc: {  	s7 =	sadd.s32 s7, s5;
	s5 =	sor.u32 $0x1C01, s31;
	s9 =	sshrl.u32 s10, $0x3  }
0xd: {  	v0 =	vimm.f32 $1.000000000e+00;
	s10 =	simm.s32 $0x1;
	s6 =	sadd.s32 $0x1600, s6;
	s7 =	sadd.s32 $0xB800, s7  }
.LBB2_1:
0xe: {  	[spmem:s9], [sflag:s5] =	dma.local [hbm:s4], $0x50  }
0xf: {  	_ =	swait.ge [sflag:s10], $0x50  }
0x10: {  	[sflag:s10] =	ssyncset.done $0x0  }
0x11: {  	[sflag:s10] =	ssyncadd.s32 $0xFFFFFFB0  }
0x12: {  	[tilespmem:$0x2800] =	vst v0  }
0x13: {  	[tilespmem:$0x2810] =	vst v0  }
0x14: {  	[tilespmem:$0x2820] =	vst v0  }
0x15: {  	[tilespmem:$0x2830] =	vst v0  }
0x16: {  	[tilespmem:$0x2840] =	vst v0  }
0x17: {  	[tilespmem:$0x2850] =	vst v0  }
0x18: {  	[tilespmem:$0x2860] =	vst v0  }
0x19: {  	[tilespmem:$0x2870] =	vst v0  }
0x1a: {  	[tilespmem:s3], [sflag:$0x1] =	stream.linear.gather [hbm4b:s6+s3], $0x2800, $0x38;
	[tilespmem:$0x2B00] =	vst v63  }
0x1b: {  	_ =	swait.ge [sflag:s10], $0x2800  }
0x1c: {  	[sflag:s10] =	ssyncset.done $0x0  }
0x1d: {  	[sflag:s10] =	ssyncadd.s32 $0xFFFFD800  }
0x1e: {  	s16 =	simm.s32 $0x0;
	[bflag:$0x0] =	sbarrier.arrive $0xFFFF  }
0x1f: {  	[spmem:s2] =	stream.indirect.scatter.add.f32 [tilespmem:s12], [sflag:$0x1], $0x1, s16, s11, $0xb8;
	[tilespmem:$0x2B00] =	vst v63  }
0x20: {  	_ =	swait.ge [sflag:s10], $0x80  }
0x21: {  	s16 =	simm.s32 $0x200;
	[sflag:s10] =	ssyncset.done $0x0  }
.LBB2_2:
0x22: {  	s17 =	sshra.s32 s16, $0x2;
	[sflag:s10] =	ssyncadd.s32 $0xFFFFFF80;
	p0 =	sne.s32 s16, $0x9E00  }
0x23: {  	[spmem:s2] =	stream.indirect.scatter.add.f32 [tilespmem:s12], [sflag:$0x1], $0x1, s17, s11, $0xb8;
	[tilespmem:$0x2B00] =	vst v63  }
.Ltmp0:
0x24: {  	_ = 	snop;
	(pc) =	sbr.rel @p0 .LBB2_2-.Ltmp0, $4  }
0x25: {  	_ = 	snop  }
0x26: {  	s16 =	sadd.s32 $0x200, s16  }
0x27: {  	_ =	swait.ge [sflag:s10], $0x80  }
0x28: {  	[sflag:s10] =	ssyncset.done $0x0  }
0x29: {  	s15 =	sadd.s32 $0x1, s15  }
0x2a: {  	[sflag:s10] =	ssyncadd.s32 $0xFFFFFF80;
	p0 =	sne.s32 s15, s8  }
.Ltmp1:
0x2b: {  	[bflag:$0x0] =	sbarrier.arrive $0xFFFF;
	(pc) =	sbr.rel @p0 .LBB2_1-.Ltmp1, $4  }
0x2c: {  	[hbm:s7@s13], [sflag:s5] =	dma.strided [spmem:s9@s14], $0x50, s10, $0x10   }
0x2d: {  	_ =	swait.ge [sflag:s10], $0x50  }
0x2e: {  	[sflag:s10] =	ssyncset.done $0x0  }
0x2f: {  	[sflag:s10] =	ssyncadd.s32 $0xFFFFFFB0  }
0x30: {  	_ =	sfence.sel $0x180000  }
0x31: {  	[bflag:$0x0] =	sbarrier.arrive $0xFFFF  }
0x32: {  	p0 =	sne.s32 s0, $0x0;
	_ =	strace $0x90000047  }
0x33: {  	s0 =	sadd.s32 @!p0 $0x100000, s1;
	[bflag:$0x2] =	sbarrier.arrive $0xFFFF  }
0x34: {  	[sflag:s0] =	ssyncadd.tile.s32 @!p0 $0x1;
	_ =	shalt  }
.Lfunc_end2:
_tile_overlayer_lowered:
.L_overlay_start_2:
0x35: {  	(tag) =	ssettag $0x2  }
0x36: {  	s0 =	rddreg [dreg:$0x0];
	s2 =	stileid.u32  }
0x37: {  	s1 =	rddreg [dreg:$0x1];
	p0 =	sne.s32 s2, $0x0  }
0x38: {  	s3 =	rddreg [dreg:$0x2];
	[bflag:$0x3] =	sbarrier.arrive $0xFFFF;
	s2 =	simm.s32 @!p0 $0x1C01  }
0x39: {  	[timem:s3], [sflag:s2] =	dma.local @!p0 [hbm:s0], s1  }
0x3a: {  	s0 =	simm.s32 @!p0 $0x1  }
0x3b: {  	_ =	swait.ge @!p0 [sflag:s0], s1  }
0x3c: {  	s1 =	ssub.s32 @!p0 $0x0, s1;
	[sflag:s0] =	ssyncset.done @!p0 $0x0  }
0x3d: {  	[sflag:s0] =	ssyncadd.s32 @!p0 s1  }
0x3e: {  	[bflag:$0x3] =	sbarrier.arrive $0xFFFF  }
0x3f: {  	_ =	shalt  }

</sc_bundles>
